<compile_context>
chip_gen: v7x
topology: tpu7x:2x2x1
jax: 0.10.2.dev20260603
libtpu: 0.0.44.dev20260713+nightly
codegen_flags: <defaults>
</compile_context>

<pallas_src>
import functools

import jax
import jax.numpy as jnp
from jax import lax
from jax.experimental import pallas as pl
from jax.experimental.pallas import tpu as pltpu
from jax.experimental.pallas import tpu_sc as plsc

N = 10000
E = 320000
D = 128
NG = 64
NP = 10240
NC, NS = 2, 16
NW = NC * NS
K = 125
EPW = E // NW
NCH = EPW // K
PW = 64
ZC = 80
RPS = NP // NS
BR = 1024
GRID = NP // BR


def _sc_mesh():
    return plsc.VectorSubcoreMesh(core_axis_name="c", subcore_axis_name="s")


@functools.partial(
    pl.kernel,
    out_type=jax.ShapeDtypeStruct((NC, NP), jnp.float32),
    mesh=_sc_mesh(),
    scratch_types=[
        pltpu.VMEM((NCH, K), jnp.int32),
        pltpu.VMEM((RPS,), jnp.float32),
        pltpu.VMEM_SHARED((NP,), jnp.float32),
    ],
)
def _deg_kernel(dst2_hbm, out_hbm, dstv, const_v, deg_sh):
    cid = lax.axis_index("c")
    sid = lax.axis_index("s")
    wid = cid * NS + sid

    def fill(val):
        def body(i, _):
            const_v[pl.ds(i * 16, 16)] = jnp.full((16,), val, jnp.float32)
            return 0
        lax.fori_loop(0, RPS // 16, body, 0)

    fill(0.0)
    pltpu.sync_copy(const_v, deg_sh.at[pl.ds(sid * RPS, RPS)])
    pltpu.sync_copy(dst2_hbm.at[pl.ds(wid * NCH, NCH)], dstv)
    fill(1.0)
    plsc.subcore_barrier()

    def body(j, _):
        pltpu.sync_copy(const_v.at[pl.ds(0, K)], deg_sh.at[dstv.at[j]], add=True)
        return 0
    lax.fori_loop(0, NCH, body, 0)

    plsc.subcore_barrier()
    pltpu.sync_copy(deg_sh.at[pl.ds(sid * RPS, RPS)],
                    out_hbm.at[cid, pl.ds(sid * RPS, RPS)])


def _zero_fill(buf, p_sh, sid):
    def zbody(i, _):
        r = i // (D // 16)
        c = (i % (D // 16)) * 16
        buf[r, pl.ds(c, 16)] = jnp.zeros((16,), jnp.float32)
        return 0
    lax.fori_loop(0, K * (D // 16), zbody, 0)
    for k in range(RPS // ZC):
        pltpu.sync_copy(buf.at[pl.ds(0, ZC)],
                        p_sh.at[pl.ds(sid * RPS + k * ZC, ZC)])


def _prop_pass(m_hbm, sdv, buf, sem, p_sh):
    def body(j, _):
        pltpu.async_copy(m_hbm.at[sdv.at[j, 0]], buf, sem).wait()
        pltpu.sync_copy(buf, p_sh.at[sdv.at[j, 1]], add=True)
        return 0
    lax.fori_loop(0, NCH, body, 0)


@functools.partial(
    pl.kernel,
    out_type=jax.ShapeDtypeStruct((NC, NP, D), jnp.float32),
    mesh=_sc_mesh(),
    scratch_types=[
        pltpu.VMEM((NCH, 2, K), jnp.int32),
        pltpu.VMEM((K, D), jnp.float32),
        pltpu.VMEM_SHARED((NP, D), jnp.float32),
        pltpu.SemaphoreType.DMA,
    ],
)
def _prop_kernel(m_hbm, sd_hbm, out_hbm,
                 sdv, buf, p_sh, sem):
    cid = lax.axis_index("c")
    sid = lax.axis_index("s")
    wid = cid * NS + sid

    _zero_fill(buf, p_sh, sid)
    pltpu.sync_copy(sd_hbm.at[pl.ds(wid * NCH, NCH)], sdv)
    plsc.subcore_barrier()

    _prop_pass(m_hbm, sdv, buf, sem, p_sh)

    plsc.subcore_barrier()
    pltpu.sync_copy(p_sh.at[pl.ds(sid * RPS, RPS)],
                    out_hbm.at[cid, pl.ds(sid * RPS, RPS)])


@functools.partial(
    pl.kernel,
    out_type=(jax.ShapeDtypeStruct((NC, NP, D), jnp.float32),
              jax.ShapeDtypeStruct((NC, NP, D), jnp.float32)),
    mesh=_sc_mesh(),
    scratch_types=[
        pltpu.VMEM((NCH, 2, K), jnp.int32),
        pltpu.VMEM((K, D), jnp.float32),
        pltpu.VMEM_SHARED((NP, D), jnp.float32),
        pltpu.SemaphoreType.DMA,
    ],
)
def _prop2_kernel(ma_hbm, mb_hbm, sd_hbm, oa_hbm, ob_hbm,
                  sdv, buf, p_sh, sem):
    cid = lax.axis_index("c")
    sid = lax.axis_index("s")
    wid = cid * NS + sid

    pltpu.sync_copy(sd_hbm.at[pl.ds(wid * NCH, NCH)], sdv)

    for m_hbm, o_hbm in ((ma_hbm, oa_hbm), (mb_hbm, ob_hbm)):
        _zero_fill(buf, p_sh, sid)
        plsc.subcore_barrier()
        _prop_pass(m_hbm, sdv, buf, sem, p_sh)
        plsc.subcore_barrier()
        pltpu.sync_copy(p_sh.at[pl.ds(sid * RPS, RPS)],
                        o_hbm.at[cid, pl.ds(sid * RPS, RPS)])


def _dinv_block(degp):
    return lax.rsqrt(degp[0] + degp[1] + 1.0)


def _pre1_body(x_ref, w1_ref, degp_ref, m1_ref):
    dinv = _dinv_block(degp_ref[...])
    h = jnp.dot(x_ref[...], w1_ref[...], preferred_element_type=jnp.float32)
    m1_ref[...] = h * dinv[:, None]


def _mid_body(p1_ref, m1_ref, degp_ref, b1_ref, w2_ref, ma_ref, mb_ref):
    dinv = _dinv_block(degp_ref[...])
    p = p1_ref[0] + p1_ref[1] + m1_ref[...]
    h1 = jax.nn.relu(p * dinv[:, None] + b1_ref[...][None, :])
    h2 = jnp.dot(h1, w2_ref[...], preferred_element_type=jnp.float32)
    m2 = h2 * dinv[:, None]
    ma_ref[...] = m2[:, :D]
    mb_ref[...] = m2[:, D:]


def _post2_body(p2a_ref, p2b_ref, ma_ref, mb_ref, degp_ref, b2_ref, batch_ref,
                gm_ref):
    i = pl.program_id(0)

    @pl.when(i == 0)
    def _():
        gm_ref[...] = jnp.zeros_like(gm_ref)

    dinv = _dinv_block(degp_ref[...])
    pa = p2a_ref[0] + p2a_ref[1] + ma_ref[...]
    pb = p2b_ref[0] + p2b_ref[1] + mb_ref[...]
    p = jnp.concatenate([pa, pb], axis=1)
    h2 = jax.nn.relu(p * dinv[:, None] + b2_ref[...][None, :])
    bb = batch_ref[0, 0]

    def gbody(g, _):
        row = jnp.max(jnp.where(bb[:, None] == g, h2, 0.0), axis=0,
                      keepdims=True)
        gm_ref[pl.ds(g, 1), :] = jnp.maximum(gm_ref[pl.ds(g, 1), :], row)
        return 0
    lax.fori_loop(0, NG, gbody, 0)


def _head_body(gm_ref, wg1_ref, bg1_ref, wg2_ref, bg2_ref, wo_ref, bo_ref,
               out_ref):
    z = jax.nn.relu(
        jnp.dot(gm_ref[...], wg1_ref[...], preferred_element_type=jnp.float32)
        + bg1_ref[...][None, :])
    z = jnp.dot(z, wg2_ref[...], preferred_element_type=jnp.float32)
    z = z + bg2_ref[...][None, :]
    out_ref[...] = (
        jnp.dot(z, wo_ref[...], preferred_element_type=jnp.float32)
        + bo_ref[...][None, :])


def _row_spec(cols):
    return pl.BlockSpec((BR, cols), lambda i: (i, 0))


def _half_spec():
    return pl.BlockSpec((NC, BR, PW), lambda i: (0, i, 0))


def _full_spec(shape):
    nd = len(shape)
    return pl.BlockSpec(shape, (lambda *_: (0,) * nd))


def _half_sds():
    return jax.ShapeDtypeStruct((NP, PW), jnp.float32)


def kernel(x, edge_index, batch, W1, b1, W2, b2, Wg1, bg1, Wg2, bg2, Wo, bo):
    src2 = edge_index[0].reshape(E // K, K)
    dst2 = edge_index[1].reshape(E // K, K)
    sd2 = jnp.stack([src2, dst2], axis=1)
    x_p = jnp.pad(x, ((0, NP - N), (0, 0)))
    batch3 = jnp.pad(batch, (0, NP - N), constant_values=NG).reshape(GRID, 1, BR)

    deg_parts = _deg_kernel(dst2)

    m1 = pl.pallas_call(
        _pre1_body,
        grid=(GRID,),
        in_specs=[
            _row_spec(D),
            _full_spec((D, D)),
            pl.BlockSpec((NC, BR), lambda i: (0, i)),
        ],
        out_specs=_row_spec(D),
        out_shape=jax.ShapeDtypeStruct((NP, D), jnp.float32),
    )(x_p, W1, deg_parts)

    p1 = _prop_kernel(m1, sd2)

    m2a, m2b = pl.pallas_call(
        _mid_body,
        grid=(GRID,),
        in_specs=[
            pl.BlockSpec((NC, BR, D), lambda i: (0, i, 0)),
            _row_spec(D),
            pl.BlockSpec((NC, BR), lambda i: (0, i)),
            _full_spec((D,)),
            _full_spec((D, 2 * D)),
        ],
        out_specs=[_row_spec(D), _row_spec(D)],
        out_shape=[jax.ShapeDtypeStruct((NP, D), jnp.float32),
                   jax.ShapeDtypeStruct((NP, D), jnp.float32)],
    )(p1, m1, deg_parts, b1, W2)

    p2a, p2b = _prop2_kernel(m2a, m2b, sd2)

    gm = pl.pallas_call(
        _post2_body,
        grid=(GRID,),
        in_specs=[
            pl.BlockSpec((NC, BR, D), lambda i: (0, i, 0)),
            pl.BlockSpec((NC, BR, D), lambda i: (0, i, 0)),
            _row_spec(D),
            _row_spec(D),
            pl.BlockSpec((NC, BR), lambda i: (0, i)),
            _full_spec((2 * D,)),
            pl.BlockSpec((1, 1, BR), lambda i: (i, 0, 0)),
        ],
        out_specs=_full_spec((NG, 2 * D)),
        out_shape=jax.ShapeDtypeStruct((NG, 2 * D), jnp.float32),
    )(p2a, p2b, m2a, m2b, deg_parts, b2, batch3)

    out = pl.pallas_call(
        _head_body,
        in_specs=[
            _full_spec((NG, 2 * D)),
            _full_spec((2 * D, 1024)),
            _full_spec((1024,)),
            _full_spec((1024, D)),
            _full_spec((D,)),
            _full_spec((D, 1)),
            _full_spec((1,)),
        ],
        out_specs=_full_spec((NG, 1)),
        out_shape=jax.ShapeDtypeStruct((NG, 1), jnp.float32),
    )(gm, Wg1, bg1, Wg2, bg2, Wo, bo)

    return out

# --- scband reference (transcript-rebuilt; emitter-appended) ---
"""Pipeline reference for scband-gcn-24446953849254 (READ-ONLY COPY).

The authoritative reference and input builder live on the scoring server;
editing this copy changes nothing except your own understanding.
"""

import jax, jax.numpy as jnp
import numpy as np

N = 10000
E = 320000
D = 128
NG = 64


def gcn_conv(x, src, dst, W, b, n):
    # Kipf-Welling GCN layer: D^{-1/2} (A + I) D^{-1/2} X W + b
    loop = jnp.arange(n, dtype=src.dtype)
    s = jnp.concatenate([src, loop])
    d = jnp.concatenate([dst, loop])
    deg = jnp.zeros((n,), jnp.float32).at[d].add(1.0)
    dinv = jax.lax.rsqrt(jnp.maximum(deg, 1.0))
    norm = dinv[s] * dinv[d]
    h = x @ W
    msg = h[s] * norm[:, None]
    out = jnp.zeros((n, h.shape[1]), jnp.float32).at[d].add(msg)
    return out + b


def setup_inputs(seed: int = 0) -> dict:
    key = jax.random.key(seed)
    ks = jax.random.split(key, 16)
    inp = {}
    inp["x"] = jax.random.normal(ks[0], (N, D), dtype=jnp.float32)
    inp["edge_index"] = jax.random.randint(ks[1], (2, E), 0, N, dtype=jnp.int32)
    inp["batch"] = jnp.sort(jax.random.randint(ks[2], (N,), 0, NG, dtype=jnp.int32))

    def lin(k, fi, fo):
        return (jax.random.normal(k, (fi, fo), dtype=jnp.float32) / np.sqrt(fi)).astype(jnp.float32)

    inp["W1"] = lin(ks[3], D, 128)
    inp["b1"] = jnp.zeros((128,), jnp.float32)
    inp["W2"] = lin(ks[4], 128, 256)
    inp["b2"] = jnp.zeros((256,), jnp.float32)
    inp["Wg1"] = lin(ks[5], 256, 1024)
    inp["bg1"] = jnp.zeros((1024,), jnp.float32)
    inp["Wg2"] = lin(ks[6], 1024, 128)
    inp["bg2"] = jnp.zeros((128,), jnp.float32)
    inp["Wo"] = lin(ks[7], 128, 1)
    inp["bo"] = jnp.zeros((1,), jnp.float32)
    return inp


def reference(x, edge_index, batch, W1, b1, W2, b2, Wg1, bg1, Wg2, bg2, Wo, bo):
    src = edge_index[0]
    dst = edge_index[1]
    h = gcn_conv(x, src, dst, W1, b1, N)
    h = jax.nn.relu(h)
    h = gcn_conv(h, src, dst, W2, b2, N)
    h = jax.nn.relu(h)
    # global max pool per graph (gmp)
    gm = jax.ops.segment_max(h, batch, num_segments=NG)
    gm = jnp.where(jnp.isfinite(gm), gm, 0.0)
    z = jax.nn.relu(gm @ Wg1 + bg1)
    # dropout is identity in eval mode
    z = z @ Wg2 + bg2
    out = z @ Wo + bo
    return out

if __name__ == "__main__":
    import jax
    _d = setup_inputs()
    print(jax.jit(kernel)(*tuple(_d.values())))

</pallas_src>

<mosaic_0001>
#map = affine_map<(d0, d1) -> (0, 0)>
module attributes {stable_mosaic.version = 14 : i64} {
  func.func @_deg_kernel(%arg0: i32, %arg1: i32, %arg2: memref<2560x125xi32, #tpu.memory_space<hbm>>, %arg3: memref<2x10240xf32, #tpu.memory_space<hbm>>, %arg4: memref<80x125xi32, #tpu.memory_space<vmem>>, %arg5: memref<640xf32, #tpu.memory_space<vmem>>, %arg6: memref<10240xf32, #tpu.memory_space<vmem_shared>>) attributes {dimension_semantics = [#tpu.dimension_semantics<core_parallel>, #tpu.dimension_semantics<subcore_parallel>], iteration_bounds = array<i64: 2, 16>, scalar_prefetch = 0 : i64, scratch_operands = 3 : i64, tpu.core_type = #tpu.core_type<sc_vector_subcore>, window_params = [{transform_indices = #map}, {transform_indices = #map}]} {
    %mul3A = arith.constant 16 : i32
    %mul3A_0 = arith.muli %arg0, %mul3A : i32
    %add3A = arith.addi %mul3A_0, %arg1 : i32
    %scan3A = arith.constant 0 : i32
    %scan3A_1 = arith.constant 0 : i32
    %scan3A_2 = arith.constant 40 : i32
    %scan3A_3 = arith.addi %scan3A_1, %scan3A_2 : i32
    %scan3A_4 = arith.constant 1 : i32
    %scan3A_5 = scf.for %scan3A_30 = %scan3A_1 to %scan3A_3 step %scan3A_4 iter_args(%scan3A_31 = %scan3A) -> (i32)  : i32 {
      %broadcast_in_dim3A = arith.constant 0.000000e+00 : f32
      %broadcast_in_dim3A_32 = vector.broadcast %broadcast_in_dim3A : f32 to vector<16xf32>
      %mul3A_33 = arith.constant 16 : i32
      %mul3A_34 = arith.muli %scan3A_30, %mul3A_33 : i32
      %swap3A = arith.index_cast %mul3A_34 : i32 to index
      %swap3A_35 = tpu.vector_load %arg5[%swap3A] {strides = array<i32>} : memref<640xf32, #tpu.memory_space<vmem>>, vector<16xf32>,
      %swap3A_36 = vector.shape_cast %swap3A_35 : vector<16xf32> to vector<16xf32>
      %swap3A_37 = vector.shape_cast %broadcast_in_dim3A_32 : vector<16xf32> to vector<16xf32>
      tpu.vector_store %arg5[%swap3A], %swap3A_37 {strides = array<i32>} : memref<640xf32, #tpu.memory_space<vmem>>, vector<16xf32>,
      %scan3A_38 = arith.constant 0 : i32
      scf.yield %scan3A_38 : i32
    }
    %scan3A_6 = arith.constant 40 : i32
    %mul3A_7 = arith.constant 640 : i32
    %mul3A_8 = arith.muli %arg1, %mul3A_7 : i32
    "tpu.region"() ({
      %run_scoped3A = tpu.sem_alloc : memref<!tpu.dma_semaphore, #tpu.memory_space<semaphore_mem>>
      %dma_start3A = tpu.memref_slice %arg6[%mul3A_8] : memref<10240xf32, #tpu.memory_space<vmem_shared>> -> memref<640xf32, #tpu.memory_space<vmem_shared>>
      %dma_start3A_30 = tpu.memref_slice %arg6[%mul3A_8] : memref<10240xf32, #tpu.memory_space<vmem_shared>> -> memref<640xf32, #tpu.memory_space<vmem_shared>>
      tpu.enqueue_dma source(%arg5 : memref<640xf32, #tpu.memory_space<vmem>>) target(%dma_start3A_30 : memref<640xf32, #tpu.memory_space<vmem_shared>>) target_semaphore(%run_scoped3A : memref<!tpu.dma_semaphore, #tpu.memory_space<semaphore_mem>>)
      %dma_wait3A = tpu.memref_slice %arg6[%mul3A_8] : memref<10240xf32, #tpu.memory_space<vmem_shared>> -> memref<640xf32, #tpu.memory_space<vmem_shared>>
      %dma_wait3A_31 = tpu.memref_slice %arg6[%mul3A_8] : memref<10240xf32, #tpu.memory_space<vmem_shared>> -> memref<640xf32, #tpu.memory_space<vmem_shared>>
      tpu.wait_dma2 semaphore(%run_scoped3A : memref<!tpu.dma_semaphore, #tpu.memory_space<semaphore_mem>>) src(%arg5 : memref<640xf32, #tpu.memory_space<vmem>>) dst(%dma_wait3A_31 : memref<640xf32, #tpu.memory_space<vmem_shared>>)
      tpu.yield
    }) : () -> ()
    %mul3A_9 = arith.constant 80 : i32
    %mul3A_10 = arith.muli %add3A, %mul3A_9 : i32
    "tpu.region"() ({
      %run_scoped3A = tpu.sem_alloc : memref<!tpu.dma_semaphore, #tpu.memory_space<semaphore_mem>>
      %dma_start3A = arith.constant 0 : i32
      %dma_start3A_30 = tpu.memref_slice %arg2[%mul3A_10, %dma_start3A] : memref<2560x125xi32, #tpu.memory_space<hbm>> -> memref<80x125xi32, #tpu.memory_space<hbm>>
      %dma_start3A_31 = arith.constant 0 : i32
      %dma_start3A_32 = tpu.memref_slice %arg2[%mul3A_10, %dma_start3A_31] : memref<2560x125xi32, #tpu.memory_space<hbm>> -> memref<80x125xi32, #tpu.memory_space<hbm>>
      tpu.enqueue_dma source(%dma_start3A_32 : memref<80x125xi32, #tpu.memory_space<hbm>>) target(%arg4 : memref<80x125xi32, #tpu.memory_space<vmem>>) target_semaphore(%run_scoped3A : memref<!tpu.dma_semaphore, #tpu.memory_space<semaphore_mem>>)
      %dma_wait3A = arith.constant 0 : i32
      %dma_wait3A_33 = tpu.memref_slice %arg2[%mul3A_10, %dma_wait3A] : memref<2560x125xi32, #tpu.memory_space<hbm>> -> memref<80x125xi32, #tpu.memory_space<hbm>>
      %dma_wait3A_34 = arith.constant 0 : i32
      %dma_wait3A_35 = tpu.memref_slice %arg2[%mul3A_10, %dma_wait3A_34] : memref<2560x125xi32, #tpu.memory_space<hbm>> -> memref<80x125xi32, #tpu.memory_space<hbm>>
      tpu.wait_dma2 semaphore(%run_scoped3A : memref<!tpu.dma_semaphore, #tpu.memory_space<semaphore_mem>>) src(%dma_wait3A_35 : memref<80x125xi32, #tpu.memory_space<hbm>>) dst(%arg4 : memref<80x125xi32, #tpu.memory_space<vmem>>)
      tpu.yield
    }) : () -> ()
    %scan3A_11 = arith.constant 0 : i32
    %scan3A_12 = arith.constant 0 : i32
    %scan3A_13 = arith.constant 40 : i32
    %scan3A_14 = arith.addi %scan3A_12, %scan3A_13 : i32
    %scan3A_15 = arith.constant 1 : i32
    %scan3A_16 = scf.for %scan3A_30 = %scan3A_12 to %scan3A_14 step %scan3A_15 iter_args(%scan3A_31 = %scan3A_11) -> (i32)  : i32 {
      %broadcast_in_dim3A = arith.constant 1.000000e+00 : f32
      %broadcast_in_dim3A_32 = vector.broadcast %broadcast_in_dim3A : f32 to vector<16xf32>
      %mul3A_33 = arith.constant 16 : i32
      %mul3A_34 = arith.muli %scan3A_30, %mul3A_33 : i32
      %swap3A = arith.index_cast %mul3A_34 : i32 to index
      %swap3A_35 = tpu.vector_load %arg5[%swap3A] {strides = array<i32>} : memref<640xf32, #tpu.memory_space<vmem>>, vector<16xf32>,
      %swap3A_36 = vector.shape_cast %swap3A_35 : vector<16xf32> to vector<16xf32>
      %swap3A_37 = vector.shape_cast %broadcast_in_dim3A_32 : vector<16xf32> to vector<16xf32>
      tpu.vector_store %arg5[%swap3A], %swap3A_37 {strides = array<i32>} : memref<640xf32, #tpu.memory_space<vmem>>, vector<16xf32>,
      %scan3A_38 = arith.constant 0 : i32
      scf.yield %scan3A_38 : i32
    }
    %scan3A_17 = arith.constant 40 : i32
    %barrier3A = arith.constant 0 : index
    tpu.barrier barrier_id(%barrier3A)
    %scan3A_18 = arith.constant 0 : i32
    %scan3A_19 = arith.constant 0 : i32
    %scan3A_20 = arith.constant 80 : i32
    %scan3A_21 = arith.addi %scan3A_19, %scan3A_20 : i32
    %scan3A_22 = arith.constant 1 : i32
    %scan3A_23 = scf.for %scan3A_30 = %scan3A_19 to %scan3A_21 step %scan3A_22 iter_args(%scan3A_31 = %scan3A_18) -> (i32)  : i32 {
      "tpu.region"() ({
        %run_scoped3A = tpu.sem_alloc : memref<!tpu.dma_semaphore, #tpu.memory_space<semaphore_mem>>
        %dma_start3A = arith.constant 0 : i32
        %dma_start3A_33 = tpu.memref_slice %arg5[%dma_start3A] : memref<640xf32, #tpu.memory_space<vmem>> -> memref<125xf32, #tpu.memory_space<vmem>>
        %dma_start3A_34 = arith.constant 0 : i32
        %dma_start3A_35 = tpu.memref_slice %arg4[%scan3A_30, %dma_start3A_34] : memref<80x125xi32, #tpu.memory_space<vmem>> -> memref<1x125xi32, #tpu.memory_space<vmem>>
        %dma_start3A_36 = tpu.memref_squeeze %dma_start3A_35 : memref<1x125xi32, #tpu.memory_space<vmem>> -> memref<125xi32, #tpu.memory_space<vmem>>
        %dma_start3A_37 = arith.constant 0 : i32
        %dma_start3A_38 = tpu.memref_slice %arg6[%dma_start3A_37] : memref<10240xf32, #tpu.memory_space<vmem_shared>> -> memref<10240xf32, #tpu.memory_space<vmem_shared>>
        tpu.enqueue_indirect_dma source(%dma_start3A_33 : memref<125xf32, #tpu.memory_space<vmem>>) target(%dma_start3A_38 : memref<10240xf32, #tpu.memory_space<vmem_shared>>) offsets(%dma_start3A_36 : memref<125xi32, #tpu.memory_space<vmem>>) semaphore(%run_scoped3A : memref<!tpu.dma_semaphore, #tpu.memory_space<semaphore_mem>>) {add = true}
        %dma_wait3A = arith.constant 0 : i32
        %dma_wait3A_39 = tpu.memref_slice %arg5[%dma_wait3A] : memref<640xf32, #tpu.memory_space<vmem>> -> memref<125xf32, #tpu.memory_space<vmem>>
        %dma_wait3A_40 = arith.constant 0 : i32
        %dma_wait3A_41 = tpu.memref_slice %arg4[%scan3A_30, %dma_wait3A_40] : memref<80x125xi32, #tpu.memory_space<vmem>> -> memref<1x125xi32, #tpu.memory_space<vmem>>
        %dma_wait3A_42 = tpu.memref_squeeze %dma_wait3A_41 : memref<1x125xi32, #tpu.memory_space<vmem>> -> memref<125xi32, #tpu.memory_space<vmem>>
        %dma_wait3A_43 = arith.constant 0 : i32
        %dma_wait3A_44 = tpu.memref_slice %arg6[%dma_wait3A_43] : memref<10240xf32, #tpu.memory_space<vmem_shared>> -> memref<10240xf32, #tpu.memory_space<vmem_shared>>
        tpu.wait_indirect_dma semaphore(%run_scoped3A : memref<!tpu.dma_semaphore, #tpu.memory_space<semaphore_mem>>) src(%dma_wait3A_39 : memref<125xf32, #tpu.memory_space<vmem>>) dst(%dma_wait3A_44 : memref<10240xf32, #tpu.memory_space<vmem_shared>>)
        tpu.yield
      }) : () -> ()
      %scan3A_32 = arith.constant 0 : i32
      scf.yield %scan3A_32 : i32
    }
    %scan3A_24 = arith.constant 80 : i32
    %barrier3A_25 = arith.constant 0 : index
    tpu.barrier barrier_id(%barrier3A_25)
    %mul3A_26 = arith.constant 640 : i32
    %mul3A_27 = arith.muli %arg1, %mul3A_26 : i32
    %mul3A_28 = arith.constant 640 : i32
    %mul3A_29 = arith.muli %arg1, %mul3A_28 : i32
    "tpu.region"() ({
      %run_scoped3A = tpu.sem_alloc : memref<!tpu.dma_semaphore, #tpu.memory_space<semaphore_mem>>
      %dma_start3A = tpu.memref_slice %arg3[%arg0, %mul3A_29] : memref<2x10240xf32, #tpu.memory_space<hbm>> -> memref<1x640xf32, #tpu.memory_space<hbm>>
      %dma_start3A_30 = tpu.memref_squeeze %dma_start3A : memref<1x640xf32, #tpu.memory_space<hbm>> -> memref<640xf32, #tpu.memory_space<hbm>>
      %dma_start3A_31 = tpu.memref_slice %arg6[%mul3A_27] : memref<10240xf32, #tpu.memory_space<vmem_shared>> -> memref<640xf32, #tpu.memory_space<vmem_shared>>
      tpu.enqueue_dma source(%dma_start3A_31 : memref<640xf32, #tpu.memory_space<vmem_shared>>) target(%dma_start3A_30 : memref<640xf32, #tpu.memory_space<hbm>>) target_semaphore(%run_scoped3A : memref<!tpu.dma_semaphore, #tpu.memory_space<semaphore_mem>>)
      %dma_wait3A = tpu.memref_slice %arg3[%arg0, %mul3A_29] : memref<2x10240xf32, #tpu.memory_space<hbm>> -> memref<1x640xf32, #tpu.memory_space<hbm>>
      %dma_wait3A_32 = tpu.memref_squeeze %dma_wait3A : memref<1x640xf32, #tpu.memory_space<hbm>> -> memref<640xf32, #tpu.memory_space<hbm>>
      %dma_wait3A_33 = tpu.memref_slice %arg6[%mul3A_27] : memref<10240xf32, #tpu.memory_space<vmem_shared>> -> memref<640xf32, #tpu.memory_space<vmem_shared>>
      tpu.wait_dma2 semaphore(%run_scoped3A : memref<!tpu.dma_semaphore, #tpu.memory_space<semaphore_mem>>) src(%dma_wait3A_33 : memref<640xf32, #tpu.memory_space<vmem_shared>>) dst(%dma_wait3A_32 : memref<640xf32, #tpu.memory_space<hbm>>)
      tpu.yield
    }) : () -> ()
    return
  }
}

#map = affine_map<(d0, d1) -> (0, 0)>
#map1 = affine_map<(d0, d1) -> (0, 0, 0)>
module attributes {stable_mosaic.version = 14 : i64} {
  func.func @_prop_kernel(%arg0: i32, %arg1: i32, %arg2: memref<10240x128xf32, #tpu.memory_space<hbm>>, %arg3: memref<2560x2x125xi32, #tpu.memory_space<hbm>>, %arg4: memref<2x10240x128xf32, #tpu.memory_space<hbm>>, %arg5: memref<80x2x125xi32, #tpu.memory_space<vmem>>, %arg6: memref<125x128xf32, #tpu.memory_space<vmem>>, %arg7: memref<10240x128xf32, #tpu.memory_space<vmem_shared>>, %arg8: memref<!tpu.dma_semaphore, #tpu.memory_space<semaphore_mem>>) attributes {dimension_semantics = [#tpu.dimension_semantics<core_parallel>, #tpu.dimension_semantics<subcore_parallel>], iteration_bounds = array<i64: 2, 16>, scalar_prefetch = 0 : i64, scratch_operands = 4 : i64, tpu.core_type = #tpu.core_type<sc_vector_subcore>, window_params = [{transform_indices = #map}, {transform_indices = #map1}, {transform_indices = #map1}]} {
    %mul3A = arith.constant 16 : i32
    %mul3A_0 = arith.muli %arg0, %mul3A : i32
    %add3A = arith.addi %mul3A_0, %arg1 : i32
    %scan3A = arith.constant 0 : i32
    %scan3A_1 = arith.constant 0 : i32
    %scan3A_2 = arith.constant 1000 : i32
    %scan3A_3 = arith.addi %scan3A_1, %scan3A_2 : i32
    %scan3A_4 = arith.constant 1 : i32
    %scan3A_5 = scf.for %scan3A_53 = %scan3A_1 to %scan3A_3 step %scan3A_4 iter_args(%scan3A_54 = %scan3A) -> (i32)  : i32 {
      %jit3A = arith.constant 8 : i32
      %div3A = arith.divsi %scan3A_53, %jit3A : i32
      %sign3A = arith.constant 0 : i32
      %sign3A_55 = arith.cmpi sgt, %scan3A_53, %sign3A : i32
      %sign3A_56 = arith.extui %sign3A_55 : i1 to i32
      %sign3A_57 = arith.constant 0 : i32
      %sign3A_58 = arith.cmpi slt, %scan3A_53, %sign3A_57 : i32
      %sign3A_59 = arith.extui %sign3A_58 : i1 to i32
      %sign3A_60 = arith.subi %sign3A_56, %sign3A_59 : i32
      %sign3A_61 = arith.constant 0 : i32
      %sign3A_62 = arith.cmpi sgt, %jit3A, %sign3A_61 : i32
      %sign3A_63 = arith.extui %sign3A_62 : i1 to i32
      %sign3A_64 = arith.constant 0 : i32
      %sign3A_65 = arith.cmpi slt, %jit3A, %sign3A_64 : i32
      %sign3A_66 = arith.extui %sign3A_65 : i1 to i32
      %sign3A_67 = arith.subi %sign3A_63, %sign3A_66 : i32
      %ne3A = arith.cmpi ne, %sign3A_60, %sign3A_67 : i32
      %rem3A = arith.remsi %scan3A_53, %jit3A : i32
      %ne3A_68 = arith.constant 0 : i32
      %ne3A_69 = arith.cmpi ne, %rem3A, %ne3A_68 : i32
      %and3A = arith.andi %ne3A, %ne3A_69 : i1
      %sub3A = arith.constant 1 : i32
      %sub3A_70 = arith.subi %div3A, %sub3A : i32
      %select_n3A = arith.select %and3A, %sub3A_70, %div3A : i32
      %jit3A_71 = arith.constant 8 : i32
      %eq3A = arith.constant 0 : i32
      %eq3A_72 = arith.cmpi eq, %jit3A_71, %eq3A : i32
      %jit3A_73 = arith.constant 1 : i32
      %select_n3A_74 = arith.select %eq3A_72, %jit3A_73, %jit3A_71 : i32
      %rem3A_75 = arith.remsi %scan3A_53, %select_n3A_74 : i32
      %ne3A_76 = arith.constant 0 : i32
      %ne3A_77 = arith.cmpi ne, %rem3A_75, %ne3A_76 : i32
      %lt3A = arith.constant 0 : i32
      %lt3A_78 = arith.cmpi slt, %rem3A_75, %lt3A : i32
      %lt3A_79 = arith.constant 0 : i32
      %lt3A_80 = arith.cmpi slt, %select_n3A_74, %lt3A_79 : i32
      %ne3A_81 = arith.xori %lt3A_78, %lt3A_80 : i1
      %and3A_82 = arith.andi %ne3A_81, %ne3A_77 : i1
      %add3A_83 = arith.addi %rem3A_75, %select_n3A_74 : i32
      %select_n3A_84 = arith.select %and3A_82, %add3A_83, %rem3A_75 : i32
      %mul3A_85 = arith.constant 16 : i32
      %mul3A_86 = arith.muli %select_n3A_84, %mul3A_85 : i32
      %broadcast_in_dim3A = arith.constant 0.000000e+00 : f32
      %broadcast_in_dim3A_87 = vector.broadcast %broadcast_in_dim3A : f32 to vector<16xf32>
      %swap3A = arith.index_cast %select_n3A : i32 to index
      %swap3A_88 = arith.index_cast %mul3A_86 : i32 to index
      %swap3A_89 = tpu.vector_load %arg6[%swap3A, %swap3A_88] {strides = array<i32>} : memref<125x128xf32, #tpu.memory_space<vmem>>, vector<1x16xf32>,
      %swap3A_90 = vector.shape_cast %swap3A_89 : vector<1x16xf32> to vector<16xf32>
      %swap3A_91 = vector.shape_cast %broadcast_in_dim3A_87 : vector<16xf32> to vector<1x16xf32>
      tpu.vector_store %arg6[%swap3A, %swap3A_88], %swap3A_91 {strides = array<i32>} : memref<125x128xf32, #tpu.memory_space<vmem>>, vector<1x16xf32>,
      %scan3A_92 = arith.constant 0 : i32
      scf.yield %scan3A_92 : i32
    }
    %scan3A_6 = arith.constant 1000 : i32
    %mul3A_7 = arith.constant 640 : i32
    %mul3A_8 = arith.muli %arg1, %mul3A_7 : i32
    %add3A_9 = arith.constant 0 : i32
    %add3A_10 = arith.addi %mul3A_8, %add3A_9 : i32
    "tpu.region"() ({
      %run_scoped3A = tpu.sem_alloc : memref<!tpu.dma_semaphore, #tpu.memory_space<semaphore_mem>>
      %dma_start3A = arith.constant 0 : i32
      %dma_start3A_53 = arith.constant 0 : i32
      %dma_start3A_54 = tpu.memref_slice %arg6[%dma_start3A, %dma_start3A_53] : memref<125x128xf32, #tpu.memory_space<vmem>> -> memref<80x128xf32, #tpu.memory_space<vmem>>
      %dma_start3A_55 = arith.constant 0 : i32
      %dma_start3A_56 = tpu.memref_slice %arg7[%add3A_10, %dma_start3A_55] : memref<10240x128xf32, #tpu.memory_space<vmem_shared>> -> memref<80x128xf32, #tpu.memory_space<vmem_shared>>
      %dma_start3A_57 = arith.constant 0 : i32
      %dma_start3A_58 = tpu.memref_slice %arg7[%add3A_10, %dma_start3A_57] : memref<10240x128xf32, #tpu.memory_space<vmem_shared>> -> memref<80x128xf32, #tpu.memory_space<vmem_shared>>
      %dma_start3A_59 = arith.constant 0 : i32
      %dma_start3A_60 = arith.constant 0 : i32
      %dma_start3A_61 = tpu.memref_slice %arg6[%dma_start3A_59, %dma_start3A_60] : memref<125x128xf32, #tpu.memory_space<vmem>> -> memref<80x128xf32, #tpu.memory_space<vmem>>
      tpu.enqueue_dma source(%dma_start3A_61 : memref<80x128xf32, #tpu.memory_space<vmem>>) target(%dma_start3A_58 : memref<80x128xf32, #tpu.memory_space<vmem_shared>>) target_semaphore(%run_scoped3A : memref<!tpu.dma_semaphore, #tpu.memory_space<semaphore_mem>>)
      %dma_wait3A = arith.constant 0 : i32
      %dma_wait3A_62 = arith.constant 0 : i32
      %dma_wait3A_63 = tpu.memref_slice %arg6[%dma_wait3A, %dma_wait3A_62] : memref<125x128xf32, #tpu.memory_space<vmem>> -> memref<80x128xf32, #tpu.memory_space<vmem>>
      %dma_wait3A_64 = arith.constant 0 : i32
      %dma_wait3A_65 = tpu.memref_slice %arg7[%add3A_10, %dma_wait3A_64] : memref<10240x128xf32, #tpu.memory_space<vmem_shared>> -> memref<80x128xf32, #tpu.memory_space<vmem_shared>>
      %dma_wait3A_66 = arith.constant 0 : i32
      %dma_wait3A_67 = tpu.memref_slice %arg7[%add3A_10, %dma_wait3A_66] : memref<10240x128xf32, #tpu.memory_space<vmem_shared>> -> memref<80x128xf32, #tpu.memory_space<vmem_shared>>
      %dma_wait3A_68 = arith.constant 0 : i32
      %dma_wait3A_69 = arith.constant 0 : i32
      %dma_wait3A_70 = tpu.memref_slice %arg6[%dma_wait3A_68, %dma_wait3A_69] : memref<125x128xf32, #tpu.memory_space<vmem>> -> memref<80x128xf32, #tpu.memory_space<vmem>>
      tpu.wait_dma2 semaphore(%run_scoped3A : memref<!tpu.dma_semaphore, #tpu.memory_space<semaphore_mem>>) src(%dma_wait3A_70 : memref<80x128xf32, #tpu.memory_space<vmem>>) dst(%dma_wait3A_67 : memref<80x128xf32, #tpu.memory_space<vmem_shared>>)
      tpu.yield
    }) : () -> ()
    %mul3A_11 = arith.constant 640 : i32
    %mul3A_12 = arith.muli %arg1, %mul3A_11 : i32
    %add3A_13 = arith.constant 80 : i32
    %add3A_14 = arith.addi %mul3A_12, %add3A_13 : i32
    "tpu.region"() ({
      %run_scoped3A = tpu.sem_alloc : memref<!tpu.dma_semaphore, #tpu.memory_space<semaphore_mem>>
      %dma_start3A = arith.constant 0 : i32
      %dma_start3A_53 = arith.constant 0 : i32
      %dma_start3A_54 = tpu.memref_slice %arg6[%dma_start3A, %dma_start3A_53] : memref<125x128xf32, #tpu.memory_space<vmem>> -> memref<80x128xf32, #tpu.memory_space<vmem>>
      %dma_start3A_55 = arith.constant 0 : i32
      %dma_start3A_56 = tpu.memref_slice %arg7[%add3A_14, %dma_start3A_55] : memref<10240x128xf32, #tpu.memory_space<vmem_shared>> -> memref<80x128xf32, #tpu.memory_space<vmem_shared>>
      %dma_start3A_57 = arith.constant 0 : i32
      %dma_start3A_58 = tpu.memref_slice %arg7[%add3A_14, %dma_start3A_57] : memref<10240x128xf32, #tpu.memory_space<vmem_shared>> -> memref<80x128xf32, #tpu.memory_space<vmem_shared>>
      %dma_start3A_59 = arith.constant 0 : i32
      %dma_start3A_60 = arith.constant 0 : i32
      %dma_start3A_61 = tpu.memref_slice %arg6[%dma_start3A_59, %dma_start3A_60] : memref<125x128xf32, #tpu.memory_space<vmem>> -> memref<80x128xf32, #tpu.memory_space<vmem>>
      tpu.enqueue_dma source(%dma_start3A_61 : memref<80x128xf32, #tpu.memory_space<vmem>>) target(%dma_start3A_58 : memref<80x128xf32, #tpu.memory_space<vmem_shared>>) target_semaphore(%run_scoped3A : memref<!tpu.dma_semaphore, #tpu.memory_space<semaphore_mem>>)
      %dma_wait3A = arith.constant 0 : i32
      %dma_wait3A_62 = arith.constant 0 : i32
      %dma_wait3A_63 = tpu.memref_slice %arg6[%dma_wait3A, %dma_wait3A_62] : memref<125x128xf32, #tpu.memory_space<vmem>> -> memref<80x128xf32, #tpu.memory_space<vmem>>
      %dma_wait3A_64 = arith.constant 0 : i32
      %dma_wait3A_65 = tpu.memref_slice %arg7[%add3A_14, %dma_wait3A_64] : memref<10240x128xf32, #tpu.memory_space<vmem_shared>> -> memref<80x128xf32, #tpu.memory_space<vmem_shared>>
      %dma_wait3A_66 = arith.constant 0 : i32
      %dma_wait3A_67 = tpu.memref_slice %arg7[%add3A_14, %dma_wait3A_66] : memref<10240x128xf32, #tpu.memory_space<vmem_shared>> -> memref<80x128xf32, #tpu.memory_space<vmem_shared>>
      %dma_wait3A_68 = arith.constant 0 : i32
      %dma_wait3A_69 = arith.constant 0 : i32
      %dma_wait3A_70 = tpu.memref_slice %arg6[%dma_wait3A_68, %dma_wait3A_69] : memref<125x128xf32, #tpu.memory_space<vmem>> -> memref<80x128xf32, #tpu.memory_space<vmem>>
      tpu.wait_dma2 semaphore(%run_scoped3A : memref<!tpu.dma_semaphore, #tpu.memory_space<semaphore_mem>>) src(%dma_wait3A_70 : memref<80x128xf32, #tpu.memory_space<vmem>>) dst(%dma_wait3A_67 : memref<80x128xf32, #tpu.memory_space<vmem_shared>>)
      tpu.yield
    }) : () -> ()
    %mul3A_15 = arith.constant 640 : i32
    %mul3A_16 = arith.muli %arg1, %mul3A_15 : i32
    %add3A_17 = arith.constant 160 : i32
    %add3A_18 = arith.addi %mul3A_16, %add3A_17 : i32
    "tpu.region"() ({
      %run_scoped3A = tpu.sem_alloc : memref<!tpu.dma_semaphore, #tpu.memory_space<semaphore_mem>>
      %dma_start3A = arith.constant 0 : i32
      %dma_start3A_53 = arith.constant 0 : i32
      %dma_start3A_54 = tpu.memref_slice %arg6[%dma_start3A, %dma_start3A_53] : memref<125x128xf32, #tpu.memory_space<vmem>> -> memref<80x128xf32, #tpu.memory_space<vmem>>
      %dma_start3A_55 = arith.constant 0 : i32
      %dma_start3A_56 = tpu.memref_slice %arg7[%add3A_18, %dma_start3A_55] : memref<10240x128xf32, #tpu.memory_space<vmem_shared>> -> memref<80x128xf32, #tpu.memory_space<vmem_shared>>
      %dma_start3A_57 = arith.constant 0 : i32
      %dma_start3A_58 = tpu.memref_slice %arg7[%add3A_18, %dma_start3A_57] : memref<10240x128xf32, #tpu.memory_space<vmem_shared>> -> memref<80x128xf32, #tpu.memory_space<vmem_shared>>
      %dma_start3A_59 = arith.constant 0 : i32
      %dma_start3A_60 = arith.constant 0 : i32
      %dma_start3A_61 = tpu.memref_slice %arg6[%dma_start3A_59, %dma_start3A_60] : memref<125x128xf32, #tpu.memory_space<vmem>> -> memref<80x128xf32, #tpu.memory_space<vmem>>
      tpu.enqueue_dma source(%dma_start3A_61 : memref<80x128xf32, #tpu.memory_space<vmem>>) target(%dma_start3A_58 : memref<80x128xf32, #tpu.memory_space<vmem_shared>>) target_semaphore(%run_scoped3A : memref<!tpu.dma_semaphore, #tpu.memory_space<semaphore_mem>>)
      %dma_wait3A = arith.constant 0 : i32
      %dma_wait3A_62 = arith.constant 0 : i32
      %dma_wait3A_63 = tpu.memref_slice %arg6[%dma_wait3A, %dma_wait3A_62] : memref<125x128xf32, #tpu.memory_space<vmem>> -> memref<80x128xf32, #tpu.memory_space<vmem>>
      %dma_wait3A_64 = arith.constant 0 : i32
      %dma_wait3A_65 = tpu.memref_slice %arg7[%add3A_18, %dma_wait3A_64] : memref<10240x128xf32, #tpu.memory_space<vmem_shared>> -> memref<80x128xf32, #tpu.memory_space<vmem_shared>>
      %dma_wait3A_66 = arith.constant 0 : i32
      %dma_wait3A_67 = tpu.memref_slice %arg7[%add3A_18, %dma_wait3A_66] : memref<10240x128xf32, #tpu.memory_space<vmem_shared>> -> memref<80x128xf32, #tpu.memory_space<vmem_shared>>
      %dma_wait3A_68 = arith.constant 0 : i32
      %dma_wait3A_69 = arith.constant 0 : i32
      %dma_wait3A_70 = tpu.memref_slice %arg6[%dma_wait3A_68, %dma_wait3A_69] : memref<125x128xf32, #tpu.memory_space<vmem>> -> memref<80x128xf32, #tpu.memory_space<vmem>>
      tpu.wait_dma2 semaphore(%run_scoped3A : memref<!tpu.dma_semaphore, #tpu.memory_space<semaphore_mem>>) src(%dma_wait3A_70 : memref<80x128xf32, #tpu.memory_space<vmem>>) dst(%dma_wait3A_67 : memref<80x128xf32, #tpu.memory_space<vmem_shared>>)
      tpu.yield
    }) : () -> ()
    %mul3A_19 = arith.constant 640 : i32
    %mul3A_20 = arith.muli %arg1, %mul3A_19 : i32
    %add3A_21 = arith.constant 240 : i32
    %add3A_22 = arith.addi %mul3A_20, %add3A_21 : i32
    "tpu.region"() ({
      %run_scoped3A = tpu.sem_alloc : memref<!tpu.dma_semaphore, #tpu.memory_space<semaphore_mem>>
      %dma_start3A = arith.constant 0 : i32
      %dma_start3A_53 = arith.constant 0 : i32
      %dma_start3A_54 = tpu.memref_slice %arg6[%dma_start3A, %dma_start3A_53] : memref<125x128xf32, #tpu.memory_space<vmem>> -> memref<80x128xf32, #tpu.memory_space<vmem>>
      %dma_start3A_55 = arith.constant 0 : i32
      %dma_start3A_56 = tpu.memref_slice %arg7[%add3A_22, %dma_start3A_55] : memref<10240x128xf32, #tpu.memory_space<vmem_shared>> -> memref<80x128xf32, #tpu.memory_space<vmem_shared>>
      %dma_start3A_57 = arith.constant 0 : i32
      %dma_start3A_58 = tpu.memref_slice %arg7[%add3A_22, %dma_start3A_57] : memref<10240x128xf32, #tpu.memory_space<vmem_shared>> -> memref<80x128xf32, #tpu.memory_space<vmem_shared>>
      %dma_start3A_59 = arith.constant 0 : i32
      %dma_start3A_60 = arith.constant 0 : i32
      %dma_start3A_61 = tpu.memref_slice %arg6[%dma_start3A_59, %dma_start3A_60] : memref<125x128xf32, #tpu.memory_space<vmem>> -> memref<80x128xf32, #tpu.memory_space<vmem>>
      tpu.enqueue_dma source(%dma_start3A_61 : memref<80x128xf32, #tpu.memory_space<vmem>>) target(%dma_start3A_58 : memref<80x128xf32, #tpu.memory_space<vmem_shared>>) target_semaphore(%run_scoped3A : memref<!tpu.dma_semaphore, #tpu.memory_space<semaphore_mem>>)
      %dma_wait3A = arith.constant 0 : i32
      %dma_wait3A_62 = arith.constant 0 : i32
      %dma_wait3A_63 = tpu.memref_slice %arg6[%dma_wait3A, %dma_wait3A_62] : memref<125x128xf32, #tpu.memory_space<vmem>> -> memref<80x128xf32, #tpu.memory_space<vmem>>
      %dma_wait3A_64 = arith.constant 0 : i32
      %dma_wait3A_65 = tpu.memref_slice %arg7[%add3A_22, %dma_wait3A_64] : memref<10240x128xf32, #tpu.memory_space<vmem_shared>> -> memref<80x128xf32, #tpu.memory_space<vmem_shared>>
      %dma_wait3A_66 = arith.constant 0 : i32
      %dma_wait3A_67 = tpu.memref_slice %arg7[%add3A_22, %dma_wait3A_66] : memref<10240x128xf32, #tpu.memory_space<vmem_shared>> -> memref<80x128xf32, #tpu.memory_space<vmem_shared>>
      %dma_wait3A_68 = arith.constant 0 : i32
      %dma_wait3A_69 = arith.constant 0 : i32
      %dma_wait3A_70 = tpu.memref_slice %arg6[%dma_wait3A_68, %dma_wait3A_69] : memref<125x128xf32, #tpu.memory_space<vmem>> -> memref<80x128xf32, #tpu.memory_space<vmem>>
      tpu.wait_dma2 semaphore(%run_scoped3A : memref<!tpu.dma_semaphore, #tpu.memory_space<semaphore_mem>>) src(%dma_wait3A_70 : memref<80x128xf32, #tpu.memory_space<vmem>>) dst(%dma_wait3A_67 : memref<80x128xf32, #tpu.memory_space<vmem_shared>>)
      tpu.yield
    }) : () -> ()
    %mul3A_23 = arith.constant 640 : i32
    %mul3A_24 = arith.muli %arg1, %mul3A_23 : i32
    %add3A_25 = arith.constant 320 : i32
    %add3A_26 = arith.addi %mul3A_24, %add3A_25 : i32
    "tpu.region"() ({
      %run_scoped3A = tpu.sem_alloc : memref<!tpu.dma_semaphore, #tpu.memory_space<semaphore_mem>>
      %dma_start3A = arith.constant 0 : i32
      %dma_start3A_53 = arith.constant 0 : i32
      %dma_start3A_54 = tpu.memref_slice %arg6[%dma_start3A, %dma_start3A_53] : memref<125x128xf32, #tpu.memory_space<vmem>> -> memref<80x128xf32, #tpu.memory_space<vmem>>
      %dma_start3A_55 = arith.constant 0 : i32
      %dma_start3A_56 = tpu.memref_slice %arg7[%add3A_26, %dma_start3A_55] : memref<10240x128xf32, #tpu.memory_space<vmem_shared>> -> memref<80x128xf32, #tpu.memory_space<vmem_shared>>
      %dma_start3A_57 = arith.constant 0 : i32
      %dma_start3A_58 = tpu.memref_slice %arg7[%add3A_26, %dma_start3A_57] : memref<10240x128xf32, #tpu.memory_space<vmem_shared>> -> memref<80x128xf32, #tpu.memory_space<vmem_shared>>
      %dma_start3A_59 = arith.constant 0 : i32
      %dma_start3A_60 = arith.constant 0 : i32
      %dma_start3A_61 = tpu.memref_slice %arg6[%dma_start3A_59, %dma_start3A_60] : memref<125x128xf32, #tpu.memory_space<vmem>> -> memref<80x128xf32, #tpu.memory_space<vmem>>
      tpu.enqueue_dma source(%dma_start3A_61 : memref<80x128xf32, #tpu.memory_space<vmem>>) target(%dma_start3A_58 : memref<80x128xf32, #tpu.memory_space<vmem_shared>>) target_semaphore(%run_scoped3A : memref<!tpu.dma_semaphore, #tpu.memory_space<semaphore_mem>>)
      %dma_wait3A = arith.constant 0 : i32
      %dma_wait3A_62 = arith.constant 0 : i32
      %dma_wait3A_63 = tpu.memref_slice %arg6[%dma_wait3A, %dma_wait3A_62] : memref<125x128xf32, #tpu.memory_space<vmem>> -> memref<80x128xf32, #tpu.memory_space<vmem>>
      %dma_wait3A_64 = arith.constant 0 : i32
      %dma_wait3A_65 = tpu.memref_slice %arg7[%add3A_26, %dma_wait3A_64] : memref<10240x128xf32, #tpu.memory_space<vmem_shared>> -> memref<80x128xf32, #tpu.memory_space<vmem_shared>>
      %dma_wait3A_66 = arith.constant 0 : i32
      %dma_wait3A_67 = tpu.memref_slice %arg7[%add3A_26, %dma_wait3A_66] : memref<10240x128xf32, #tpu.memory_space<vmem_shared>> -> memref<80x128xf32, #tpu.memory_space<vmem_shared>>
      %dma_wait3A_68 = arith.constant 0 : i32
      %dma_wait3A_69 = arith.constant 0 : i32
      %dma_wait3A_70 = tpu.memref_slice %arg6[%dma_wait3A_68, %dma_wait3A_69] : memref<125x128xf32, #tpu.memory_space<vmem>> -> memref<80x128xf32, #tpu.memory_space<vmem>>
      tpu.wait_dma2 semaphore(%run_scoped3A : memref<!tpu.dma_semaphore, #tpu.memory_space<semaphore_mem>>) src(%dma_wait3A_70 : memref<80x128xf32, #tpu.memory_space<vmem>>) dst(%dma_wait3A_67 : memref<80x128xf32, #tpu.memory_space<vmem_shared>>)
      tpu.yield
    }) : () -> ()
    %mul3A_27 = arith.constant 640 : i32
    %mul3A_28 = arith.muli %arg1, %mul3A_27 : i32
    %add3A_29 = arith.constant 400 : i32
    %add3A_30 = arith.addi %mul3A_28, %add3A_29 : i32
    "tpu.region"() ({
      %run_scoped3A = tpu.sem_alloc : memref<!tpu.dma_semaphore, #tpu.memory_space<semaphore_mem>>
      %dma_start3A = arith.constant 0 : i32
      %dma_start3A_53 = arith.constant 0 : i32
      %dma_start3A_54 = tpu.memref_slice %arg6[%dma_start3A, %dma_start3A_53] : memref<125x128xf32, #tpu.memory_space<vmem>> -> memref<80x128xf32, #tpu.memory_space<vmem>>
      %dma_start3A_55 = arith.constant 0 : i32
      %dma_start3A_56 = tpu.memref_slice %arg7[%add3A_30, %dma_start3A_55] : memref<10240x128xf32, #tpu.memory_space<vmem_shared>> -> memref<80x128xf32, #tpu.memory_space<vmem_shared>>
      %dma_start3A_57 = arith.constant 0 : i32
      %dma_start3A_58 = tpu.memref_slice %arg7[%add3A_30, %dma_start3A_57] : memref<10240x128xf32, #tpu.memory_space<vmem_shared>> -> memref<80x128xf32, #tpu.memory_space<vmem_shared>>
      %dma_start3A_59 = arith.constant 0 : i32
      %dma_start3A_60 = arith.constant 0 : i32
      %dma_start3A_61 = tpu.memref_slice %arg6[%dma_start3A_59, %dma_start3A_60] : memref<125x128xf32, #tpu.memory_space<vmem>> -> memref<80x128xf32, #tpu.memory_space<vmem>>
      tpu.enqueue_dma source(%dma_start3A_61 : memref<80x128xf32, #tpu.memory_space<vmem>>) target(%dma_start3A_58 : memref<80x128xf32, #tpu.memory_space<vmem_shared>>) target_semaphore(%run_scoped3A : memref<!tpu.dma_semaphore, #tpu.memory_space<semaphore_mem>>)
      %dma_wait3A = arith.constant 0 : i32
      %dma_wait3A_62 = arith.constant 0 : i32
      %dma_wait3A_63 = tpu.memref_slice %arg6[%dma_wait3A, %dma_wait3A_62] : memref<125x128xf32, #tpu.memory_space<vmem>> -> memref<80x128xf32, #tpu.memory_space<vmem>>
      %dma_wait3A_64 = arith.constant 0 : i32
      %dma_wait3A_65 = tpu.memref_slice %arg7[%add3A_30, %dma_wait3A_64] : memref<10240x128xf32, #tpu.memory_space<vmem_shared>> -> memref<80x128xf32, #tpu.memory_space<vmem_shared>>
      %dma_wait3A_66 = arith.constant 0 : i32
      %dma_wait3A_67 = tpu.memref_slice %arg7[%add3A_30, %dma_wait3A_66] : memref<10240x128xf32, #tpu.memory_space<vmem_shared>> -> memref<80x128xf32, #tpu.memory_space<vmem_shared>>
      %dma_wait3A_68 = arith.constant 0 : i32
      %dma_wait3A_69 = arith.constant 0 : i32
      %dma_wait3A_70 = tpu.memref_slice %arg6[%dma_wait3A_68, %dma_wait3A_69] : memref<125x128xf32, #tpu.memory_space<vmem>> -> memref<80x128xf32, #tpu.memory_space<vmem>>
      tpu.wait_dma2 semaphore(%run_scoped3A : memref<!tpu.dma_semaphore, #tpu.memory_space<semaphore_mem>>) src(%dma_wait3A_70 : memref<80x128xf32, #tpu.memory_space<vmem>>) dst(%dma_wait3A_67 : memref<80x128xf32, #tpu.memory_space<vmem_shared>>)
      tpu.yield
    }) : () -> ()
    %mul3A_31 = arith.constant 640 : i32
    %mul3A_32 = arith.muli %arg1, %mul3A_31 : i32
    %add3A_33 = arith.constant 480 : i32
    %add3A_34 = arith.addi %mul3A_32, %add3A_33 : i32
    "tpu.region"() ({
      %run_scoped3A = tpu.sem_alloc : memref<!tpu.dma_semaphore, #tpu.memory_space<semaphore_mem>>
      %dma_start3A = arith.constant 0 : i32
      %dma_start3A_53 = arith.constant 0 : i32
      %dma_start3A_54 = tpu.memref_slice %arg6[%dma_start3A, %dma_start3A_53] : memref<125x128xf32, #tpu.memory_space<vmem>> -> memref<80x128xf32, #tpu.memory_space<vmem>>
      %dma_start3A_55 = arith.constant 0 : i32
      %dma_start3A_56 = tpu.memref_slice %arg7[%add3A_34, %dma_start3A_55] : memref<10240x128xf32, #tpu.memory_space<vmem_shared>> -> memref<80x128xf32, #tpu.memory_space<vmem_shared>>
      %dma_start3A_57 = arith.constant 0 : i32
      %dma_start3A_58 = tpu.memref_slice %arg7[%add3A_34, %dma_start3A_57] : memref<10240x128xf32, #tpu.memory_space<vmem_shared>> -> memref<80x128xf32, #tpu.memory_space<vmem_shared>>
      %dma_start3A_59 = arith.constant 0 : i32
      %dma_start3A_60 = arith.constant 0 : i32
      %dma_start3A_61 = tpu.memref_slice %arg6[%dma_start3A_59, %dma_start3A_60] : memref<125x128xf32, #tpu.memory_space<vmem>> -> memref<80x128xf32, #tpu.memory_space<vmem>>
      tpu.enqueue_dma source(%dma_start3A_61 : memref<80x128xf32, #tpu.memory_space<vmem>>) target(%dma_start3A_58 : memref<80x128xf32, #tpu.memory_space<vmem_shared>>) target_semaphore(%run_scoped3A : memref<!tpu.dma_semaphore, #tpu.memory_space<semaphore_mem>>)
      %dma_wait3A = arith.constant 0 : i32
      %dma_wait3A_62 = arith.constant 0 : i32
      %dma_wait3A_63 = tpu.memref_slice %arg6[%dma_wait3A, %dma_wait3A_62] : memref<125x128xf32, #tpu.memory_space<vmem>> -> memref<80x128xf32, #tpu.memory_space<vmem>>
      %dma_wait3A_64 = arith.constant 0 : i32
      %dma_wait3A_65 = tpu.memref_slice %arg7[%add3A_34, %dma_wait3A_64] : memref<10240x128xf32, #tpu.memory_space<vmem_shared>> -> memref<80x128xf32, #tpu.memory_space<vmem_shared>>
      %dma_wait3A_66 = arith.constant 0 : i32
      %dma_wait3A_67 = tpu.memref_slice %arg7[%add3A_34, %dma_wait3A_66] : memref<10240x128xf32, #tpu.memory_space<vmem_shared>> -> memref<80x128xf32, #tpu.memory_space<vmem_shared>>
      %dma_wait3A_68 = arith.constant 0 : i32
      %dma_wait3A_69 = arith.constant 0 : i32
      %dma_wait3A_70 = tpu.memref_slice %arg6[%dma_wait3A_68, %dma_wait3A_69] : memref<125x128xf32, #tpu.memory_space<vmem>> -> memref<80x128xf32, #tpu.memory_space<vmem>>
      tpu.wait_dma2 semaphore(%run_scoped3A : memref<!tpu.dma_semaphore, #tpu.memory_space<semaphore_mem>>) src(%dma_wait3A_70 : memref<80x128xf32, #tpu.memory_space<vmem>>) dst(%dma_wait3A_67 : memref<80x128xf32, #tpu.memory_space<vmem_shared>>)
      tpu.yield
    }) : () -> ()
    %mul3A_35 = arith.constant 640 : i32
    %mul3A_36 = arith.muli %arg1, %mul3A_35 : i32
    %add3A_37 = arith.constant 560 : i32
    %add3A_38 = arith.addi %mul3A_36, %add3A_37 : i32
    "tpu.region"() ({
      %run_scoped3A = tpu.sem_alloc : memref<!tpu.dma_semaphore, #tpu.memory_space<semaphore_mem>>
      %dma_start3A = arith.constant 0 : i32
      %dma_start3A_53 = arith.constant 0 : i32
      %dma_start3A_54 = tpu.memref_slice %arg6[%dma_start3A, %dma_start3A_53] : memref<125x128xf32, #tpu.memory_space<vmem>> -> memref<80x128xf32, #tpu.memory_space<vmem>>
      %dma_start3A_55 = arith.constant 0 : i32
      %dma_start3A_56 = tpu.memref_slice %arg7[%add3A_38, %dma_start3A_55] : memref<10240x128xf32, #tpu.memory_space<vmem_shared>> -> memref<80x128xf32, #tpu.memory_space<vmem_shared>>
      %dma_start3A_57 = arith.constant 0 : i32
      %dma_start3A_58 = tpu.memref_slice %arg7[%add3A_38, %dma_start3A_57] : memref<10240x128xf32, #tpu.memory_space<vmem_shared>> -> memref<80x128xf32, #tpu.memory_space<vmem_shared>>
      %dma_start3A_59 = arith.constant 0 : i32
      %dma_start3A_60 = arith.constant 0 : i32
      %dma_start3A_61 = tpu.memref_slice %arg6[%dma_start3A_59, %dma_start3A_60] : memref<125x128xf32, #tpu.memory_space<vmem>> -> memref<80x128xf32, #tpu.memory_space<vmem>>
      tpu.enqueue_dma source(%dma_start3A_61 : memref<80x128xf32, #tpu.memory_space<vmem>>) target(%dma_start3A_58 : memref<80x128xf32, #tpu.memory_space<vmem_shared>>) target_semaphore(%run_scoped3A : memref<!tpu.dma_semaphore, #tpu.memory_space<semaphore_mem>>)
      %dma_wait3A = arith.constant 0 : i32
      %dma_wait3A_62 = arith.constant 0 : i32
      %dma_wait3A_63 = tpu.memref_slice %arg6[%dma_wait3A, %dma_wait3A_62] : memref<125x128xf32, #tpu.memory_space<vmem>> -> memref<80x128xf32, #tpu.memory_space<vmem>>
      %dma_wait3A_64 = arith.constant 0 : i32
      %dma_wait3A_65 = tpu.memref_slice %arg7[%add3A_38, %dma_wait3A_64] : memref<10240x128xf32, #tpu.memory_space<vmem_shared>> -> memref<80x128xf32, #tpu.memory_space<vmem_shared>>
      %dma_wait3A_66 = arith.constant 0 : i32
      %dma_wait3A_67 = tpu.memref_slice %arg7[%add3A_38, %dma_wait3A_66] : memref<10240x128xf32, #tpu.memory_space<vmem_shared>> -> memref<80x128xf32, #tpu.memory_space<vmem_shared>>
      %dma_wait3A_68 = arith.constant 0 : i32
      %dma_wait3A_69 = arith.constant 0 : i32
      %dma_wait3A_70 = tpu.memref_slice %arg6[%dma_wait3A_68, %dma_wait3A_69] : memref<125x128xf32, #tpu.memory_space<vmem>> -> memref<80x128xf32, #tpu.memory_space<vmem>>
      tpu.wait_dma2 semaphore(%run_scoped3A : memref<!tpu.dma_semaphore, #tpu.memory_space<semaphore_mem>>) src(%dma_wait3A_70 : memref<80x128xf32, #tpu.memory_space<vmem>>) dst(%dma_wait3A_67 : memref<80x128xf32, #tpu.memory_space<vmem_shared>>)
      tpu.yield
    }) : () -> ()
    %mul3A_39 = arith.constant 80 : i32
    %mul3A_40 = arith.muli %add3A, %mul3A_39 : i32
    "tpu.region"() ({
      %run_scoped3A = tpu.sem_alloc : memref<!tpu.dma_semaphore, #tpu.memory_space<semaphore_mem>>
      %dma_start3A = arith.constant 0 : i32
      %dma_start3A_53 = arith.constant 0 : i32
      %dma_start3A_54 = tpu.memref_slice %arg3[%mul3A_40, %dma_start3A, %dma_start3A_53] : memref<2560x2x125xi32, #tpu.memory_space<hbm>> -> memref<80x2x125xi32, #tpu.memory_space<hbm>>
      %dma_start3A_55 = arith.constant 0 : i32
      %dma_start3A_56 = arith.constant 0 : i32
      %dma_start3A_57 = tpu.memref_slice %arg3[%mul3A_40, %dma_start3A_55, %dma_start3A_56] : memref<2560x2x125xi32, #tpu.memory_space<hbm>> -> memref<80x2x125xi32, #tpu.memory_space<hbm>>
      tpu.enqueue_dma source(%dma_start3A_57 : memref<80x2x125xi32, #tpu.memory_space<hbm>>) target(%arg5 : memref<80x2x125xi32, #tpu.memory_space<vmem>>) target_semaphore(%run_scoped3A : memref<!tpu.dma_semaphore, #tpu.memory_space<semaphore_mem>>)
      %dma_wait3A = arith.constant 0 : i32
      %dma_wait3A_58 = arith.constant 0 : i32
      %dma_wait3A_59 = tpu.memref_slice %arg3[%mul3A_40, %dma_wait3A, %dma_wait3A_58] : memref<2560x2x125xi32, #tpu.memory_space<hbm>> -> memref<80x2x125xi32, #tpu.memory_space<hbm>>
      %dma_wait3A_60 = arith.constant 0 : i32
      %dma_wait3A_61 = arith.constant 0 : i32
      %dma_wait3A_62 = tpu.memref_slice %arg3[%mul3A_40, %dma_wait3A_60, %dma_wait3A_61] : memref<2560x2x125xi32, #tpu.memory_space<hbm>> -> memref<80x2x125xi32, #tpu.memory_space<hbm>>
      tpu.wait_dma2 semaphore(%run_scoped3A : memref<!tpu.dma_semaphore, #tpu.memory_space<semaphore_mem>>) src(%dma_wait3A_62 : memref<80x2x125xi32, #tpu.memory_space<hbm>>) dst(%arg5 : memref<80x2x125xi32, #tpu.memory_space<vmem>>)
      tpu.yield
    }) : () -> ()
    %barrier3A = arith.constant 0 : index
    tpu.barrier barrier_id(%barrier3A)
    %scan3A_41 = arith.constant 0 : i32
    %scan3A_42 = arith.constant 0 : i32
    %scan3A_43 = arith.constant 80 : i32
    %scan3A_44 = arith.addi %scan3A_42, %scan3A_43 : i32
    %scan3A_45 = arith.constant 1 : i32
    %scan3A_46 = scf.for %scan3A_53 = %scan3A_42 to %scan3A_44 step %scan3A_45 iter_args(%scan3A_54 = %scan3A_41) -> (i32)  : i32 {
      %dma_start3A = arith.constant 0 : i32
      %dma_start3A_55 = arith.constant 0 : i32
      %dma_start3A_56 = tpu.memref_slice %arg5[%scan3A_53, %dma_start3A, %dma_start3A_55] : memref<80x2x125xi32, #tpu.memory_space<vmem>> -> memref<1x1x125xi32, #tpu.memory_space<vmem>>
      %dma_start3A_57 = tpu.memref_squeeze %dma_start3A_56 : memref<1x1x125xi32, #tpu.memory_space<vmem>> -> memref<125xi32, #tpu.memory_space<vmem>>
      %dma_start3A_58 = arith.constant 0 : i32
      %dma_start3A_59 = arith.constant 0 : i32
      %dma_start3A_60 = tpu.memref_slice %arg2[%dma_start3A_58, %dma_start3A_59] : memref<10240x128xf32, #tpu.memory_space<hbm>> -> memref<10240x128xf32, #tpu.memory_space<hbm>>
      tpu.enqueue_indirect_dma source(%dma_start3A_60 : memref<10240x128xf32, #tpu.memory_space<hbm>>) target(%arg6 : memref<125x128xf32, #tpu.memory_space<vmem>>) offsets(%dma_start3A_57 : memref<125xi32, #tpu.memory_space<vmem>>) semaphore(%arg8 : memref<!tpu.dma_semaphore, #tpu.memory_space<semaphore_mem>>)
      %dma_wait3A = arith.constant 0 : i32
      %dma_wait3A_61 = arith.constant 0 : i32
      %dma_wait3A_62 = tpu.memref_slice %arg5[%scan3A_53, %dma_wait3A, %dma_wait3A_61] : memref<80x2x125xi32, #tpu.memory_space<vmem>> -> memref<1x1x125xi32, #tpu.memory_space<vmem>>
      %dma_wait3A_63 = tpu.memref_squeeze %dma_wait3A_62 : memref<1x1x125xi32, #tpu.memory_space<vmem>> -> memref<125xi32, #tpu.memory_space<vmem>>
      %dma_wait3A_64 = arith.constant 0 : i32
      %dma_wait3A_65 = arith.constant 0 : i32
      %dma_wait3A_66 = tpu.memref_slice %arg2[%dma_wait3A_64, %dma_wait3A_65] : memref<10240x128xf32, #tpu.memory_space<hbm>> -> memref<10240x128xf32, #tpu.memory_space<hbm>>
      tpu.wait_indirect_dma semaphore(%arg8 : memref<!tpu.dma_semaphore, #tpu.memory_space<semaphore_mem>>) src(%dma_wait3A_66 : memref<10240x128xf32, #tpu.memory_space<hbm>>) dst(%arg6 : memref<125x128xf32, #tpu.memory_space<vmem>>)
      %run_scoped3A = arith.constant 1 : i32
      "tpu.region"() ({
        %run_scoped3A_68 = tpu.sem_alloc : memref<!tpu.dma_semaphore, #tpu.memory_space<semaphore_mem>>
        %dma_start3A_69 = arith.constant 0 : i32
        %dma_start3A_70 = tpu.memref_slice %arg5[%scan3A_53, %run_scoped3A, %dma_start3A_69] : memref<80x2x125xi32, #tpu.memory_space<vmem>> -> memref<1x1x125xi32, #tpu.memory_space<vmem>>
        %dma_start3A_71 = tpu.memref_squeeze %dma_start3A_70 : memref<1x1x125xi32, #tpu.memory_space<vmem>> -> memref<125xi32, #tpu.memory_space<vmem>>
        %dma_start3A_72 = arith.constant 0 : i32
        %dma_start3A_73 = arith.constant 0 : i32
        %dma_start3A_74 = tpu.memref_slice %arg7[%dma_start3A_72, %dma_start3A_73] : memref<10240x128xf32, #tpu.memory_space<vmem_shared>> -> memref<10240x128xf32, #tpu.memory_space<vmem_shared>>
        tpu.enqueue_indirect_dma source(%arg6 : memref<125x128xf32, #tpu.memory_space<vmem>>) target(%dma_start3A_74 : memref<10240x128xf32, #tpu.memory_space<vmem_shared>>) offsets(%dma_start3A_71 : memref<125xi32, #tpu.memory_space<vmem>>) semaphore(%run_scoped3A_68 : memref<!tpu.dma_semaphore, #tpu.memory_space<semaphore_mem>>) {add = true}
        %dma_wait3A_75 = arith.constant 0 : i32
        %dma_wait3A_76 = tpu.memref_slice %arg5[%scan3A_53, %run_scoped3A, %dma_wait3A_75] : memref<80x2x125xi32, #tpu.memory_space<vmem>> -> memref<1x1x125xi32, #tpu.memory_space<vmem>>
        %dma_wait3A_77 = tpu.memref_squeeze %dma_wait3A_76 : memref<1x1x125xi32, #tpu.memory_space<vmem>> -> memref<125xi32, #tpu.memory_space<vmem>>
        %dma_wait3A_78 = arith.constant 0 : i32
        %dma_wait3A_79 = arith.constant 0 : i32
        %dma_wait3A_80 = tpu.memref_slice %arg7[%dma_wait3A_78, %dma_wait3A_79] : memref<10240x128xf32, #tpu.memory_space<vmem_shared>> -> memref<10240x128xf32, #tpu.memory_space<vmem_shared>>
        tpu.wait_indirect_dma semaphore(%run_scoped3A_68 : memref<!tpu.dma_semaphore, #tpu.memory_space<semaphore_mem>>) src(%arg6 : memref<125x128xf32, #tpu.memory_space<vmem>>) dst(%dma_wait3A_80 : memref<10240x128xf32, #tpu.memory_space<vmem_shared>>)
        tpu.yield
      }) : () -> ()
      %scan3A_67 = arith.constant 0 : i32
      scf.yield %scan3A_67 : i32
    }
    %scan3A_47 = arith.constant 80 : i32
    %barrier3A_48 = arith.constant 0 : index
    tpu.barrier barrier_id(%barrier3A_48)
    %mul3A_49 = arith.constant 640 : i32
    %mul3A_50 = arith.muli %arg1, %mul3A_49 : i32
    %mul3A_51 = arith.constant 640 : i32
    %mul3A_52 = arith.muli %arg1, %mul3A_51 : i32
    "tpu.region"() ({
      %run_scoped3A = tpu.sem_alloc : memref<!tpu.dma_semaphore, #tpu.memory_space<semaphore_mem>>
      %dma_start3A = arith.constant 0 : i32
      %dma_start3A_53 = tpu.memref_slice %arg4[%arg0, %mul3A_52, %dma_start3A] : memref<2x10240x128xf32, #tpu.memory_space<hbm>> -> memref<1x640x128xf32, #tpu.memory_space<hbm>>
      %dma_start3A_54 = tpu.memref_squeeze %dma_start3A_53 : memref<1x640x128xf32, #tpu.memory_space<hbm>> -> memref<640x128xf32, #tpu.memory_space<hbm>>
      %dma_start3A_55 = arith.constant 0 : i32
      %dma_start3A_56 = tpu.memref_slice %arg7[%mul3A_50, %dma_start3A_55] : memref<10240x128xf32, #tpu.memory_space<vmem_shared>> -> memref<640x128xf32, #tpu.memory_space<vmem_shared>>
      tpu.enqueue_dma source(%dma_start3A_56 : memref<640x128xf32, #tpu.memory_space<vmem_shared>>) target(%dma_start3A_54 : memref<640x128xf32, #tpu.memory_space<hbm>>) target_semaphore(%run_scoped3A : memref<!tpu.dma_semaphore, #tpu.memory_space<semaphore_mem>>)
      %dma_wait3A = arith.constant 0 : i32
      %dma_wait3A_57 = tpu.memref_slice %arg4[%arg0, %mul3A_52, %dma_wait3A] : memref<2x10240x128xf32, #tpu.memory_space<hbm>> -> memref<1x640x128xf32, #tpu.memory_space<hbm>>
      %dma_wait3A_58 = tpu.memref_squeeze %dma_wait3A_57 : memref<1x640x128xf32, #tpu.memory_space<hbm>> -> memref<640x128xf32, #tpu.memory_space<hbm>>
      %dma_wait3A_59 = arith.constant 0 : i32
      %dma_wait3A_60 = tpu.memref_slice %arg7[%mul3A_50, %dma_wait3A_59] : memref<10240x128xf32, #tpu.memory_space<vmem_shared>> -> memref<640x128xf32, #tpu.memory_space<vmem_shared>>
      tpu.wait_dma2 semaphore(%run_scoped3A : memref<!tpu.dma_semaphore, #tpu.memory_space<semaphore_mem>>) src(%dma_wait3A_60 : memref<640x128xf32, #tpu.memory_space<vmem_shared>>) dst(%dma_wait3A_58 : memref<640x128xf32, #tpu.memory_space<hbm>>)
      tpu.yield
    }) : () -> ()
    return
  }
}

#map = affine_map<(d0, d1) -> (0, 0)>
#map1 = affine_map<(d0, d1) -> (0, 0, 0)>
module attributes {stable_mosaic.version = 14 : i64} {
  func.func @_prop2_kernel(%arg0: i32, %arg1: i32, %arg2: memref<10240x128xf32, #tpu.memory_space<hbm>>, %arg3: memref<10240x128xf32, #tpu.memory_space<hbm>>, %arg4: memref<2560x2x125xi32, #tpu.memory_space<hbm>>, %arg5: memref<2x10240x128xf32, #tpu.memory_space<hbm>>, %arg6: memref<2x10240x128xf32, #tpu.memory_space<hbm>>, %arg7: memref<80x2x125xi32, #tpu.memory_space<vmem>>, %arg8: memref<125x128xf32, #tpu.memory_space<vmem>>, %arg9: memref<10240x128xf32, #tpu.memory_space<vmem_shared>>, %arg10: memref<!tpu.dma_semaphore, #tpu.memory_space<semaphore_mem>>) attributes {dimension_semantics = [#tpu.dimension_semantics<core_parallel>, #tpu.dimension_semantics<subcore_parallel>], iteration_bounds = array<i64: 2, 16>, scalar_prefetch = 0 : i64, scratch_operands = 4 : i64, tpu.core_type = #tpu.core_type<sc_vector_subcore>, window_params = [{transform_indices = #map}, {transform_indices = #map}, {transform_indices = #map1}, {transform_indices = #map1}, {transform_indices = #map1}]} {
    %mul3A = arith.constant 16 : i32
    %mul3A_0 = arith.muli %arg0, %mul3A : i32
    %add3A = arith.addi %mul3A_0, %arg1 : i32
    %mul3A_1 = arith.constant 80 : i32
    %mul3A_2 = arith.muli %add3A, %mul3A_1 : i32
    "tpu.region"() ({
      %run_scoped3A = tpu.sem_alloc : memref<!tpu.dma_semaphore, #tpu.memory_space<semaphore_mem>>
      %dma_start3A = arith.constant 0 : i32
      %dma_start3A_105 = arith.constant 0 : i32
      %dma_start3A_106 = tpu.memref_slice %arg4[%mul3A_2, %dma_start3A, %dma_start3A_105] : memref<2560x2x125xi32, #tpu.memory_space<hbm>> -> memref<80x2x125xi32, #tpu.memory_space<hbm>>
      %dma_start3A_107 = arith.constant 0 : i32
      %dma_start3A_108 = arith.constant 0 : i32
      %dma_start3A_109 = tpu.memref_slice %arg4[%mul3A_2, %dma_start3A_107, %dma_start3A_108] : memref<2560x2x125xi32, #tpu.memory_space<hbm>> -> memref<80x2x125xi32, #tpu.memory_space<hbm>>
      tpu.enqueue_dma source(%dma_start3A_109 : memref<80x2x125xi32, #tpu.memory_space<hbm>>) target(%arg7 : memref<80x2x125xi32, #tpu.memory_space<vmem>>) target_semaphore(%run_scoped3A : memref<!tpu.dma_semaphore, #tpu.memory_space<semaphore_mem>>)
      %dma_wait3A = arith.constant 0 : i32
      %dma_wait3A_110 = arith.constant 0 : i32
      %dma_wait3A_111 = tpu.memref_slice %arg4[%mul3A_2, %dma_wait3A, %dma_wait3A_110] : memref<2560x2x125xi32, #tpu.memory_space<hbm>> -> memref<80x2x125xi32, #tpu.memory_space<hbm>>
      %dma_wait3A_112 = arith.constant 0 : i32
      %dma_wait3A_113 = arith.constant 0 : i32
      %dma_wait3A_114 = tpu.memref_slice %arg4[%mul3A_2, %dma_wait3A_112, %dma_wait3A_113] : memref<2560x2x125xi32, #tpu.memory_space<hbm>> -> memref<80x2x125xi32, #tpu.memory_space<hbm>>
      tpu.wait_dma2 semaphore(%run_scoped3A : memref<!tpu.dma_semaphore, #tpu.memory_space<semaphore_mem>>) src(%dma_wait3A_114 : memref<80x2x125xi32, #tpu.memory_space<hbm>>) dst(%arg7 : memref<80x2x125xi32, #tpu.memory_space<vmem>>)
      tpu.yield
    }) : () -> ()
    %scan3A = arith.constant 0 : i32
    %scan3A_3 = arith.constant 0 : i32
    %scan3A_4 = arith.constant 1000 : i32
    %scan3A_5 = arith.addi %scan3A_3, %scan3A_4 : i32
    %scan3A_6 = arith.constant 1 : i32
    %scan3A_7 = scf.for %scan3A_105 = %scan3A_3 to %scan3A_5 step %scan3A_6 iter_args(%scan3A_106 = %scan3A) -> (i32)  : i32 {
      %jit3A = arith.constant 8 : i32
      %div3A = arith.divsi %scan3A_105, %jit3A : i32
      %sign3A = arith.constant 0 : i32
      %sign3A_107 = arith.cmpi sgt, %scan3A_105, %sign3A : i32
      %sign3A_108 = arith.extui %sign3A_107 : i1 to i32
      %sign3A_109 = arith.constant 0 : i32
      %sign3A_110 = arith.cmpi slt, %scan3A_105, %sign3A_109 : i32
      %sign3A_111 = arith.extui %sign3A_110 : i1 to i32
      %sign3A_112 = arith.subi %sign3A_108, %sign3A_111 : i32
      %sign3A_113 = arith.constant 0 : i32
      %sign3A_114 = arith.cmpi sgt, %jit3A, %sign3A_113 : i32
      %sign3A_115 = arith.extui %sign3A_114 : i1 to i32
      %sign3A_116 = arith.constant 0 : i32
      %sign3A_117 = arith.cmpi slt, %jit3A, %sign3A_116 : i32
      %sign3A_118 = arith.extui %sign3A_117 : i1 to i32
      %sign3A_119 = arith.subi %sign3A_115, %sign3A_118 : i32
      %ne3A = arith.cmpi ne, %sign3A_112, %sign3A_119 : i32
      %rem3A = arith.remsi %scan3A_105, %jit3A : i32
      %ne3A_120 = arith.constant 0 : i32
      %ne3A_121 = arith.cmpi ne, %rem3A, %ne3A_120 : i32
      %and3A = arith.andi %ne3A, %ne3A_121 : i1
      %sub3A = arith.constant 1 : i32
      %sub3A_122 = arith.subi %div3A, %sub3A : i32
      %select_n3A = arith.select %and3A, %sub3A_122, %div3A : i32
      %jit3A_123 = arith.constant 8 : i32
      %eq3A = arith.constant 0 : i32
      %eq3A_124 = arith.cmpi eq, %jit3A_123, %eq3A : i32
      %jit3A_125 = arith.constant 1 : i32
      %select_n3A_126 = arith.select %eq3A_124, %jit3A_125, %jit3A_123 : i32
      %rem3A_127 = arith.remsi %scan3A_105, %select_n3A_126 : i32
      %ne3A_128 = arith.constant 0 : i32
      %ne3A_129 = arith.cmpi ne, %rem3A_127, %ne3A_128 : i32
      %lt3A = arith.constant 0 : i32
      %lt3A_130 = arith.cmpi slt, %rem3A_127, %lt3A : i32
      %lt3A_131 = arith.constant 0 : i32
      %lt3A_132 = arith.cmpi slt, %select_n3A_126, %lt3A_131 : i32
      %ne3A_133 = arith.xori %lt3A_130, %lt3A_132 : i1
      %and3A_134 = arith.andi %ne3A_133, %ne3A_129 : i1
      %add3A_135 = arith.addi %rem3A_127, %select_n3A_126 : i32
      %select_n3A_136 = arith.select %and3A_134, %add3A_135, %rem3A_127 : i32
      %mul3A_137 = arith.constant 16 : i32
      %mul3A_138 = arith.muli %select_n3A_136, %mul3A_137 : i32
      %broadcast_in_dim3A = arith.constant 0.000000e+00 : f32
      %broadcast_in_dim3A_139 = vector.broadcast %broadcast_in_dim3A : f32 to vector<16xf32>
      %swap3A = arith.index_cast %select_n3A : i32 to index
      %swap3A_140 = arith.index_cast %mul3A_138 : i32 to index
      %swap3A_141 = tpu.vector_load %arg8[%swap3A, %swap3A_140] {strides = array<i32>} : memref<125x128xf32, #tpu.memory_space<vmem>>, vector<1x16xf32>,
      %swap3A_142 = vector.shape_cast %swap3A_141 : vector<1x16xf32> to vector<16xf32>
      %swap3A_143 = vector.shape_cast %broadcast_in_dim3A_139 : vector<16xf32> to vector<1x16xf32>
      tpu.vector_store %arg8[%swap3A, %swap3A_140], %swap3A_143 {strides = array<i32>} : memref<125x128xf32, #tpu.memory_space<vmem>>, vector<1x16xf32>,
      %scan3A_144 = arith.constant 0 : i32
      scf.yield %scan3A_144 : i32
    }
    %scan3A_8 = arith.constant 1000 : i32
    %mul3A_9 = arith.constant 640 : i32
    %mul3A_10 = arith.muli %arg1, %mul3A_9 : i32
    %add3A_11 = arith.constant 0 : i32
    %add3A_12 = arith.addi %mul3A_10, %add3A_11 : i32
    "tpu.region"() ({
      %run_scoped3A = tpu.sem_alloc : memref<!tpu.dma_semaphore, #tpu.memory_space<semaphore_mem>>
      %dma_start3A = arith.constant 0 : i32
      %dma_start3A_105 = arith.constant 0 : i32
      %dma_start3A_106 = tpu.memref_slice %arg8[%dma_start3A, %dma_start3A_105] : memref<125x128xf32, #tpu.memory_space<vmem>> -> memref<80x128xf32, #tpu.memory_space<vmem>>
      %dma_start3A_107 = arith.constant 0 : i32
      %dma_start3A_108 = tpu.memref_slice %arg9[%add3A_12, %dma_start3A_107] : memref<10240x128xf32, #tpu.memory_space<vmem_shared>> -> memref<80x128xf32, #tpu.memory_space<vmem_shared>>
      %dma_start3A_109 = arith.constant 0 : i32
      %dma_start3A_110 = tpu.memref_slice %arg9[%add3A_12, %dma_start3A_109] : memref<10240x128xf32, #tpu.memory_space<vmem_shared>> -> memref<80x128xf32, #tpu.memory_space<vmem_shared>>
      %dma_start3A_111 = arith.constant 0 : i32
      %dma_start3A_112 = arith.constant 0 : i32
      %dma_start3A_113 = tpu.memref_slice %arg8[%dma_start3A_111, %dma_start3A_112] : memref<125x128xf32, #tpu.memory_space<vmem>> -> memref<80x128xf32, #tpu.memory_space<vmem>>
      tpu.enqueue_dma source(%dma_start3A_113 : memref<80x128xf32, #tpu.memory_space<vmem>>) target(%dma_start3A_110 : memref<80x128xf32, #tpu.memory_space<vmem_shared>>) target_semaphore(%run_scoped3A : memref<!tpu.dma_semaphore, #tpu.memory_space<semaphore_mem>>)
      %dma_wait3A = arith.constant 0 : i32
      %dma_wait3A_114 = arith.constant 0 : i32
      %dma_wait3A_115 = tpu.memref_slice %arg8[%dma_wait3A, %dma_wait3A_114] : memref<125x128xf32, #tpu.memory_space<vmem>> -> memref<80x128xf32, #tpu.memory_space<vmem>>
      %dma_wait3A_116 = arith.constant 0 : i32
      %dma_wait3A_117 = tpu.memref_slice %arg9[%add3A_12, %dma_wait3A_116] : memref<10240x128xf32, #tpu.memory_space<vmem_shared>> -> memref<80x128xf32, #tpu.memory_space<vmem_shared>>
      %dma_wait3A_118 = arith.constant 0 : i32
      %dma_wait3A_119 = tpu.memref_slice %arg9[%add3A_12, %dma_wait3A_118] : memref<10240x128xf32, #tpu.memory_space<vmem_shared>> -> memref<80x128xf32, #tpu.memory_space<vmem_shared>>
      %dma_wait3A_120 = arith.constant 0 : i32
      %dma_wait3A_121 = arith.constant 0 : i32
      %dma_wait3A_122 = tpu.memref_slice %arg8[%dma_wait3A_120, %dma_wait3A_121] : memref<125x128xf32, #tpu.memory_space<vmem>> -> memref<80x128xf32, #tpu.memory_space<vmem>>
      tpu.wait_dma2 semaphore(%run_scoped3A : memref<!tpu.dma_semaphore, #tpu.memory_space<semaphore_mem>>) src(%dma_wait3A_122 : memref<80x128xf32, #tpu.memory_space<vmem>>) dst(%dma_wait3A_119 : memref<80x128xf32, #tpu.memory_space<vmem_shared>>)
      tpu.yield
    }) : () -> ()
    %mul3A_13 = arith.constant 640 : i32
    %mul3A_14 = arith.muli %arg1, %mul3A_13 : i32
    %add3A_15 = arith.constant 80 : i32
    %add3A_16 = arith.addi %mul3A_14, %add3A_15 : i32
    "tpu.region"() ({
      %run_scoped3A = tpu.sem_alloc : memref<!tpu.dma_semaphore, #tpu.memory_space<semaphore_mem>>
      %dma_start3A = arith.constant 0 : i32
      %dma_start3A_105 = arith.constant 0 : i32
      %dma_start3A_106 = tpu.memref_slice %arg8[%dma_start3A, %dma_start3A_105] : memref<125x128xf32, #tpu.memory_space<vmem>> -> memref<80x128xf32, #tpu.memory_space<vmem>>
      %dma_start3A_107 = arith.constant 0 : i32
      %dma_start3A_108 = tpu.memref_slice %arg9[%add3A_16, %dma_start3A_107] : memref<10240x128xf32, #tpu.memory_space<vmem_shared>> -> memref<80x128xf32, #tpu.memory_space<vmem_shared>>
      %dma_start3A_109 = arith.constant 0 : i32
      %dma_start3A_110 = tpu.memref_slice %arg9[%add3A_16, %dma_start3A_109] : memref<10240x128xf32, #tpu.memory_space<vmem_shared>> -> memref<80x128xf32, #tpu.memory_space<vmem_shared>>
      %dma_start3A_111 = arith.constant 0 : i32
      %dma_start3A_112 = arith.constant 0 : i32
      %dma_start3A_113 = tpu.memref_slice %arg8[%dma_start3A_111, %dma_start3A_112] : memref<125x128xf32, #tpu.memory_space<vmem>> -> memref<80x128xf32, #tpu.memory_space<vmem>>
      tpu.enqueue_dma source(%dma_start3A_113 : memref<80x128xf32, #tpu.memory_space<vmem>>) target(%dma_start3A_110 : memref<80x128xf32, #tpu.memory_space<vmem_shared>>) target_semaphore(%run_scoped3A : memref<!tpu.dma_semaphore, #tpu.memory_space<semaphore_mem>>)
      %dma_wait3A = arith.constant 0 : i32
      %dma_wait3A_114 = arith.constant 0 : i32
      %dma_wait3A_115 = tpu.memref_slice %arg8[%dma_wait3A, %dma_wait3A_114] : memref<125x128xf32, #tpu.memory_space<vmem>> -> memref<80x128xf32, #tpu.memory_space<vmem>>
      %dma_wait3A_116 = arith.constant 0 : i32
      %dma_wait3A_117 = tpu.memref_slice %arg9[%add3A_16, %dma_wait3A_116] : memref<10240x128xf32, #tpu.memory_space<vmem_shared>> -> memref<80x128xf32, #tpu.memory_space<vmem_shared>>
      %dma_wait3A_118 = arith.constant 0 : i32
      %dma_wait3A_119 = tpu.memref_slice %arg9[%add3A_16, %dma_wait3A_118] : memref<10240x128xf32, #tpu.memory_space<vmem_shared>> -> memref<80x128xf32, #tpu.memory_space<vmem_shared>>
      %dma_wait3A_120 = arith.constant 0 : i32
      %dma_wait3A_121 = arith.constant 0 : i32
      %dma_wait3A_122 = tpu.memref_slice %arg8[%dma_wait3A_120, %dma_wait3A_121] : memref<125x128xf32, #tpu.memory_space<vmem>> -> memref<80x128xf32, #tpu.memory_space<vmem>>
      tpu.wait_dma2 semaphore(%run_scoped3A : memref<!tpu.dma_semaphore, #tpu.memory_space<semaphore_mem>>) src(%dma_wait3A_122 : memref<80x128xf32, #tpu.memory_space<vmem>>) dst(%dma_wait3A_119 : memref<80x128xf32, #tpu.memory_space<vmem_shared>>)
      tpu.yield
    }) : () -> ()
    %mul3A_17 = arith.constant 640 : i32
    %mul3A_18 = arith.muli %arg1, %mul3A_17 : i32
    %add3A_19 = arith.constant 160 : i32
    %add3A_20 = arith.addi %mul3A_18, %add3A_19 : i32
    "tpu.region"() ({
      %run_scoped3A = tpu.sem_alloc : memref<!tpu.dma_semaphore, #tpu.memory_space<semaphore_mem>>
      %dma_start3A = arith.constant 0 : i32
      %dma_start3A_105 = arith.constant 0 : i32
      %dma_start3A_106 = tpu.memref_slice %arg8[%dma_start3A, %dma_start3A_105] : memref<125x128xf32, #tpu.memory_space<vmem>> -> memref<80x128xf32, #tpu.memory_space<vmem>>
      %dma_start3A_107 = arith.constant 0 : i32
      %dma_start3A_108 = tpu.memref_slice %arg9[%add3A_20, %dma_start3A_107] : memref<10240x128xf32, #tpu.memory_space<vmem_shared>> -> memref<80x128xf32, #tpu.memory_space<vmem_shared>>
      %dma_start3A_109 = arith.constant 0 : i32
      %dma_start3A_110 = tpu.memref_slice %arg9[%add3A_20, %dma_start3A_109] : memref<10240x128xf32, #tpu.memory_space<vmem_shared>> -> memref<80x128xf32, #tpu.memory_space<vmem_shared>>
      %dma_start3A_111 = arith.constant 0 : i32
      %dma_start3A_112 = arith.constant 0 : i32
      %dma_start3A_113 = tpu.memref_slice %arg8[%dma_start3A_111, %dma_start3A_112] : memref<125x128xf32, #tpu.memory_space<vmem>> -> memref<80x128xf32, #tpu.memory_space<vmem>>
      tpu.enqueue_dma source(%dma_start3A_113 : memref<80x128xf32, #tpu.memory_space<vmem>>) target(%dma_start3A_110 : memref<80x128xf32, #tpu.memory_space<vmem_shared>>) target_semaphore(%run_scoped3A : memref<!tpu.dma_semaphore, #tpu.memory_space<semaphore_mem>>)
      %dma_wait3A = arith.constant 0 : i32
      %dma_wait3A_114 = arith.constant 0 : i32
      %dma_wait3A_115 = tpu.memref_slice %arg8[%dma_wait3A, %dma_wait3A_114] : memref<125x128xf32, #tpu.memory_space<vmem>> -> memref<80x128xf32, #tpu.memory_space<vmem>>
      %dma_wait3A_116 = arith.constant 0 : i32
      %dma_wait3A_117 = tpu.memref_slice %arg9[%add3A_20, %dma_wait3A_116] : memref<10240x128xf32, #tpu.memory_space<vmem_shared>> -> memref<80x128xf32, #tpu.memory_space<vmem_shared>>
      %dma_wait3A_118 = arith.constant 0 : i32
      %dma_wait3A_119 = tpu.memref_slice %arg9[%add3A_20, %dma_wait3A_118] : memref<10240x128xf32, #tpu.memory_space<vmem_shared>> -> memref<80x128xf32, #tpu.memory_space<vmem_shared>>
      %dma_wait3A_120 = arith.constant 0 : i32
      %dma_wait3A_121 = arith.constant 0 : i32
      %dma_wait3A_122 = tpu.memref_slice %arg8[%dma_wait3A_120, %dma_wait3A_121] : memref<125x128xf32, #tpu.memory_space<vmem>> -> memref<80x128xf32, #tpu.memory_space<vmem>>
      tpu.wait_dma2 semaphore(%run_scoped3A : memref<!tpu.dma_semaphore, #tpu.memory_space<semaphore_mem>>) src(%dma_wait3A_122 : memref<80x128xf32, #tpu.memory_space<vmem>>) dst(%dma_wait3A_119 : memref<80x128xf32, #tpu.memory_space<vmem_shared>>)
      tpu.yield
    }) : () -> ()
    %mul3A_21 = arith.constant 640 : i32
    %mul3A_22 = arith.muli %arg1, %mul3A_21 : i32
    %add3A_23 = arith.constant 240 : i32
    %add3A_24 = arith.addi %mul3A_22, %add3A_23 : i32
    "tpu.region"() ({
      %run_scoped3A = tpu.sem_alloc : memref<!tpu.dma_semaphore, #tpu.memory_space<semaphore_mem>>
      %dma_start3A = arith.constant 0 : i32
      %dma_start3A_105 = arith.constant 0 : i32
      %dma_start3A_106 = tpu.memref_slice %arg8[%dma_start3A, %dma_start3A_105] : memref<125x128xf32, #tpu.memory_space<vmem>> -> memref<80x128xf32, #tpu.memory_space<vmem>>
      %dma_start3A_107 = arith.constant 0 : i32
      %dma_start3A_108 = tpu.memref_slice %arg9[%add3A_24, %dma_start3A_107] : memref<10240x128xf32, #tpu.memory_space<vmem_shared>> -> memref<80x128xf32, #tpu.memory_space<vmem_shared>>
      %dma_start3A_109 = arith.constant 0 : i32
      %dma_start3A_110 = tpu.memref_slice %arg9[%add3A_24, %dma_start3A_109] : memref<10240x128xf32, #tpu.memory_space<vmem_shared>> -> memref<80x128xf32, #tpu.memory_space<vmem_shared>>
      %dma_start3A_111 = arith.constant 0 : i32
      %dma_start3A_112 = arith.constant 0 : i32
      %dma_start3A_113 = tpu.memref_slice %arg8[%dma_start3A_111, %dma_start3A_112] : memref<125x128xf32, #tpu.memory_space<vmem>> -> memref<80x128xf32, #tpu.memory_space<vmem>>
      tpu.enqueue_dma source(%dma_start3A_113 : memref<80x128xf32, #tpu.memory_space<vmem>>) target(%dma_start3A_110 : memref<80x128xf32, #tpu.memory_space<vmem_shared>>) target_semaphore(%run_scoped3A : memref<!tpu.dma_semaphore, #tpu.memory_space<semaphore_mem>>)
      %dma_wait3A = arith.constant 0 : i32
      %dma_wait3A_114 = arith.constant 0 : i32
      %dma_wait3A_115 = tpu.memref_slice %arg8[%dma_wait3A, %dma_wait3A_114] : memref<125x128xf32, #tpu.memory_space<vmem>> -> memref<80x128xf32, #tpu.memory_space<vmem>>
      %dma_wait3A_116 = arith.constant 0 : i32
      %dma_wait3A_117 = tpu.memref_slice %arg9[%add3A_24, %dma_wait3A_116] : memref<10240x128xf32, #tpu.memory_space<vmem_shared>> -> memref<80x128xf32, #tpu.memory_space<vmem_shared>>
      %dma_wait3A_118 = arith.constant 0 : i32
      %dma_wait3A_119 = tpu.memref_slice %arg9[%add3A_24, %dma_wait3A_118] : memref<10240x128xf32, #tpu.memory_space<vmem_shared>> -> memref<80x128xf32, #tpu.memory_space<vmem_shared>>
      %dma_wait3A_120 = arith.constant 0 : i32
      %dma_wait3A_121 = arith.constant 0 : i32
      %dma_wait3A_122 = tpu.memref_slice %arg8[%dma_wait3A_120, %dma_wait3A_121] : memref<125x128xf32, #tpu.memory_space<vmem>> -> memref<80x128xf32, #tpu.memory_space<vmem>>
      tpu.wait_dma2 semaphore(%run_scoped3A : memref<!tpu.dma_semaphore, #tpu.memory_space<semaphore_mem>>) src(%dma_wait3A_122 : memref<80x128xf32, #tpu.memory_space<vmem>>) dst(%dma_wait3A_119 : memref<80x128xf32, #tpu.memory_space<vmem_shared>>)
      tpu.yield
    }) : () -> ()
    %mul3A_25 = arith.constant 640 : i32
    %mul3A_26 = arith.muli %arg1, %mul3A_25 : i32
    %add3A_27 = arith.constant 320 : i32
    %add3A_28 = arith.addi %mul3A_26, %add3A_27 : i32
    "tpu.region"() ({
      %run_scoped3A = tpu.sem_alloc : memref<!tpu.dma_semaphore, #tpu.memory_space<semaphore_mem>>
      %dma_start3A = arith.constant 0 : i32
      %dma_start3A_105 = arith.constant 0 : i32
      %dma_start3A_106 = tpu.memref_slice %arg8[%dma_start3A, %dma_start3A_105] : memref<125x128xf32, #tpu.memory_space<vmem>> -> memref<80x128xf32, #tpu.memory_space<vmem>>
      %dma_start3A_107 = arith.constant 0 : i32
      %dma_start3A_108 = tpu.memref_slice %arg9[%add3A_28, %dma_start3A_107] : memref<10240x128xf32, #tpu.memory_space<vmem_shared>> -> memref<80x128xf32, #tpu.memory_space<vmem_shared>>
      %dma_start3A_109 = arith.constant 0 : i32
      %dma_start3A_110 = tpu.memref_slice %arg9[%add3A_28, %dma_start3A_109] : memref<10240x128xf32, #tpu.memory_space<vmem_shared>> -> memref<80x128xf32, #tpu.memory_space<vmem_shared>>
      %dma_start3A_111 = arith.constant 0 : i32
      %dma_start3A_112 = arith.constant 0 : i32
      %dma_start3A_113 = tpu.memref_slice %arg8[%dma_start3A_111, %dma_start3A_112] : memref<125x128xf32, #tpu.memory_space<vmem>> -> memref<80x128xf32, #tpu.memory_space<vmem>>
      tpu.enqueue_dma source(%dma_start3A_113 : memref<80x128xf32, #tpu.memory_space<vmem>>) target(%dma_start3A_110 : memref<80x128xf32, #tpu.memory_space<vmem_shared>>) target_semaphore(%run_scoped3A : memref<!tpu.dma_semaphore, #tpu.memory_space<semaphore_mem>>)
      %dma_wait3A = arith.constant 0 : i32
      %dma_wait3A_114 = arith.constant 0 : i32
      %dma_wait3A_115 = tpu.memref_slice %arg8[%dma_wait3A, %dma_wait3A_114] : memref<125x128xf32, #tpu.memory_space<vmem>> -> memref<80x128xf32, #tpu.memory_space<vmem>>
      %dma_wait3A_116 = arith.constant 0 : i32
      %dma_wait3A_117 = tpu.memref_slice %arg9[%add3A_28, %dma_wait3A_116] : memref<10240x128xf32, #tpu.memory_space<vmem_shared>> -> memref<80x128xf32, #tpu.memory_space<vmem_shared>>
      %dma_wait3A_118 = arith.constant 0 : i32
      %dma_wait3A_119 = tpu.memref_slice %arg9[%add3A_28, %dma_wait3A_118] : memref<10240x128xf32, #tpu.memory_space<vmem_shared>> -> memref<80x128xf32, #tpu.memory_space<vmem_shared>>
      %dma_wait3A_120 = arith.constant 0 : i32
      %dma_wait3A_121 = arith.constant 0 : i32
      %dma_wait3A_122 = tpu.memref_slice %arg8[%dma_wait3A_120, %dma_wait3A_121] : memref<125x128xf32, #tpu.memory_space<vmem>> -> memref<80x128xf32, #tpu.memory_space<vmem>>
      tpu.wait_dma2 semaphore(%run_scoped3A : memref<!tpu.dma_semaphore, #tpu.memory_space<semaphore_mem>>) src(%dma_wait3A_122 : memref<80x128xf32, #tpu.memory_space<vmem>>) dst(%dma_wait3A_119 : memref<80x128xf32, #tpu.memory_space<vmem_shared>>)
      tpu.yield
    }) : () -> ()
    %mul3A_29 = arith.constant 640 : i32
    %mul3A_30 = arith.muli %arg1, %mul3A_29 : i32
    %add3A_31 = arith.constant 400 : i32
    %add3A_32 = arith.addi %mul3A_30, %add3A_31 : i32
    "tpu.region"() ({
      %run_scoped3A = tpu.sem_alloc : memref<!tpu.dma_semaphore, #tpu.memory_space<semaphore_mem>>
      %dma_start3A = arith.constant 0 : i32
      %dma_start3A_105 = arith.constant 0 : i32
      %dma_start3A_106 = tpu.memref_slice %arg8[%dma_start3A, %dma_start3A_105] : memref<125x128xf32, #tpu.memory_space<vmem>> -> memref<80x128xf32, #tpu.memory_space<vmem>>
      %dma_start3A_107 = arith.constant 0 : i32
      %dma_start3A_108 = tpu.memref_slice %arg9[%add3A_32, %dma_start3A_107] : memref<10240x128xf32, #tpu.memory_space<vmem_shared>> -> memref<80x128xf32, #tpu.memory_space<vmem_shared>>
      %dma_start3A_109 = arith.constant 0 : i32
      %dma_start3A_110 = tpu.memref_slice %arg9[%add3A_32, %dma_start3A_109] : memref<10240x128xf32, #tpu.memory_space<vmem_shared>> -> memref<80x128xf32, #tpu.memory_space<vmem_shared>>
      %dma_start3A_111 = arith.constant 0 : i32
      %dma_start3A_112 = arith.constant 0 : i32
      %dma_start3A_113 = tpu.memref_slice %arg8[%dma_start3A_111, %dma_start3A_112] : memref<125x128xf32, #tpu.memory_space<vmem>> -> memref<80x128xf32, #tpu.memory_space<vmem>>
      tpu.enqueue_dma source(%dma_start3A_113 : memref<80x128xf32, #tpu.memory_space<vmem>>) target(%dma_start3A_110 : memref<80x128xf32, #tpu.memory_space<vmem_shared>>) target_semaphore(%run_scoped3A : memref<!tpu.dma_semaphore, #tpu.memory_space<semaphore_mem>>)
      %dma_wait3A = arith.constant 0 : i32
      %dma_wait3A_114 = arith.constant 0 : i32
      %dma_wait3A_115 = tpu.memref_slice %arg8[%dma_wait3A, %dma_wait3A_114] : memref<125x128xf32, #tpu.memory_space<vmem>> -> memref<80x128xf32, #tpu.memory_space<vmem>>
      %dma_wait3A_116 = arith.constant 0 : i32
      %dma_wait3A_117 = tpu.memref_slice %arg9[%add3A_32, %dma_wait3A_116] : memref<10240x128xf32, #tpu.memory_space<vmem_shared>> -> memref<80x128xf32, #tpu.memory_space<vmem_shared>>
      %dma_wait3A_118 = arith.constant 0 : i32
      %dma_wait3A_119 = tpu.memref_slice %arg9[%add3A_32, %dma_wait3A_118] : memref<10240x128xf32, #tpu.memory_space<vmem_shared>> -> memref<80x128xf32, #tpu.memory_space<vmem_shared>>
      %dma_wait3A_120 = arith.constant 0 : i32
      %dma_wait3A_121 = arith.constant 0 : i32
      %dma_wait3A_122 = tpu.memref_slice %arg8[%dma_wait3A_120, %dma_wait3A_121] : memref<125x128xf32, #tpu.memory_space<vmem>> -> memref<80x128xf32, #tpu.memory_space<vmem>>
      tpu.wait_dma2 semaphore(%run_scoped3A : memref<!tpu.dma_semaphore, #tpu.memory_space<semaphore_mem>>) src(%dma_wait3A_122 : memref<80x128xf32, #tpu.memory_space<vmem>>) dst(%dma_wait3A_119 : memref<80x128xf32, #tpu.memory_space<vmem_shared>>)
      tpu.yield
    }) : () -> ()
    %mul3A_33 = arith.constant 640 : i32
    %mul3A_34 = arith.muli %arg1, %mul3A_33 : i32
    %add3A_35 = arith.constant 480 : i32
    %add3A_36 = arith.addi %mul3A_34, %add3A_35 : i32
    "tpu.region"() ({
      %run_scoped3A = tpu.sem_alloc : memref<!tpu.dma_semaphore, #tpu.memory_space<semaphore_mem>>
      %dma_start3A = arith.constant 0 : i32
      %dma_start3A_105 = arith.constant 0 : i32
      %dma_start3A_106 = tpu.memref_slice %arg8[%dma_start3A, %dma_start3A_105] : memref<125x128xf32, #tpu.memory_space<vmem>> -> memref<80x128xf32, #tpu.memory_space<vmem>>
      %dma_start3A_107 = arith.constant 0 : i32
      %dma_start3A_108 = tpu.memref_slice %arg9[%add3A_36, %dma_start3A_107] : memref<10240x128xf32, #tpu.memory_space<vmem_shared>> -> memref<80x128xf32, #tpu.memory_space<vmem_shared>>
      %dma_start3A_109 = arith.constant 0 : i32
      %dma_start3A_110 = tpu.memref_slice %arg9[%add3A_36, %dma_start3A_109] : memref<10240x128xf32, #tpu.memory_space<vmem_shared>> -> memref<80x128xf32, #tpu.memory_space<vmem_shared>>
      %dma_start3A_111 = arith.constant 0 : i32
      %dma_start3A_112 = arith.constant 0 : i32
      %dma_start3A_113 = tpu.memref_slice %arg8[%dma_start3A_111, %dma_start3A_112] : memref<125x128xf32, #tpu.memory_space<vmem>> -> memref<80x128xf32, #tpu.memory_space<vmem>>
      tpu.enqueue_dma source(%dma_start3A_113 : memref<80x128xf32, #tpu.memory_space<vmem>>) target(%dma_start3A_110 : memref<80x128xf32, #tpu.memory_space<vmem_shared>>) target_semaphore(%run_scoped3A : memref<!tpu.dma_semaphore, #tpu.memory_space<semaphore_mem>>)
      %dma_wait3A = arith.constant 0 : i32
      %dma_wait3A_114 = arith.constant 0 : i32
      %dma_wait3A_115 = tpu.memref_slice %arg8[%dma_wait3A, %dma_wait3A_114] : memref<125x128xf32, #tpu.memory_space<vmem>> -> memref<80x128xf32, #tpu.memory_space<vmem>>
      %dma_wait3A_116 = arith.constant 0 : i32
      %dma_wait3A_117 = tpu.memref_slice %arg9[%add3A_36, %dma_wait3A_116] : memref<10240x128xf32, #tpu.memory_space<vmem_shared>> -> memref<80x128xf32, #tpu.memory_space<vmem_shared>>
      %dma_wait3A_118 = arith.constant 0 : i32
      %dma_wait3A_119 = tpu.memref_slice %arg9[%add3A_36, %dma_wait3A_118] : memref<10240x128xf32, #tpu.memory_space<vmem_shared>> -> memref<80x128xf32, #tpu.memory_space<vmem_shared>>
      %dma_wait3A_120 = arith.constant 0 : i32
      %dma_wait3A_121 = arith.constant 0 : i32
      %dma_wait3A_122 = tpu.memref_slice %arg8[%dma_wait3A_120, %dma_wait3A_121] : memref<125x128xf32, #tpu.memory_space<vmem>> -> memref<80x128xf32, #tpu.memory_space<vmem>>
      tpu.wait_dma2 semaphore(%run_scoped3A : memref<!tpu.dma_semaphore, #tpu.memory_space<semaphore_mem>>) src(%dma_wait3A_122 : memref<80x128xf32, #tpu.memory_space<vmem>>) dst(%dma_wait3A_119 : memref<80x128xf32, #tpu.memory_space<vmem_shared>>)
      tpu.yield
    }) : () -> ()
    %mul3A_37 = arith.constant 640 : i32
    %mul3A_38 = arith.muli %arg1, %mul3A_37 : i32
    %add3A_39 = arith.constant 560 : i32
    %add3A_40 = arith.addi %mul3A_38, %add3A_39 : i32
    "tpu.region"() ({
      %run_scoped3A = tpu.sem_alloc : memref<!tpu.dma_semaphore, #tpu.memory_space<semaphore_mem>>
      %dma_start3A = arith.constant 0 : i32
      %dma_start3A_105 = arith.constant 0 : i32
      %dma_start3A_106 = tpu.memref_slice %arg8[%dma_start3A, %dma_start3A_105] : memref<125x128xf32, #tpu.memory_space<vmem>> -> memref<80x128xf32, #tpu.memory_space<vmem>>
      %dma_start3A_107 = arith.constant 0 : i32
      %dma_start3A_108 = tpu.memref_slice %arg9[%add3A_40, %dma_start3A_107] : memref<10240x128xf32, #tpu.memory_space<vmem_shared>> -> memref<80x128xf32, #tpu.memory_space<vmem_shared>>
      %dma_start3A_109 = arith.constant 0 : i32
      %dma_start3A_110 = tpu.memref_slice %arg9[%add3A_40, %dma_start3A_109] : memref<10240x128xf32, #tpu.memory_space<vmem_shared>> -> memref<80x128xf32, #tpu.memory_space<vmem_shared>>
      %dma_start3A_111 = arith.constant 0 : i32
      %dma_start3A_112 = arith.constant 0 : i32
      %dma_start3A_113 = tpu.memref_slice %arg8[%dma_start3A_111, %dma_start3A_112] : memref<125x128xf32, #tpu.memory_space<vmem>> -> memref<80x128xf32, #tpu.memory_space<vmem>>
      tpu.enqueue_dma source(%dma_start3A_113 : memref<80x128xf32, #tpu.memory_space<vmem>>) target(%dma_start3A_110 : memref<80x128xf32, #tpu.memory_space<vmem_shared>>) target_semaphore(%run_scoped3A : memref<!tpu.dma_semaphore, #tpu.memory_space<semaphore_mem>>)
      %dma_wait3A = arith.constant 0 : i32
      %dma_wait3A_114 = arith.constant 0 : i32
      %dma_wait3A_115 = tpu.memref_slice %arg8[%dma_wait3A, %dma_wait3A_114] : memref<125x128xf32, #tpu.memory_space<vmem>> -> memref<80x128xf32, #tpu.memory_space<vmem>>
      %dma_wait3A_116 = arith.constant 0 : i32
      %dma_wait3A_117 = tpu.memref_slice %arg9[%add3A_40, %dma_wait3A_116] : memref<10240x128xf32, #tpu.memory_space<vmem_shared>> -> memref<80x128xf32, #tpu.memory_space<vmem_shared>>
      %dma_wait3A_118 = arith.constant 0 : i32
      %dma_wait3A_119 = tpu.memref_slice %arg9[%add3A_40, %dma_wait3A_118] : memref<10240x128xf32, #tpu.memory_space<vmem_shared>> -> memref<80x128xf32, #tpu.memory_space<vmem_shared>>
      %dma_wait3A_120 = arith.constant 0 : i32
      %dma_wait3A_121 = arith.constant 0 : i32
      %dma_wait3A_122 = tpu.memref_slice %arg8[%dma_wait3A_120, %dma_wait3A_121] : memref<125x128xf32, #tpu.memory_space<vmem>> -> memref<80x128xf32, #tpu.memory_space<vmem>>
      tpu.wait_dma2 semaphore(%run_scoped3A : memref<!tpu.dma_semaphore, #tpu.memory_space<semaphore_mem>>) src(%dma_wait3A_122 : memref<80x128xf32, #tpu.memory_space<vmem>>) dst(%dma_wait3A_119 : memref<80x128xf32, #tpu.memory_space<vmem_shared>>)
      tpu.yield
    }) : () -> ()
    %barrier3A = arith.constant 0 : index
    tpu.barrier barrier_id(%barrier3A)
    %scan3A_41 = arith.constant 0 : i32
    %scan3A_42 = arith.constant 0 : i32
    %scan3A_43 = arith.constant 80 : i32
    %scan3A_44 = arith.addi %scan3A_42, %scan3A_43 : i32
    %scan3A_45 = arith.constant 1 : i32
    %scan3A_46 = scf.for %scan3A_105 = %scan3A_42 to %scan3A_44 step %scan3A_45 iter_args(%scan3A_106 = %scan3A_41) -> (i32)  : i32 {
      %dma_start3A = arith.constant 0 : i32
      %dma_start3A_107 = arith.constant 0 : i32
      %dma_start3A_108 = tpu.memref_slice %arg7[%scan3A_105, %dma_start3A, %dma_start3A_107] : memref<80x2x125xi32, #tpu.memory_space<vmem>> -> memref<1x1x125xi32, #tpu.memory_space<vmem>>
      %dma_start3A_109 = tpu.memref_squeeze %dma_start3A_108 : memref<1x1x125xi32, #tpu.memory_space<vmem>> -> memref<125xi32, #tpu.memory_space<vmem>>
      %dma_start3A_110 = arith.constant 0 : i32
      %dma_start3A_111 = arith.constant 0 : i32
      %dma_start3A_112 = tpu.memref_slice %arg2[%dma_start3A_110, %dma_start3A_111] : memref<10240x128xf32, #tpu.memory_space<hbm>> -> memref<10240x128xf32, #tpu.memory_space<hbm>>
      tpu.enqueue_indirect_dma source(%dma_start3A_112 : memref<10240x128xf32, #tpu.memory_space<hbm>>) target(%arg8 : memref<125x128xf32, #tpu.memory_space<vmem>>) offsets(%dma_start3A_109 : memref<125xi32, #tpu.memory_space<vmem>>) semaphore(%arg10 : memref<!tpu.dma_semaphore, #tpu.memory_space<semaphore_mem>>)
      %dma_wait3A = arith.constant 0 : i32
      %dma_wait3A_113 = arith.constant 0 : i32
      %dma_wait3A_114 = tpu.memref_slice %arg7[%scan3A_105, %dma_wait3A, %dma_wait3A_113] : memref<80x2x125xi32, #tpu.memory_space<vmem>> -> memref<1x1x125xi32, #tpu.memory_space<vmem>>
      %dma_wait3A_115 = tpu.memref_squeeze %dma_wait3A_114 : memref<1x1x125xi32, #tpu.memory_space<vmem>> -> memref<125xi32, #tpu.memory_space<vmem>>
      %dma_wait3A_116 = arith.constant 0 : i32
      %dma_wait3A_117 = arith.constant 0 : i32
      %dma_wait3A_118 = tpu.memref_slice %arg2[%dma_wait3A_116, %dma_wait3A_117] : memref<10240x128xf32, #tpu.memory_space<hbm>> -> memref<10240x128xf32, #tpu.memory_space<hbm>>
      tpu.wait_indirect_dma semaphore(%arg10 : memref<!tpu.dma_semaphore, #tpu.memory_space<semaphore_mem>>) src(%dma_wait3A_118 : memref<10240x128xf32, #tpu.memory_space<hbm>>) dst(%arg8 : memref<125x128xf32, #tpu.memory_space<vmem>>)
      %run_scoped3A = arith.constant 1 : i32
      "tpu.region"() ({
        %run_scoped3A_120 = tpu.sem_alloc : memref<!tpu.dma_semaphore, #tpu.memory_space<semaphore_mem>>
        %dma_start3A_121 = arith.constant 0 : i32
        %dma_start3A_122 = tpu.memref_slice %arg7[%scan3A_105, %run_scoped3A, %dma_start3A_121] : memref<80x2x125xi32, #tpu.memory_space<vmem>> -> memref<1x1x125xi32, #tpu.memory_space<vmem>>
        %dma_start3A_123 = tpu.memref_squeeze %dma_start3A_122 : memref<1x1x125xi32, #tpu.memory_space<vmem>> -> memref<125xi32, #tpu.memory_space<vmem>>
        %dma_start3A_124 = arith.constant 0 : i32
        %dma_start3A_125 = arith.constant 0 : i32
        %dma_start3A_126 = tpu.memref_slice %arg9[%dma_start3A_124, %dma_start3A_125] : memref<10240x128xf32, #tpu.memory_space<vmem_shared>> -> memref<10240x128xf32, #tpu.memory_space<vmem_shared>>
        tpu.enqueue_indirect_dma source(%arg8 : memref<125x128xf32, #tpu.memory_space<vmem>>) target(%dma_start3A_126 : memref<10240x128xf32, #tpu.memory_space<vmem_shared>>) offsets(%dma_start3A_123 : memref<125xi32, #tpu.memory_space<vmem>>) semaphore(%run_scoped3A_120 : memref<!tpu.dma_semaphore, #tpu.memory_space<semaphore_mem>>) {add = true}
        %dma_wait3A_127 = arith.constant 0 : i32
        %dma_wait3A_128 = tpu.memref_slice %arg7[%scan3A_105, %run_scoped3A, %dma_wait3A_127] : memref<80x2x125xi32, #tpu.memory_space<vmem>> -> memref<1x1x125xi32, #tpu.memory_space<vmem>>
        %dma_wait3A_129 = tpu.memref_squeeze %dma_wait3A_128 : memref<1x1x125xi32, #tpu.memory_space<vmem>> -> memref<125xi32, #tpu.memory_space<vmem>>
        %dma_wait3A_130 = arith.constant 0 : i32
        %dma_wait3A_131 = arith.constant 0 : i32
        %dma_wait3A_132 = tpu.memref_slice %arg9[%dma_wait3A_130, %dma_wait3A_131] : memref<10240x128xf32, #tpu.memory_space<vmem_shared>> -> memref<10240x128xf32, #tpu.memory_space<vmem_shared>>
        tpu.wait_indirect_dma semaphore(%run_scoped3A_120 : memref<!tpu.dma_semaphore, #tpu.memory_space<semaphore_mem>>) src(%arg8 : memref<125x128xf32, #tpu.memory_space<vmem>>) dst(%dma_wait3A_132 : memref<10240x128xf32, #tpu.memory_space<vmem_shared>>)
        tpu.yield
      }) : () -> ()
      %scan3A_119 = arith.constant 0 : i32
      scf.yield %scan3A_119 : i32
    }
    %scan3A_47 = arith.constant 80 : i32
    %barrier3A_48 = arith.constant 0 : index
    tpu.barrier barrier_id(%barrier3A_48)
    %mul3A_49 = arith.constant 640 : i32
    %mul3A_50 = arith.muli %arg1, %mul3A_49 : i32
    %mul3A_51 = arith.constant 640 : i32
    %mul3A_52 = arith.muli %arg1, %mul3A_51 : i32
    "tpu.region"() ({
      %run_scoped3A = tpu.sem_alloc : memref<!tpu.dma_semaphore, #tpu.memory_space<semaphore_mem>>
      %dma_start3A = arith.constant 0 : i32
      %dma_start3A_105 = tpu.memref_slice %arg5[%arg0, %mul3A_52, %dma_start3A] : memref<2x10240x128xf32, #tpu.memory_space<hbm>> -> memref<1x640x128xf32, #tpu.memory_space<hbm>>
      %dma_start3A_106 = tpu.memref_squeeze %dma_start3A_105 : memref<1x640x128xf32, #tpu.memory_space<hbm>> -> memref<640x128xf32, #tpu.memory_space<hbm>>
      %dma_start3A_107 = arith.constant 0 : i32
      %dma_start3A_108 = tpu.memref_slice %arg9[%mul3A_50, %dma_start3A_107] : memref<10240x128xf32, #tpu.memory_space<vmem_shared>> -> memref<640x128xf32, #tpu.memory_space<vmem_shared>>
      tpu.enqueue_dma source(%dma_start3A_108 : memref<640x128xf32, #tpu.memory_space<vmem_shared>>) target(%dma_start3A_106 : memref<640x128xf32, #tpu.memory_space<hbm>>) target_semaphore(%run_scoped3A : memref<!tpu.dma_semaphore, #tpu.memory_space<semaphore_mem>>)
      %dma_wait3A = arith.constant 0 : i32
      %dma_wait3A_109 = tpu.memref_slice %arg5[%arg0, %mul3A_52, %dma_wait3A] : memref<2x10240x128xf32, #tpu.memory_space<hbm>> -> memref<1x640x128xf32, #tpu.memory_space<hbm>>
      %dma_wait3A_110 = tpu.memref_squeeze %dma_wait3A_109 : memref<1x640x128xf32, #tpu.memory_space<hbm>> -> memref<640x128xf32, #tpu.memory_space<hbm>>
      %dma_wait3A_111 = arith.constant 0 : i32
      %dma_wait3A_112 = tpu.memref_slice %arg9[%mul3A_50, %dma_wait3A_111] : memref<10240x128xf32, #tpu.memory_space<vmem_shared>> -> memref<640x128xf32, #tpu.memory_space<vmem_shared>>
      tpu.wait_dma2 semaphore(%run_scoped3A : memref<!tpu.dma_semaphore, #tpu.memory_space<semaphore_mem>>) src(%dma_wait3A_112 : memref<640x128xf32, #tpu.memory_space<vmem_shared>>) dst(%dma_wait3A_110 : memref<640x128xf32, #tpu.memory_space<hbm>>)
      tpu.yield
    }) : () -> ()
    %scan3A_53 = arith.constant 0 : i32
    %scan3A_54 = arith.constant 0 : i32
    %scan3A_55 = arith.constant 1000 : i32
    %scan3A_56 = arith.addi %scan3A_54, %scan3A_55 : i32
    %scan3A_57 = arith.constant 1 : i32
    %scan3A_58 = scf.for %scan3A_105 = %scan3A_54 to %scan3A_56 step %scan3A_57 iter_args(%scan3A_106 = %scan3A_53) -> (i32)  : i32 {
      %jit3A = arith.constant 8 : i32
      %div3A = arith.divsi %scan3A_105, %jit3A : i32
      %sign3A = arith.constant 0 : i32
      %sign3A_107 = arith.cmpi sgt, %scan3A_105, %sign3A : i32
      %sign3A_108 = arith.extui %sign3A_107 : i1 to i32
      %sign3A_109 = arith.constant 0 : i32
      %sign3A_110 = arith.cmpi slt, %scan3A_105, %sign3A_109 : i32
      %sign3A_111 = arith.extui %sign3A_110 : i1 to i32
      %sign3A_112 = arith.subi %sign3A_108, %sign3A_111 : i32
      %sign3A_113 = arith.constant 0 : i32
      %sign3A_114 = arith.cmpi sgt, %jit3A, %sign3A_113 : i32
      %sign3A_115 = arith.extui %sign3A_114 : i1 to i32
      %sign3A_116 = arith.constant 0 : i32
      %sign3A_117 = arith.cmpi slt, %jit3A, %sign3A_116 : i32
      %sign3A_118 = arith.extui %sign3A_117 : i1 to i32
      %sign3A_119 = arith.subi %sign3A_115, %sign3A_118 : i32
      %ne3A = arith.cmpi ne, %sign3A_112, %sign3A_119 : i32
      %rem3A = arith.remsi %scan3A_105, %jit3A : i32
      %ne3A_120 = arith.constant 0 : i32
      %ne3A_121 = arith.cmpi ne, %rem3A, %ne3A_120 : i32
      %and3A = arith.andi %ne3A, %ne3A_121 : i1
      %sub3A = arith.constant 1 : i32
      %sub3A_122 = arith.subi %div3A, %sub3A : i32
      %select_n3A = arith.select %and3A, %sub3A_122, %div3A : i32
      %jit3A_123 = arith.constant 8 : i32
      %eq3A = arith.constant 0 : i32
      %eq3A_124 = arith.cmpi eq, %jit3A_123, %eq3A : i32
      %jit3A_125 = arith.constant 1 : i32
      %select_n3A_126 = arith.select %eq3A_124, %jit3A_125, %jit3A_123 : i32
      %rem3A_127 = arith.remsi %scan3A_105, %select_n3A_126 : i32
      %ne3A_128 = arith.constant 0 : i32
      %ne3A_129 = arith.cmpi ne, %rem3A_127, %ne3A_128 : i32
      %lt3A = arith.constant 0 : i32
      %lt3A_130 = arith.cmpi slt, %rem3A_127, %lt3A : i32
      %lt3A_131 = arith.constant 0 : i32
      %lt3A_132 = arith.cmpi slt, %select_n3A_126, %lt3A_131 : i32
      %ne3A_133 = arith.xori %lt3A_130, %lt3A_132 : i1
      %and3A_134 = arith.andi %ne3A_133, %ne3A_129 : i1
      %add3A_135 = arith.addi %rem3A_127, %select_n3A_126 : i32
      %select_n3A_136 = arith.select %and3A_134, %add3A_135, %rem3A_127 : i32
      %mul3A_137 = arith.constant 16 : i32
      %mul3A_138 = arith.muli %select_n3A_136, %mul3A_137 : i32
      %broadcast_in_dim3A = arith.constant 0.000000e+00 : f32
      %broadcast_in_dim3A_139 = vector.broadcast %broadcast_in_dim3A : f32 to vector<16xf32>
      %swap3A = arith.index_cast %select_n3A : i32 to index
      %swap3A_140 = arith.index_cast %mul3A_138 : i32 to index
      %swap3A_141 = tpu.vector_load %arg8[%swap3A, %swap3A_140] {strides = array<i32>} : memref<125x128xf32, #tpu.memory_space<vmem>>, vector<1x16xf32>,
      %swap3A_142 = vector.shape_cast %swap3A_141 : vector<1x16xf32> to vector<16xf32>
      %swap3A_143 = vector.shape_cast %broadcast_in_dim3A_139 : vector<16xf32> to vector<1x16xf32>
      tpu.vector_store %arg8[%swap3A, %swap3A_140], %swap3A_143 {strides = array<i32>} : memref<125x128xf32, #tpu.memory_space<vmem>>, vector<1x16xf32>,
      %scan3A_144 = arith.constant 0 : i32
      scf.yield %scan3A_144 : i32
    }
    %scan3A_59 = arith.constant 1000 : i32
    %mul3A_60 = arith.constant 640 : i32
    %mul3A_61 = arith.muli %arg1, %mul3A_60 : i32
    %add3A_62 = arith.constant 0 : i32
    %add3A_63 = arith.addi %mul3A_61, %add3A_62 : i32
    "tpu.region"() ({
      %run_scoped3A = tpu.sem_alloc : memref<!tpu.dma_semaphore, #tpu.memory_space<semaphore_mem>>
      %dma_start3A = arith.constant 0 : i32
      %dma_start3A_105 = arith.constant 0 : i32
      %dma_start3A_106 = tpu.memref_slice %arg8[%dma_start3A, %dma_start3A_105] : memref<125x128xf32, #tpu.memory_space<vmem>> -> memref<80x128xf32, #tpu.memory_space<vmem>>
      %dma_start3A_107 = arith.constant 0 : i32
      %dma_start3A_108 = tpu.memref_slice %arg9[%add3A_63, %dma_start3A_107] : memref<10240x128xf32, #tpu.memory_space<vmem_shared>> -> memref<80x128xf32, #tpu.memory_space<vmem_shared>>
      %dma_start3A_109 = arith.constant 0 : i32
      %dma_start3A_110 = tpu.memref_slice %arg9[%add3A_63, %dma_start3A_109] : memref<10240x128xf32, #tpu.memory_space<vmem_shared>> -> memref<80x128xf32, #tpu.memory_space<vmem_shared>>
      %dma_start3A_111 = arith.constant 0 : i32
      %dma_start3A_112 = arith.constant 0 : i32
      %dma_start3A_113 = tpu.memref_slice %arg8[%dma_start3A_111, %dma_start3A_112] : memref<125x128xf32, #tpu.memory_space<vmem>> -> memref<80x128xf32, #tpu.memory_space<vmem>>
      tpu.enqueue_dma source(%dma_start3A_113 : memref<80x128xf32, #tpu.memory_space<vmem>>) target(%dma_start3A_110 : memref<80x128xf32, #tpu.memory_space<vmem_shared>>) target_semaphore(%run_scoped3A : memref<!tpu.dma_semaphore, #tpu.memory_space<semaphore_mem>>)
      %dma_wait3A = arith.constant 0 : i32
      %dma_wait3A_114 = arith.constant 0 : i32
      %dma_wait3A_115 = tpu.memref_slice %arg8[%dma_wait3A, %dma_wait3A_114] : memref<125x128xf32, #tpu.memory_space<vmem>> -> memref<80x128xf32, #tpu.memory_space<vmem>>
      %dma_wait3A_116 = arith.constant 0 : i32
      %dma_wait3A_117 = tpu.memref_slice %arg9[%add3A_63, %dma_wait3A_116] : memref<10240x128xf32, #tpu.memory_space<vmem_shared>> -> memref<80x128xf32, #tpu.memory_space<vmem_shared>>
      %dma_wait3A_118 = arith.constant 0 : i32
      %dma_wait3A_119 = tpu.memref_slice %arg9[%add3A_63, %dma_wait3A_118] : memref<10240x128xf32, #tpu.memory_space<vmem_shared>> -> memref<80x128xf32, #tpu.memory_space<vmem_shared>>
      %dma_wait3A_120 = arith.constant 0 : i32
      %dma_wait3A_121 = arith.constant 0 : i32
      %dma_wait3A_122 = tpu.memref_slice %arg8[%dma_wait3A_120, %dma_wait3A_121] : memref<125x128xf32, #tpu.memory_space<vmem>> -> memref<80x128xf32, #tpu.memory_space<vmem>>
      tpu.wait_dma2 semaphore(%run_scoped3A : memref<!tpu.dma_semaphore, #tpu.memory_space<semaphore_mem>>) src(%dma_wait3A_122 : memref<80x128xf32, #tpu.memory_space<vmem>>) dst(%dma_wait3A_119 : memref<80x128xf32, #tpu.memory_space<vmem_shared>>)
      tpu.yield
    }) : () -> ()
    %mul3A_64 = arith.constant 640 : i32
    %mul3A_65 = arith.muli %arg1, %mul3A_64 : i32
    %add3A_66 = arith.constant 80 : i32
    %add3A_67 = arith.addi %mul3A_65, %add3A_66 : i32
    "tpu.region"() ({
      %run_scoped3A = tpu.sem_alloc : memref<!tpu.dma_semaphore, #tpu.memory_space<semaphore_mem>>
      %dma_start3A = arith.constant 0 : i32
      %dma_start3A_105 = arith.constant 0 : i32
      %dma_start3A_106 = tpu.memref_slice %arg8[%dma_start3A, %dma_start3A_105] : memref<125x128xf32, #tpu.memory_space<vmem>> -> memref<80x128xf32, #tpu.memory_space<vmem>>
      %dma_start3A_107 = arith.constant 0 : i32
      %dma_start3A_108 = tpu.memref_slice %arg9[%add3A_67, %dma_start3A_107] : memref<10240x128xf32, #tpu.memory_space<vmem_shared>> -> memref<80x128xf32, #tpu.memory_space<vmem_shared>>
      %dma_start3A_109 = arith.constant 0 : i32
      %dma_start3A_110 = tpu.memref_slice %arg9[%add3A_67, %dma_start3A_109] : memref<10240x128xf32, #tpu.memory_space<vmem_shared>> -> memref<80x128xf32, #tpu.memory_space<vmem_shared>>
      %dma_start3A_111 = arith.constant 0 : i32
      %dma_start3A_112 = arith.constant 0 : i32
      %dma_start3A_113 = tpu.memref_slice %arg8[%dma_start3A_111, %dma_start3A_112] : memref<125x128xf32, #tpu.memory_space<vmem>> -> memref<80x128xf32, #tpu.memory_space<vmem>>
      tpu.enqueue_dma source(%dma_start3A_113 : memref<80x128xf32, #tpu.memory_space<vmem>>) target(%dma_start3A_110 : memref<80x128xf32, #tpu.memory_space<vmem_shared>>) target_semaphore(%run_scoped3A : memref<!tpu.dma_semaphore, #tpu.memory_space<semaphore_mem>>)
      %dma_wait3A = arith.constant 0 : i32
      %dma_wait3A_114 = arith.constant 0 : i32
      %dma_wait3A_115 = tpu.memref_slice %arg8[%dma_wait3A, %dma_wait3A_114] : memref<125x128xf32, #tpu.memory_space<vmem>> -> memref<80x128xf32, #tpu.memory_space<vmem>>
      %dma_wait3A_116 = arith.constant 0 : i32
      %dma_wait3A_117 = tpu.memref_slice %arg9[%add3A_67, %dma_wait3A_116] : memref<10240x128xf32, #tpu.memory_space<vmem_shared>> -> memref<80x128xf32, #tpu.memory_space<vmem_shared>>
      %dma_wait3A_118 = arith.constant 0 : i32
      %dma_wait3A_119 = tpu.memref_slice %arg9[%add3A_67, %dma_wait3A_118] : memref<10240x128xf32, #tpu.memory_space<vmem_shared>> -> memref<80x128xf32, #tpu.memory_space<vmem_shared>>
      %dma_wait3A_120 = arith.constant 0 : i32
      %dma_wait3A_121 = arith.constant 0 : i32
      %dma_wait3A_122 = tpu.memref_slice %arg8[%dma_wait3A_120, %dma_wait3A_121] : memref<125x128xf32, #tpu.memory_space<vmem>> -> memref<80x128xf32, #tpu.memory_space<vmem>>
      tpu.wait_dma2 semaphore(%run_scoped3A : memref<!tpu.dma_semaphore, #tpu.memory_space<semaphore_mem>>) src(%dma_wait3A_122 : memref<80x128xf32, #tpu.memory_space<vmem>>) dst(%dma_wait3A_119 : memref<80x128xf32, #tpu.memory_space<vmem_shared>>)
      tpu.yield
    }) : () -> ()
    %mul3A_68 = arith.constant 640 : i32
    %mul3A_69 = arith.muli %arg1, %mul3A_68 : i32
    %add3A_70 = arith.constant 160 : i32
    %add3A_71 = arith.addi %mul3A_69, %add3A_70 : i32
    "tpu.region"() ({
      %run_scoped3A = tpu.sem_alloc : memref<!tpu.dma_semaphore, #tpu.memory_space<semaphore_mem>>
      %dma_start3A = arith.constant 0 : i32
      %dma_start3A_105 = arith.constant 0 : i32
      %dma_start3A_106 = tpu.memref_slice %arg8[%dma_start3A, %dma_start3A_105] : memref<125x128xf32, #tpu.memory_space<vmem>> -> memref<80x128xf32, #tpu.memory_space<vmem>>
      %dma_start3A_107 = arith.constant 0 : i32
      %dma_start3A_108 = tpu.memref_slice %arg9[%add3A_71, %dma_start3A_107] : memref<10240x128xf32, #tpu.memory_space<vmem_shared>> -> memref<80x128xf32, #tpu.memory_space<vmem_shared>>
      %dma_start3A_109 = arith.constant 0 : i32
      %dma_start3A_110 = tpu.memref_slice %arg9[%add3A_71, %dma_start3A_109] : memref<10240x128xf32, #tpu.memory_space<vmem_shared>> -> memref<80x128xf32, #tpu.memory_space<vmem_shared>>
      %dma_start3A_111 = arith.constant 0 : i32
      %dma_start3A_112 = arith.constant 0 : i32
      %dma_start3A_113 = tpu.memref_slice %arg8[%dma_start3A_111, %dma_start3A_112] : memref<125x128xf32, #tpu.memory_space<vmem>> -> memref<80x128xf32, #tpu.memory_space<vmem>>
      tpu.enqueue_dma source(%dma_start3A_113 : memref<80x128xf32, #tpu.memory_space<vmem>>) target(%dma_start3A_110 : memref<80x128xf32, #tpu.memory_space<vmem_shared>>) target_semaphore(%run_scoped3A : memref<!tpu.dma_semaphore, #tpu.memory_space<semaphore_mem>>)
      %dma_wait3A = arith.constant 0 : i32
      %dma_wait3A_114 = arith.constant 0 : i32
      %dma_wait3A_115 = tpu.memref_slice %arg8[%dma_wait3A, %dma_wait3A_114] : memref<125x128xf32, #tpu.memory_space<vmem>> -> memref<80x128xf32, #tpu.memory_space<vmem>>
      %dma_wait3A_116 = arith.constant 0 : i32
      %dma_wait3A_117 = tpu.memref_slice %arg9[%add3A_71, %dma_wait3A_116] : memref<10240x128xf32, #tpu.memory_space<vmem_shared>> -> memref<80x128xf32, #tpu.memory_space<vmem_shared>>
      %dma_wait3A_118 = arith.constant 0 : i32
      %dma_wait3A_119 = tpu.memref_slice %arg9[%add3A_71, %dma_wait3A_118] : memref<10240x128xf32, #tpu.memory_space<vmem_shared>> -> memref<80x128xf32, #tpu.memory_space<vmem_shared>>
      %dma_wait3A_120 = arith.constant 0 : i32
      %dma_wait3A_121 = arith.constant 0 : i32
      %dma_wait3A_122 = tpu.memref_slice %arg8[%dma_wait3A_120, %dma_wait3A_121] : memref<125x128xf32, #tpu.memory_space<vmem>> -> memref<80x128xf32, #tpu.memory_space<vmem>>
      tpu.wait_dma2 semaphore(%run_scoped3A : memref<!tpu.dma_semaphore, #tpu.memory_space<semaphore_mem>>) src(%dma_wait3A_122 : memref<80x128xf32, #tpu.memory_space<vmem>>) dst(%dma_wait3A_119 : memref<80x128xf32, #tpu.memory_space<vmem_shared>>)
      tpu.yield
    }) : () -> ()
    %mul3A_72 = arith.constant 640 : i32
    %mul3A_73 = arith.muli %arg1, %mul3A_72 : i32
    %add3A_74 = arith.constant 240 : i32
    %add3A_75 = arith.addi %mul3A_73, %add3A_74 : i32
    "tpu.region"() ({
      %run_scoped3A = tpu.sem_alloc : memref<!tpu.dma_semaphore, #tpu.memory_space<semaphore_mem>>
      %dma_start3A = arith.constant 0 : i32
      %dma_start3A_105 = arith.constant 0 : i32
      %dma_start3A_106 = tpu.memref_slice %arg8[%dma_start3A, %dma_start3A_105] : memref<125x128xf32, #tpu.memory_space<vmem>> -> memref<80x128xf32, #tpu.memory_space<vmem>>
      %dma_start3A_107 = arith.constant 0 : i32
      %dma_start3A_108 = tpu.memref_slice %arg9[%add3A_75, %dma_start3A_107] : memref<10240x128xf32, #tpu.memory_space<vmem_shared>> -> memref<80x128xf32, #tpu.memory_space<vmem_shared>>
      %dma_start3A_109 = arith.constant 0 : i32
      %dma_start3A_110 = tpu.memref_slice %arg9[%add3A_75, %dma_start3A_109] : memref<10240x128xf32, #tpu.memory_space<vmem_shared>> -> memref<80x128xf32, #tpu.memory_space<vmem_shared>>
      %dma_start3A_111 = arith.constant 0 : i32
      %dma_start3A_112 = arith.constant 0 : i32
      %dma_start3A_113 = tpu.memref_slice %arg8[%dma_start3A_111, %dma_start3A_112] : memref<125x128xf32, #tpu.memory_space<vmem>> -> memref<80x128xf32, #tpu.memory_space<vmem>>
      tpu.enqueue_dma source(%dma_start3A_113 : memref<80x128xf32, #tpu.memory_space<vmem>>) target(%dma_start3A_110 : memref<80x128xf32, #tpu.memory_space<vmem_shared>>) target_semaphore(%run_scoped3A : memref<!tpu.dma_semaphore, #tpu.memory_space<semaphore_mem>>)
      %dma_wait3A = arith.constant 0 : i32
      %dma_wait3A_114 = arith.constant 0 : i32
      %dma_wait3A_115 = tpu.memref_slice %arg8[%dma_wait3A, %dma_wait3A_114] : memref<125x128xf32, #tpu.memory_space<vmem>> -> memref<80x128xf32, #tpu.memory_space<vmem>>
      %dma_wait3A_116 = arith.constant 0 : i32
      %dma_wait3A_117 = tpu.memref_slice %arg9[%add3A_75, %dma_wait3A_116] : memref<10240x128xf32, #tpu.memory_space<vmem_shared>> -> memref<80x128xf32, #tpu.memory_space<vmem_shared>>
      %dma_wait3A_118 = arith.constant 0 : i32
      %dma_wait3A_119 = tpu.memref_slice %arg9[%add3A_75, %dma_wait3A_118] : memref<10240x128xf32, #tpu.memory_space<vmem_shared>> -> memref<80x128xf32, #tpu.memory_space<vmem_shared>>
      %dma_wait3A_120 = arith.constant 0 : i32
      %dma_wait3A_121 = arith.constant 0 : i32
      %dma_wait3A_122 = tpu.memref_slice %arg8[%dma_wait3A_120, %dma_wait3A_121] : memref<125x128xf32, #tpu.memory_space<vmem>> -> memref<80x128xf32, #tpu.memory_space<vmem>>
      tpu.wait_dma2 semaphore(%run_scoped3A : memref<!tpu.dma_semaphore, #tpu.memory_space<semaphore_mem>>) src(%dma_wait3A_122 : memref<80x128xf32, #tpu.memory_space<vmem>>) dst(%dma_wait3A_119 : memref<80x128xf32, #tpu.memory_space<vmem_shared>>)
      tpu.yield
    }) : () -> ()
    %mul3A_76 = arith.constant 640 : i32
    %mul3A_77 = arith.muli %arg1, %mul3A_76 : i32
    %add3A_78 = arith.constant 320 : i32
    %add3A_79 = arith.addi %mul3A_77, %add3A_78 : i32
    "tpu.region"() ({
      %run_scoped3A = tpu.sem_alloc : memref<!tpu.dma_semaphore, #tpu.memory_space<semaphore_mem>>
      %dma_start3A = arith.constant 0 : i32
      %dma_start3A_105 = arith.constant 0 : i32
      %dma_start3A_106 = tpu.memref_slice %arg8[%dma_start3A, %dma_start3A_105] : memref<125x128xf32, #tpu.memory_space<vmem>> -> memref<80x128xf32, #tpu.memory_space<vmem>>
      %dma_start3A_107 = arith.constant 0 : i32
      %dma_start3A_108 = tpu.memref_slice %arg9[%add3A_79, %dma_start3A_107] : memref<10240x128xf32, #tpu.memory_space<vmem_shared>> -> memref<80x128xf32, #tpu.memory_space<vmem_shared>>
      %dma_start3A_109 = arith.constant 0 : i32
      %dma_start3A_110 = tpu.memref_slice %arg9[%add3A_79, %dma_start3A_109] : memref<10240x128xf32, #tpu.memory_space<vmem_shared>> -> memref<80x128xf32, #tpu.memory_space<vmem_shared>>
      %dma_start3A_111 = arith.constant 0 : i32
      %dma_start3A_112 = arith.constant 0 : i32
      %dma_start3A_113 = tpu.memref_slice %arg8[%dma_start3A_111, %dma_start3A_112] : memref<125x128xf32, #tpu.memory_space<vmem>> -> memref<80x128xf32, #tpu.memory_space<vmem>>
      tpu.enqueue_dma source(%dma_start3A_113 : memref<80x128xf32, #tpu.memory_space<vmem>>) target(%dma_start3A_110 : memref<80x128xf32, #tpu.memory_space<vmem_shared>>) target_semaphore(%run_scoped3A : memref<!tpu.dma_semaphore, #tpu.memory_space<semaphore_mem>>)
      %dma_wait3A = arith.constant 0 : i32
      %dma_wait3A_114 = arith.constant 0 : i32
      %dma_wait3A_115 = tpu.memref_slice %arg8[%dma_wait3A, %dma_wait3A_114] : memref<125x128xf32, #tpu.memory_space<vmem>> -> memref<80x128xf32, #tpu.memory_space<vmem>>
      %dma_wait3A_116 = arith.constant 0 : i32
      %dma_wait3A_117 = tpu.memref_slice %arg9[%add3A_79, %dma_wait3A_116] : memref<10240x128xf32, #tpu.memory_space<vmem_shared>> -> memref<80x128xf32, #tpu.memory_space<vmem_shared>>
      %dma_wait3A_118 = arith.constant 0 : i32
      %dma_wait3A_119 = tpu.memref_slice %arg9[%add3A_79, %dma_wait3A_118] : memref<10240x128xf32, #tpu.memory_space<vmem_shared>> -> memref<80x128xf32, #tpu.memory_space<vmem_shared>>
      %dma_wait3A_120 = arith.constant 0 : i32
      %dma_wait3A_121 = arith.constant 0 : i32
      %dma_wait3A_122 = tpu.memref_slice %arg8[%dma_wait3A_120, %dma_wait3A_121] : memref<125x128xf32, #tpu.memory_space<vmem>> -> memref<80x128xf32, #tpu.memory_space<vmem>>
      tpu.wait_dma2 semaphore(%run_scoped3A : memref<!tpu.dma_semaphore, #tpu.memory_space<semaphore_mem>>) src(%dma_wait3A_122 : memref<80x128xf32, #tpu.memory_space<vmem>>) dst(%dma_wait3A_119 : memref<80x128xf32, #tpu.memory_space<vmem_shared>>)
      tpu.yield
    }) : () -> ()
    %mul3A_80 = arith.constant 640 : i32
    %mul3A_81 = arith.muli %arg1, %mul3A_80 : i32
    %add3A_82 = arith.constant 400 : i32
    %add3A_83 = arith.addi %mul3A_81, %add3A_82 : i32
    "tpu.region"() ({
      %run_scoped3A = tpu.sem_alloc : memref<!tpu.dma_semaphore, #tpu.memory_space<semaphore_mem>>
      %dma_start3A = arith.constant 0 : i32
      %dma_start3A_105 = arith.constant 0 : i32
      %dma_start3A_106 = tpu.memref_slice %arg8[%dma_start3A, %dma_start3A_105] : memref<125x128xf32, #tpu.memory_space<vmem>> -> memref<80x128xf32, #tpu.memory_space<vmem>>
      %dma_start3A_107 = arith.constant 0 : i32
      %dma_start3A_108 = tpu.memref_slice %arg9[%add3A_83, %dma_start3A_107] : memref<10240x128xf32, #tpu.memory_space<vmem_shared>> -> memref<80x128xf32, #tpu.memory_space<vmem_shared>>
      %dma_start3A_109 = arith.constant 0 : i32
      %dma_start3A_110 = tpu.memref_slice %arg9[%add3A_83, %dma_start3A_109] : memref<10240x128xf32, #tpu.memory_space<vmem_shared>> -> memref<80x128xf32, #tpu.memory_space<vmem_shared>>
      %dma_start3A_111 = arith.constant 0 : i32
      %dma_start3A_112 = arith.constant 0 : i32
      %dma_start3A_113 = tpu.memref_slice %arg8[%dma_start3A_111, %dma_start3A_112] : memref<125x128xf32, #tpu.memory_space<vmem>> -> memref<80x128xf32, #tpu.memory_space<vmem>>
      tpu.enqueue_dma source(%dma_start3A_113 : memref<80x128xf32, #tpu.memory_space<vmem>>) target(%dma_start3A_110 : memref<80x128xf32, #tpu.memory_space<vmem_shared>>) target_semaphore(%run_scoped3A : memref<!tpu.dma_semaphore, #tpu.memory_space<semaphore_mem>>)
      %dma_wait3A = arith.constant 0 : i32
      %dma_wait3A_114 = arith.constant 0 : i32
      %dma_wait3A_115 = tpu.memref_slice %arg8[%dma_wait3A, %dma_wait3A_114] : memref<125x128xf32, #tpu.memory_space<vmem>> -> memref<80x128xf32, #tpu.memory_space<vmem>>
      %dma_wait3A_116 = arith.constant 0 : i32
      %dma_wait3A_117 = tpu.memref_slice %arg9[%add3A_83, %dma_wait3A_116] : memref<10240x128xf32, #tpu.memory_space<vmem_shared>> -> memref<80x128xf32, #tpu.memory_space<vmem_shared>>
      %dma_wait3A_118 = arith.constant 0 : i32
      %dma_wait3A_119 = tpu.memref_slice %arg9[%add3A_83, %dma_wait3A_118] : memref<10240x128xf32, #tpu.memory_space<vmem_shared>> -> memref<80x128xf32, #tpu.memory_space<vmem_shared>>
      %dma_wait3A_120 = arith.constant 0 : i32
      %dma_wait3A_121 = arith.constant 0 : i32
      %dma_wait3A_122 = tpu.memref_slice %arg8[%dma_wait3A_120, %dma_wait3A_121] : memref<125x128xf32, #tpu.memory_space<vmem>> -> memref<80x128xf32, #tpu.memory_space<vmem>>
      tpu.wait_dma2 semaphore(%run_scoped3A : memref<!tpu.dma_semaphore, #tpu.memory_space<semaphore_mem>>) src(%dma_wait3A_122 : memref<80x128xf32, #tpu.memory_space<vmem>>) dst(%dma_wait3A_119 : memref<80x128xf32, #tpu.memory_space<vmem_shared>>)
      tpu.yield
    }) : () -> ()
    %mul3A_84 = arith.constant 640 : i32
    %mul3A_85 = arith.muli %arg1, %mul3A_84 : i32
    %add3A_86 = arith.constant 480 : i32
    %add3A_87 = arith.addi %mul3A_85, %add3A_86 : i32
    "tpu.region"() ({
      %run_scoped3A = tpu.sem_alloc : memref<!tpu.dma_semaphore, #tpu.memory_space<semaphore_mem>>
      %dma_start3A = arith.constant 0 : i32
      %dma_start3A_105 = arith.constant 0 : i32
      %dma_start3A_106 = tpu.memref_slice %arg8[%dma_start3A, %dma_start3A_105] : memref<125x128xf32, #tpu.memory_space<vmem>> -> memref<80x128xf32, #tpu.memory_space<vmem>>
      %dma_start3A_107 = arith.constant 0 : i32
      %dma_start3A_108 = tpu.memref_slice %arg9[%add3A_87, %dma_start3A_107] : memref<10240x128xf32, #tpu.memory_space<vmem_shared>> -> memref<80x128xf32, #tpu.memory_space<vmem_shared>>
      %dma_start3A_109 = arith.constant 0 : i32
      %dma_start3A_110 = tpu.memref_slice %arg9[%add3A_87, %dma_start3A_109] : memref<10240x128xf32, #tpu.memory_space<vmem_shared>> -> memref<80x128xf32, #tpu.memory_space<vmem_shared>>
      %dma_start3A_111 = arith.constant 0 : i32
      %dma_start3A_112 = arith.constant 0 : i32
      %dma_start3A_113 = tpu.memref_slice %arg8[%dma_start3A_111, %dma_start3A_112] : memref<125x128xf32, #tpu.memory_space<vmem>> -> memref<80x128xf32, #tpu.memory_space<vmem>>
      tpu.enqueue_dma source(%dma_start3A_113 : memref<80x128xf32, #tpu.memory_space<vmem>>) target(%dma_start3A_110 : memref<80x128xf32, #tpu.memory_space<vmem_shared>>) target_semaphore(%run_scoped3A : memref<!tpu.dma_semaphore, #tpu.memory_space<semaphore_mem>>)
      %dma_wait3A = arith.constant 0 : i32
      %dma_wait3A_114 = arith.constant 0 : i32
      %dma_wait3A_115 = tpu.memref_slice %arg8[%dma_wait3A, %dma_wait3A_114] : memref<125x128xf32, #tpu.memory_space<vmem>> -> memref<80x128xf32, #tpu.memory_space<vmem>>
      %dma_wait3A_116 = arith.constant 0 : i32
      %dma_wait3A_117 = tpu.memref_slice %arg9[%add3A_87, %dma_wait3A_116] : memref<10240x128xf32, #tpu.memory_space<vmem_shared>> -> memref<80x128xf32, #tpu.memory_space<vmem_shared>>
      %dma_wait3A_118 = arith.constant 0 : i32
      %dma_wait3A_119 = tpu.memref_slice %arg9[%add3A_87, %dma_wait3A_118] : memref<10240x128xf32, #tpu.memory_space<vmem_shared>> -> memref<80x128xf32, #tpu.memory_space<vmem_shared>>
      %dma_wait3A_120 = arith.constant 0 : i32
      %dma_wait3A_121 = arith.constant 0 : i32
      %dma_wait3A_122 = tpu.memref_slice %arg8[%dma_wait3A_120, %dma_wait3A_121] : memref<125x128xf32, #tpu.memory_space<vmem>> -> memref<80x128xf32, #tpu.memory_space<vmem>>
      tpu.wait_dma2 semaphore(%run_scoped3A : memref<!tpu.dma_semaphore, #tpu.memory_space<semaphore_mem>>) src(%dma_wait3A_122 : memref<80x128xf32, #tpu.memory_space<vmem>>) dst(%dma_wait3A_119 : memref<80x128xf32, #tpu.memory_space<vmem_shared>>)
      tpu.yield
    }) : () -> ()
    %mul3A_88 = arith.constant 640 : i32
    %mul3A_89 = arith.muli %arg1, %mul3A_88 : i32
    %add3A_90 = arith.constant 560 : i32
    %add3A_91 = arith.addi %mul3A_89, %add3A_90 : i32
    "tpu.region"() ({
      %run_scoped3A = tpu.sem_alloc : memref<!tpu.dma_semaphore, #tpu.memory_space<semaphore_mem>>
      %dma_start3A = arith.constant 0 : i32
      %dma_start3A_105 = arith.constant 0 : i32
      %dma_start3A_106 = tpu.memref_slice %arg8[%dma_start3A, %dma_start3A_105] : memref<125x128xf32, #tpu.memory_space<vmem>> -> memref<80x128xf32, #tpu.memory_space<vmem>>
      %dma_start3A_107 = arith.constant 0 : i32
      %dma_start3A_108 = tpu.memref_slice %arg9[%add3A_91, %dma_start3A_107] : memref<10240x128xf32, #tpu.memory_space<vmem_shared>> -> memref<80x128xf32, #tpu.memory_space<vmem_shared>>
      %dma_start3A_109 = arith.constant 0 : i32
      %dma_start3A_110 = tpu.memref_slice %arg9[%add3A_91, %dma_start3A_109] : memref<10240x128xf32, #tpu.memory_space<vmem_shared>> -> memref<80x128xf32, #tpu.memory_space<vmem_shared>>
      %dma_start3A_111 = arith.constant 0 : i32
      %dma_start3A_112 = arith.constant 0 : i32
      %dma_start3A_113 = tpu.memref_slice %arg8[%dma_start3A_111, %dma_start3A_112] : memref<125x128xf32, #tpu.memory_space<vmem>> -> memref<80x128xf32, #tpu.memory_space<vmem>>
      tpu.enqueue_dma source(%dma_start3A_113 : memref<80x128xf32, #tpu.memory_space<vmem>>) target(%dma_start3A_110 : memref<80x128xf32, #tpu.memory_space<vmem_shared>>) target_semaphore(%run_scoped3A : memref<!tpu.dma_semaphore, #tpu.memory_space<semaphore_mem>>)
      %dma_wait3A = arith.constant 0 : i32
      %dma_wait3A_114 = arith.constant 0 : i32
      %dma_wait3A_115 = tpu.memref_slice %arg8[%dma_wait3A, %dma_wait3A_114] : memref<125x128xf32, #tpu.memory_space<vmem>> -> memref<80x128xf32, #tpu.memory_space<vmem>>
      %dma_wait3A_116 = arith.constant 0 : i32
      %dma_wait3A_117 = tpu.memref_slice %arg9[%add3A_91, %dma_wait3A_116] : memref<10240x128xf32, #tpu.memory_space<vmem_shared>> -> memref<80x128xf32, #tpu.memory_space<vmem_shared>>
      %dma_wait3A_118 = arith.constant 0 : i32
      %dma_wait3A_119 = tpu.memref_slice %arg9[%add3A_91, %dma_wait3A_118] : memref<10240x128xf32, #tpu.memory_space<vmem_shared>> -> memref<80x128xf32, #tpu.memory_space<vmem_shared>>
      %dma_wait3A_120 = arith.constant 0 : i32
      %dma_wait3A_121 = arith.constant 0 : i32
      %dma_wait3A_122 = tpu.memref_slice %arg8[%dma_wait3A_120, %dma_wait3A_121] : memref<125x128xf32, #tpu.memory_space<vmem>> -> memref<80x128xf32, #tpu.memory_space<vmem>>
      tpu.wait_dma2 semaphore(%run_scoped3A : memref<!tpu.dma_semaphore, #tpu.memory_space<semaphore_mem>>) src(%dma_wait3A_122 : memref<80x128xf32, #tpu.memory_space<vmem>>) dst(%dma_wait3A_119 : memref<80x128xf32, #tpu.memory_space<vmem_shared>>)
      tpu.yield
    }) : () -> ()
    %barrier3A_92 = arith.constant 0 : index
    tpu.barrier barrier_id(%barrier3A_92)
    %scan3A_93 = arith.constant 0 : i32
    %scan3A_94 = arith.constant 0 : i32
    %scan3A_95 = arith.constant 80 : i32
    %scan3A_96 = arith.addi %scan3A_94, %scan3A_95 : i32
    %scan3A_97 = arith.constant 1 : i32
    %scan3A_98 = scf.for %scan3A_105 = %scan3A_94 to %scan3A_96 step %scan3A_97 iter_args(%scan3A_106 = %scan3A_93) -> (i32)  : i32 {
      %dma_start3A = arith.constant 0 : i32
      %dma_start3A_107 = arith.constant 0 : i32
      %dma_start3A_108 = tpu.memref_slice %arg7[%scan3A_105, %dma_start3A, %dma_start3A_107] : memref<80x2x125xi32, #tpu.memory_space<vmem>> -> memref<1x1x125xi32, #tpu.memory_space<vmem>>
      %dma_start3A_109 = tpu.memref_squeeze %dma_start3A_108 : memref<1x1x125xi32, #tpu.memory_space<vmem>> -> memref<125xi32, #tpu.memory_space<vmem>>
      %dma_start3A_110 = arith.constant 0 : i32
      %dma_start3A_111 = arith.constant 0 : i32
      %dma_start3A_112 = tpu.memref_slice %arg3[%dma_start3A_110, %dma_start3A_111] : memref<10240x128xf32, #tpu.memory_space<hbm>> -> memref<10240x128xf32, #tpu.memory_space<hbm>>
      tpu.enqueue_indirect_dma source(%dma_start3A_112 : memref<10240x128xf32, #tpu.memory_space<hbm>>) target(%arg8 : memref<125x128xf32, #tpu.memory_space<vmem>>) offsets(%dma_start3A_109 : memref<125xi32, #tpu.memory_space<vmem>>) semaphore(%arg10 : memref<!tpu.dma_semaphore, #tpu.memory_space<semaphore_mem>>)
      %dma_wait3A = arith.constant 0 : i32
      %dma_wait3A_113 = arith.constant 0 : i32
      %dma_wait3A_114 = tpu.memref_slice %arg7[%scan3A_105, %dma_wait3A, %dma_wait3A_113] : memref<80x2x125xi32, #tpu.memory_space<vmem>> -> memref<1x1x125xi32, #tpu.memory_space<vmem>>
      %dma_wait3A_115 = tpu.memref_squeeze %dma_wait3A_114 : memref<1x1x125xi32, #tpu.memory_space<vmem>> -> memref<125xi32, #tpu.memory_space<vmem>>
      %dma_wait3A_116 = arith.constant 0 : i32
      %dma_wait3A_117 = arith.constant 0 : i32
      %dma_wait3A_118 = tpu.memref_slice %arg3[%dma_wait3A_116, %dma_wait3A_117] : memref<10240x128xf32, #tpu.memory_space<hbm>> -> memref<10240x128xf32, #tpu.memory_space<hbm>>
      tpu.wait_indirect_dma semaphore(%arg10 : memref<!tpu.dma_semaphore, #tpu.memory_space<semaphore_mem>>) src(%dma_wait3A_118 : memref<10240x128xf32, #tpu.memory_space<hbm>>) dst(%arg8 : memref<125x128xf32, #tpu.memory_space<vmem>>)
      %run_scoped3A = arith.constant 1 : i32
      "tpu.region"() ({
        %run_scoped3A_120 = tpu.sem_alloc : memref<!tpu.dma_semaphore, #tpu.memory_space<semaphore_mem>>
        %dma_start3A_121 = arith.constant 0 : i32
        %dma_start3A_122 = tpu.memref_slice %arg7[%scan3A_105, %run_scoped3A, %dma_start3A_121] : memref<80x2x125xi32, #tpu.memory_space<vmem>> -> memref<1x1x125xi32, #tpu.memory_space<vmem>>
        %dma_start3A_123 = tpu.memref_squeeze %dma_start3A_122 : memref<1x1x125xi32, #tpu.memory_space<vmem>> -> memref<125xi32, #tpu.memory_space<vmem>>
        %dma_start3A_124 = arith.constant 0 : i32
        %dma_start3A_125 = arith.constant 0 : i32
        %dma_start3A_126 = tpu.memref_slice %arg9[%dma_start3A_124, %dma_start3A_125] : memref<10240x128xf32, #tpu.memory_space<vmem_shared>> -> memref<10240x128xf32, #tpu.memory_space<vmem_shared>>
        tpu.enqueue_indirect_dma source(%arg8 : memref<125x128xf32, #tpu.memory_space<vmem>>) target(%dma_start3A_126 : memref<10240x128xf32, #tpu.memory_space<vmem_shared>>) offsets(%dma_start3A_123 : memref<125xi32, #tpu.memory_space<vmem>>) semaphore(%run_scoped3A_120 : memref<!tpu.dma_semaphore, #tpu.memory_space<semaphore_mem>>) {add = true}
        %dma_wait3A_127 = arith.constant 0 : i32
        %dma_wait3A_128 = tpu.memref_slice %arg7[%scan3A_105, %run_scoped3A, %dma_wait3A_127] : memref<80x2x125xi32, #tpu.memory_space<vmem>> -> memref<1x1x125xi32, #tpu.memory_space<vmem>>
        %dma_wait3A_129 = tpu.memref_squeeze %dma_wait3A_128 : memref<1x1x125xi32, #tpu.memory_space<vmem>> -> memref<125xi32, #tpu.memory_space<vmem>>
        %dma_wait3A_130 = arith.constant 0 : i32
        %dma_wait3A_131 = arith.constant 0 : i32
        %dma_wait3A_132 = tpu.memref_slice %arg9[%dma_wait3A_130, %dma_wait3A_131] : memref<10240x128xf32, #tpu.memory_space<vmem_shared>> -> memref<10240x128xf32, #tpu.memory_space<vmem_shared>>
        tpu.wait_indirect_dma semaphore(%run_scoped3A_120 : memref<!tpu.dma_semaphore, #tpu.memory_space<semaphore_mem>>) src(%arg8 : memref<125x128xf32, #tpu.memory_space<vmem>>) dst(%dma_wait3A_132 : memref<10240x128xf32, #tpu.memory_space<vmem_shared>>)
        tpu.yield
      }) : () -> ()
      %scan3A_119 = arith.constant 0 : i32
      scf.yield %scan3A_119 : i32
    }
    %scan3A_99 = arith.constant 80 : i32
    %barrier3A_100 = arith.constant 0 : index
    tpu.barrier barrier_id(%barrier3A_100)
    %mul3A_101 = arith.constant 640 : i32
    %mul3A_102 = arith.muli %arg1, %mul3A_101 : i32
    %mul3A_103 = arith.constant 640 : i32
    %mul3A_104 = arith.muli %arg1, %mul3A_103 : i32
    "tpu.region"() ({
      %run_scoped3A = tpu.sem_alloc : memref<!tpu.dma_semaphore, #tpu.memory_space<semaphore_mem>>
      %dma_start3A = arith.constant 0 : i32
      %dma_start3A_105 = tpu.memref_slice %arg6[%arg0, %mul3A_104, %dma_start3A] : memref<2x10240x128xf32, #tpu.memory_space<hbm>> -> memref<1x640x128xf32, #tpu.memory_space<hbm>>
      %dma_start3A_106 = tpu.memref_squeeze %dma_start3A_105 : memref<1x640x128xf32, #tpu.memory_space<hbm>> -> memref<640x128xf32, #tpu.memory_space<hbm>>
      %dma_start3A_107 = arith.constant 0 : i32
      %dma_start3A_108 = tpu.memref_slice %arg9[%mul3A_102, %dma_start3A_107] : memref<10240x128xf32, #tpu.memory_space<vmem_shared>> -> memref<640x128xf32, #tpu.memory_space<vmem_shared>>
      tpu.enqueue_dma source(%dma_start3A_108 : memref<640x128xf32, #tpu.memory_space<vmem_shared>>) target(%dma_start3A_106 : memref<640x128xf32, #tpu.memory_space<hbm>>) target_semaphore(%run_scoped3A : memref<!tpu.dma_semaphore, #tpu.memory_space<semaphore_mem>>)
      %dma_wait3A = arith.constant 0 : i32
      %dma_wait3A_109 = tpu.memref_slice %arg6[%arg0, %mul3A_104, %dma_wait3A] : memref<2x10240x128xf32, #tpu.memory_space<hbm>> -> memref<1x640x128xf32, #tpu.memory_space<hbm>>
      %dma_wait3A_110 = tpu.memref_squeeze %dma_wait3A_109 : memref<1x640x128xf32, #tpu.memory_space<hbm>> -> memref<640x128xf32, #tpu.memory_space<hbm>>
      %dma_wait3A_111 = arith.constant 0 : i32
      %dma_wait3A_112 = tpu.memref_slice %arg9[%mul3A_102, %dma_wait3A_111] : memref<10240x128xf32, #tpu.memory_space<vmem_shared>> -> memref<640x128xf32, #tpu.memory_space<vmem_shared>>
      tpu.wait_dma2 semaphore(%run_scoped3A : memref<!tpu.dma_semaphore, #tpu.memory_space<semaphore_mem>>) src(%dma_wait3A_112 : memref<640x128xf32, #tpu.memory_space<vmem_shared>>) dst(%dma_wait3A_110 : memref<640x128xf32, #tpu.memory_space<hbm>>)
      tpu.yield
    }) : () -> ()
    return
  }
}

module attributes {stable_mosaic.version = 14 : i64} {
  func.func @_pre1_body(%arg0: i32, %arg1: memref<1024x128xf32, #tpu.memory_space<vmem>>, %arg2: memref<128x128xf32, #tpu.memory_space<vmem>>, %arg3: memref<2x1024xf32, #tpu.memory_space<vmem>>, %arg4: memref<1024x128xf32, #tpu.memory_space<vmem>>) attributes {dimension_semantics = [#tpu.dimension_semantics<arbitrary>], iteration_bounds = array<i64: 10>, scalar_prefetch = 0 : i64, scratch_operands = 0 : i64, tpu.core_type = #tpu.core_type<tc>, window_params = [{transform_indices = @transform_0, window_bounds = array<i64: 1024, 128>}, {pipeline_mode = #tpu.pipeline_mode<synchronous>, transform_indices = @transform_1, window_bounds = array<i64: 128, 128>}, {transform_indices = @transform_2, window_bounds = array<i64: 2, 1024>}, {transform_indices = @transform_3, window_bounds = array<i64: 1024, 128>}]} {
    %get3A = arith.constant 0 : index
    %get3A_0 = arith.constant 0 : index
    %get3A_1 = vector.load %arg3[%get3A, %get3A_0] : memref<2x1024xf32, #tpu.memory_space<vmem>>, vector<2x1024xf32>
    %slice3A = vector.extract_strided_slice %get3A_1 {offsets = [0, 0], sizes = [1, 1024], strides = [1, 1]} : vector<2x1024xf32> to vector<1x1024xf32>
    %squeeze3A = vector.shape_cast %slice3A : vector<1x1024xf32> to vector<1024xf32>
    %slice3A_2 = vector.extract_strided_slice %get3A_1 {offsets = [1, 0], sizes = [1, 1024], strides = [1, 1]} : vector<2x1024xf32> to vector<1x1024xf32>
    %squeeze3A_3 = vector.shape_cast %slice3A_2 : vector<1x1024xf32> to vector<1024xf32>
    %add3A = arith.addf %squeeze3A, %squeeze3A_3 : vector<1024xf32>
    %add3A_4 = arith.constant 1.000000e+00 : f32
    %add3A_5 = vector.broadcast %add3A_4 : f32 to vector<1024xf32>
    %add3A_6 = arith.addf %add3A, %add3A_5 : vector<1024xf32>
    %rsqrt3A = math.rsqrt %add3A_6 : vector<1024xf32>
    %get3A_7 = arith.constant 0 : index
    %get3A_8 = arith.constant 0 : index
    %get3A_9 = vector.load %arg1[%get3A_7, %get3A_8] : memref<1024x128xf32, #tpu.memory_space<vmem>>, vector<1024x128xf32>
    %get3A_10 = arith.constant 0 : index
    %get3A_11 = arith.constant 0 : index
    %get3A_12 = vector.load %arg2[%get3A_10, %get3A_11] : memref<128x128xf32, #tpu.memory_space<vmem>>, vector<128x128xf32>
    %dot_general3A = arith.constant dense<0.000000e+00> : vector<1024x128xf32>
    %dot_general3A_13 = tpu.matmul %get3A_9, %get3A_12, %dot_general3A {dimension_numbers = #tpu.dot_dimension_numbers<[1], [0], [0], [1], [0, 0, 1, 1], [], []>, transpose_lhs_hint = false} : vector<1024x128xf32>, vector<128x128xf32>, vector<1024x128xf32> -> vector<1024x128xf32>
    %broadcast_in_dim3A = vector.shape_cast %rsqrt3A : vector<1024xf32> to vector<1024x1xf32>
    %mul3A = vector.broadcast %broadcast_in_dim3A : vector<1024x1xf32> to vector<1024x128xf32>
    %mul3A_14 = arith.mulf %dot_general3A_13, %mul3A : vector<1024x128xf32>
    %swap3A = arith.constant 0 : index
    %swap3A_15 = arith.constant 0 : index
    %swap3A_16 = vector.load %arg4[%swap3A, %swap3A_15] : memref<1024x128xf32, #tpu.memory_space<vmem>>, vector<1024x128xf32>
    tpu.vector_store %arg4[%swap3A, %swap3A_15], %mul3A_14 {strides = array<i32>} : memref<1024x128xf32, #tpu.memory_space<vmem>>, vector<1024x128xf32>,
    return
  }
  func.func @transform_0(%arg0: i32) -> (i32, i32) {
    %c0_i32 = arith.constant 0 : i32
    %c0_i32_0 = arith.constant 0 : i32
    return %arg0, %c0_i32 : i32, i32
  }
  func.func @transform_1(%arg0: i32) -> (i32, i32) {
    %c0_i32 = arith.constant 0 : i32
    %c0_i32_0 = arith.constant 0 : i32
    %c0_i32_1 = arith.constant 0 : i32
    return %c0_i32, %c0_i32_0 : i32, i32
  }
  func.func @transform_2(%arg0: i32) -> (i32, i32) {
    %c0_i32 = arith.constant 0 : i32
    %c0_i32_0 = arith.constant 0 : i32
    return %c0_i32, %arg0 : i32, i32
  }
  func.func @transform_3(%arg0: i32) -> (i32, i32) {
    %c0_i32 = arith.constant 0 : i32
    %c0_i32_0 = arith.constant 0 : i32
    return %arg0, %c0_i32 : i32, i32
  }
}

module attributes {stable_mosaic.version = 14 : i64} {
  func.func @_mid_body(%arg0: i32, %arg1: memref<2x1024x128xf32, #tpu.memory_space<vmem>>, %arg2: memref<1024x128xf32, #tpu.memory_space<vmem>>, %arg3: memref<2x1024xf32, #tpu.memory_space<vmem>>, %arg4: memref<128xf32, #tpu.memory_space<vmem>>, %arg5: memref<128x256xf32, #tpu.memory_space<vmem>>, %arg6: memref<1024x128xf32, #tpu.memory_space<vmem>>, %arg7: memref<1024x128xf32, #tpu.memory_space<vmem>>) attributes {dimension_semantics = [#tpu.dimension_semantics<arbitrary>], iteration_bounds = array<i64: 10>, scalar_prefetch = 0 : i64, scratch_operands = 0 : i64, tpu.core_type = #tpu.core_type<tc>, window_params = [{transform_indices = @transform_0, window_bounds = array<i64: 2, 1024, 128>}, {transform_indices = @transform_1, window_bounds = array<i64: 1024, 128>}, {transform_indices = @transform_2, window_bounds = array<i64: 2, 1024>}, {pipeline_mode = #tpu.pipeline_mode<synchronous>, transform_indices = @transform_3, window_bounds = array<i64: 128>}, {pipeline_mode = #tpu.pipeline_mode<synchronous>, transform_indices = @transform_4, window_bounds = array<i64: 128, 256>}, {transform_indices = @transform_5, window_bounds = array<i64: 1024, 128>}, {transform_indices = @transform_6, window_bounds = array<i64: 1024, 128>}]} {
    %get3A = arith.constant 0 : index
    %get3A_0 = arith.constant 0 : index
    %get3A_1 = vector.load %arg3[%get3A, %get3A_0] : memref<2x1024xf32, #tpu.memory_space<vmem>>, vector<2x1024xf32>
    %slice3A = vector.extract_strided_slice %get3A_1 {offsets = [0, 0], sizes = [1, 1024], strides = [1, 1]} : vector<2x1024xf32> to vector<1x1024xf32>
    %squeeze3A = vector.shape_cast %slice3A : vector<1x1024xf32> to vector<1024xf32>
    %slice3A_2 = vector.extract_strided_slice %get3A_1 {offsets = [1, 0], sizes = [1, 1024], strides = [1, 1]} : vector<2x1024xf32> to vector<1x1024xf32>
    %squeeze3A_3 = vector.shape_cast %slice3A_2 : vector<1x1024xf32> to vector<1024xf32>
    %add3A = arith.addf %squeeze3A, %squeeze3A_3 : vector<1024xf32>
    %add3A_4 = arith.constant 1.000000e+00 : f32
    %add3A_5 = vector.broadcast %add3A_4 : f32 to vector<1024xf32>
    %add3A_6 = arith.addf %add3A, %add3A_5 : vector<1024xf32>
    %rsqrt3A = math.rsqrt %add3A_6 : vector<1024xf32>
    %get3A_7 = arith.constant 0 : index
    %get3A_8 = arith.constant 0 : index
    %get3A_9 = arith.constant 0 : index
    %get3A_10 = vector.load %arg1[%get3A_7, %get3A_8, %get3A_9] : memref<2x1024x128xf32, #tpu.memory_space<vmem>>, vector<1x1024x128xf32>
    %get3A_11 = vector.shape_cast %get3A_10 : vector<1x1024x128xf32> to vector<1024x128xf32>
    %get3A_12 = arith.constant 1 : index
    %get3A_13 = arith.constant 0 : index
    %get3A_14 = arith.constant 0 : index
    %get3A_15 = vector.load %arg1[%get3A_12, %get3A_13, %get3A_14] : memref<2x1024x128xf32, #tpu.memory_space<vmem>>, vector<1x1024x128xf32>
    %get3A_16 = vector.shape_cast %get3A_15 : vector<1x1024x128xf32> to vector<1024x128xf32>
    %add3A_17 = arith.addf %get3A_11, %get3A_16 : vector<1024x128xf32>
    %get3A_18 = arith.constant 0 : index
    %get3A_19 = arith.constant 0 : index
    %get3A_20 = vector.load %arg2[%get3A_18, %get3A_19] : memref<1024x128xf32, #tpu.memory_space<vmem>>, vector<1024x128xf32>
    %add3A_21 = arith.addf %add3A_17, %get3A_20 : vector<1024x128xf32>
    %broadcast_in_dim3A = vector.shape_cast %rsqrt3A : vector<1024xf32> to vector<1024x1xf32>
    %mul3A = vector.broadcast %broadcast_in_dim3A : vector<1024x1xf32> to vector<1024x128xf32>
    %mul3A_22 = arith.mulf %add3A_21, %mul3A : vector<1024x128xf32>
    %get3A_23 = arith.constant 0 : index
    %get3A_24 = vector.load %arg4[%get3A_23] : memref<128xf32, #tpu.memory_space<vmem>>, vector<128xf32>
    %broadcast_in_dim3A_25 = vector.shape_cast %get3A_24 : vector<128xf32> to vector<1x128xf32>
    %add3A_26 = vector.broadcast %broadcast_in_dim3A_25 : vector<1x128xf32> to vector<1024x128xf32>
    %add3A_27 = arith.addf %mul3A_22, %add3A_26 : vector<1024x128xf32>
    %max3A = arith.constant 0.000000e+00 : f32
    %max3A_28 = vector.broadcast %max3A : f32 to vector<1024x128xf32>
    %max3A_29 = arith.maximumf %add3A_27, %max3A_28 : vector<1024x128xf32>
    %get3A_30 = arith.constant 0 : index
    %get3A_31 = arith.constant 0 : index
    %get3A_32 = vector.load %arg5[%get3A_30, %get3A_31] : memref<128x256xf32, #tpu.memory_space<vmem>>, vector<128x256xf32>
    %dot_general3A = arith.constant dense<0.000000e+00> : vector<1024x256xf32>
    %dot_general3A_33 = tpu.matmul %max3A_29, %get3A_32, %dot_general3A {dimension_numbers = #tpu.dot_dimension_numbers<[1], [0], [0], [1], [0, 0, 1, 1], [], []>, transpose_lhs_hint = false} : vector<1024x128xf32>, vector<128x256xf32>, vector<1024x256xf32> -> vector<1024x256xf32>
    %broadcast_in_dim3A_34 = vector.shape_cast %rsqrt3A : vector<1024xf32> to vector<1024x1xf32>
    %mul3A_35 = vector.broadcast %broadcast_in_dim3A_34 : vector<1024x1xf32> to vector<1024x256xf32>
    %mul3A_36 = arith.mulf %dot_general3A_33, %mul3A_35 : vector<1024x256xf32>
    %slice3A_37 = vector.extract_strided_slice %mul3A_36 {offsets = [0, 0], sizes = [1024, 128], strides = [1, 1]} : vector<1024x256xf32> to vector<1024x128xf32>
    %swap3A = arith.constant 0 : index
    %swap3A_38 = arith.constant 0 : index
    %swap3A_39 = vector.load %arg6[%swap3A, %swap3A_38] : memref<1024x128xf32, #tpu.memory_space<vmem>>, vector<1024x128xf32>
    tpu.vector_store %arg6[%swap3A, %swap3A_38], %slice3A_37 {strides = array<i32>} : memref<1024x128xf32, #tpu.memory_space<vmem>>, vector<1024x128xf32>,
    %slice3A_40 = vector.extract_strided_slice %mul3A_36 {offsets = [0, 128], sizes = [1024, 128], strides = [1, 1]} : vector<1024x256xf32> to vector<1024x128xf32>
    %swap3A_41 = arith.constant 0 : index
    %swap3A_42 = arith.constant 0 : index
    %swap3A_43 = vector.load %arg7[%swap3A_41, %swap3A_42] : memref<1024x128xf32, #tpu.memory_space<vmem>>, vector<1024x128xf32>
    tpu.vector_store %arg7[%swap3A_41, %swap3A_42], %slice3A_40 {strides = array<i32>} : memref<1024x128xf32, #tpu.memory_space<vmem>>, vector<1024x128xf32>,
    return
  }
  func.func @transform_0(%arg0: i32) -> (i32, i32, i32) {
    %c0_i32 = arith.constant 0 : i32
    %c0_i32_0 = arith.constant 0 : i32
    %c0_i32_1 = arith.constant 0 : i32
    return %c0_i32, %arg0, %c0_i32_0 : i32, i32, i32
  }
  func.func @transform_1(%arg0: i32) -> (i32, i32) {
    %c0_i32 = arith.constant 0 : i32
    %c0_i32_0 = arith.constant 0 : i32
    return %arg0, %c0_i32 : i32, i32
  }
  func.func @transform_2(%arg0: i32) -> (i32, i32) {
    %c0_i32 = arith.constant 0 : i32
    %c0_i32_0 = arith.constant 0 : i32
    return %c0_i32, %arg0 : i32, i32
  }
  func.func @transform_3(%arg0: i32) -> i32 {
    %c0_i32 = arith.constant 0 : i32
    %c0_i32_0 = arith.constant 0 : i32
    return %c0_i32 : i32
  }
  func.func @transform_4(%arg0: i32) -> (i32, i32) {
    %c0_i32 = arith.constant 0 : i32
    %c0_i32_0 = arith.constant 0 : i32
    %c0_i32_1 = arith.constant 0 : i32
    return %c0_i32, %c0_i32_0 : i32, i32
  }
  func.func @transform_5(%arg0: i32) -> (i32, i32) {
    %c0_i32 = arith.constant 0 : i32
    %c0_i32_0 = arith.constant 0 : i32
    return %arg0, %c0_i32 : i32, i32
  }
  func.func @transform_6(%arg0: i32) -> (i32, i32) {
    %c0_i32 = arith.constant 0 : i32
    %c0_i32_0 = arith.constant 0 : i32
    return %arg0, %c0_i32 : i32, i32
  }
}

module attributes {stable_mosaic.version = 14 : i64} {
  func.func @_post2_body(%arg0: i32, %arg1: memref<2x1024x128xf32, #tpu.memory_space<vmem>>, %arg2: memref<2x1024x128xf32, #tpu.memory_space<vmem>>, %arg3: memref<1024x128xf32, #tpu.memory_space<vmem>>, %arg4: memref<1024x128xf32, #tpu.memory_space<vmem>>, %arg5: memref<2x1024xf32, #tpu.memory_space<vmem>>, %arg6: memref<256xf32, #tpu.memory_space<vmem>>, %arg7: memref<1x1x1024xi32, #tpu.memory_space<vmem>>, %arg8: memref<64x256xf32, #tpu.memory_space<vmem>>) attributes {dimension_semantics = [#tpu.dimension_semantics<arbitrary>], iteration_bounds = array<i64: 10>, scalar_prefetch = 0 : i64, scratch_operands = 0 : i64, tpu.core_type = #tpu.core_type<tc>, window_params = [{transform_indices = @transform_0, window_bounds = array<i64: 2, 1024, 128>}, {transform_indices = @transform_1, window_bounds = array<i64: 2, 1024, 128>}, {transform_indices = @transform_2, window_bounds = array<i64: 1024, 128>}, {transform_indices = @transform_3, window_bounds = array<i64: 1024, 128>}, {transform_indices = @transform_4, window_bounds = array<i64: 2, 1024>}, {pipeline_mode = #tpu.pipeline_mode<synchronous>, transform_indices = @transform_5, window_bounds = array<i64: 256>}, {transform_indices = @transform_6, window_bounds = array<i64: 1, 1, 1024>}, {pipeline_mode = #tpu.pipeline_mode<synchronous>, transform_indices = @transform_7, window_bounds = array<i64: 64, 256>}]} {
    %eq3A = arith.constant 0 : i32
    %eq3A_0 = arith.cmpi eq, %arg0, %eq3A : i32
    %convert_element_type3A = arith.extui %eq3A_0 : i1 to i32
    %cond3A = arith.constant 0 : i32
    %cond3A_1 = arith.cmpi ne, %convert_element_type3A, %cond3A : i32
    scf.if %cond3A_1 {
      %broadcast_in_dim3A_56 = arith.constant 0.000000e+00 : f32
      %broadcast_in_dim3A_57 = vector.broadcast %broadcast_in_dim3A_56 : f32 to vector<64x256xf32>
      %swap3A = arith.constant 0 : index
      %swap3A_58 = arith.constant 0 : index
      %swap3A_59 = vector.load %arg8[%swap3A, %swap3A_58] : memref<64x256xf32, #tpu.memory_space<vmem>>, vector<64x256xf32>
      tpu.vector_store %arg8[%swap3A, %swap3A_58], %broadcast_in_dim3A_57 {strides = array<i32>} : memref<64x256xf32, #tpu.memory_space<vmem>>, vector<64x256xf32>,
    } else {
    }
    %get3A = arith.constant 0 : index
    %get3A_2 = arith.constant 0 : index
    %get3A_3 = vector.load %arg5[%get3A, %get3A_2] : memref<2x1024xf32, #tpu.memory_space<vmem>>, vector<2x1024xf32>
    %slice3A = vector.extract_strided_slice %get3A_3 {offsets = [0, 0], sizes = [1, 1024], strides = [1, 1]} : vector<2x1024xf32> to vector<1x1024xf32>
    %squeeze3A = vector.shape_cast %slice3A : vector<1x1024xf32> to vector<1024xf32>
    %slice3A_4 = vector.extract_strided_slice %get3A_3 {offsets = [1, 0], sizes = [1, 1024], strides = [1, 1]} : vector<2x1024xf32> to vector<1x1024xf32>
    %squeeze3A_5 = vector.shape_cast %slice3A_4 : vector<1x1024xf32> to vector<1024xf32>
    %add3A = arith.addf %squeeze3A, %squeeze3A_5 : vector<1024xf32>
    %add3A_6 = arith.constant 1.000000e+00 : f32
    %add3A_7 = vector.broadcast %add3A_6 : f32 to vector<1024xf32>
    %add3A_8 = arith.addf %add3A, %add3A_7 : vector<1024xf32>
    %rsqrt3A = math.rsqrt %add3A_8 : vector<1024xf32>
    %get3A_9 = arith.constant 0 : index
    %get3A_10 = arith.constant 0 : index
    %get3A_11 = arith.constant 0 : index
    %get3A_12 = vector.load %arg1[%get3A_9, %get3A_10, %get3A_11] : memref<2x1024x128xf32, #tpu.memory_space<vmem>>, vector<1x1024x128xf32>
    %get3A_13 = vector.shape_cast %get3A_12 : vector<1x1024x128xf32> to vector<1024x128xf32>
    %get3A_14 = arith.constant 1 : index
    %get3A_15 = arith.constant 0 : index
    %get3A_16 = arith.constant 0 : index
    %get3A_17 = vector.load %arg1[%get3A_14, %get3A_15, %get3A_16] : memref<2x1024x128xf32, #tpu.memory_space<vmem>>, vector<1x1024x128xf32>
    %get3A_18 = vector.shape_cast %get3A_17 : vector<1x1024x128xf32> to vector<1024x128xf32>
    %add3A_19 = arith.addf %get3A_13, %get3A_18 : vector<1024x128xf32>
    %get3A_20 = arith.constant 0 : index
    %get3A_21 = arith.constant 0 : index
    %get3A_22 = vector.load %arg3[%get3A_20, %get3A_21] : memref<1024x128xf32, #tpu.memory_space<vmem>>, vector<1024x128xf32>
    %add3A_23 = arith.addf %add3A_19, %get3A_22 : vector<1024x128xf32>
    %get3A_24 = arith.constant 0 : index
    %get3A_25 = arith.constant 0 : index
    %get3A_26 = arith.constant 0 : index
    %get3A_27 = vector.load %arg2[%get3A_24, %get3A_25, %get3A_26] : memref<2x1024x128xf32, #tpu.memory_space<vmem>>, vector<1x1024x128xf32>
    %get3A_28 = vector.shape_cast %get3A_27 : vector<1x1024x128xf32> to vector<1024x128xf32>
    %get3A_29 = arith.constant 1 : index
    %get3A_30 = arith.constant 0 : index
    %get3A_31 = arith.constant 0 : index
    %get3A_32 = vector.load %arg2[%get3A_29, %get3A_30, %get3A_31] : memref<2x1024x128xf32, #tpu.memory_space<vmem>>, vector<1x1024x128xf32>
    %get3A_33 = vector.shape_cast %get3A_32 : vector<1x1024x128xf32> to vector<1024x128xf32>
    %add3A_34 = arith.addf %get3A_28, %get3A_33 : vector<1024x128xf32>
    %get3A_35 = arith.constant 0 : index
    %get3A_36 = arith.constant 0 : index
    %get3A_37 = vector.load %arg4[%get3A_35, %get3A_36] : memref<1024x128xf32, #tpu.memory_space<vmem>>, vector<1024x128xf32>
    %add3A_38 = arith.addf %add3A_34, %get3A_37 : vector<1024x128xf32>
    %concatenate3A = tpu.concatenate %add3A_23, %add3A_38 in 1 : vector<1024x128xf32>, vector<1024x128xf32> -> vector<1024x256xf32>
    %broadcast_in_dim3A = vector.shape_cast %rsqrt3A : vector<1024xf32> to vector<1024x1xf32>
    %mul3A = vector.broadcast %broadcast_in_dim3A : vector<1024x1xf32> to vector<1024x256xf32>
    %mul3A_39 = arith.mulf %concatenate3A, %mul3A : vector<1024x256xf32>
    %get3A_40 = arith.constant 0 : index
    %get3A_41 = vector.load %arg6[%get3A_40] : memref<256xf32, #tpu.memory_space<vmem>>, vector<256xf32>
    %broadcast_in_dim3A_42 = vector.shape_cast %get3A_41 : vector<256xf32> to vector<1x256xf32>
    %add3A_43 = vector.broadcast %broadcast_in_dim3A_42 : vector<1x256xf32> to vector<1024x256xf32>
    %add3A_44 = arith.addf %mul3A_39, %add3A_43 : vector<1024x256xf32>
    %max3A = arith.constant 0.000000e+00 : f32
    %max3A_45 = vector.broadcast %max3A : f32 to vector<1024x256xf32>
    %max3A_46 = arith.maximumf %add3A_44, %max3A_45 : vector<1024x256xf32>
    %get3A_47 = arith.constant 0 : index
    %get3A_48 = arith.constant 0 : index
    %get3A_49 = arith.constant 0 : index
    %get3A_50 = vector.load %arg7[%get3A_47, %get3A_48, %get3A_49] : memref<1x1x1024xi32, #tpu.memory_space<vmem>>, vector<1x1x1024xi32>
    %get3A_51 = vector.shape_cast %get3A_50 : vector<1x1x1024xi32> to vector<1024xi32>
    %scan3A = arith.constant 0 : i32
    %scan3A_52 = arith.constant 64 : i32
    %scan3A_53 = arith.addi %scan3A, %scan3A_52 : i32
    %scan3A_54 = arith.constant 1 : i32
    scf.for %scan3A_56 = %scan3A to %scan3A_53 step %scan3A_54  : i32 {
      %broadcast_in_dim3A_57 = vector.shape_cast %get3A_51 : vector<1024xi32> to vector<1024x1xi32>
      %eq3A_58 = vector.broadcast %scan3A_56 : i32 to vector<1024x1xi32>
      %eq3A_59 = arith.cmpi eq, %broadcast_in_dim3A_57, %eq3A_58 : vector<1024x1xi32>
      %jit3A = arith.constant 0.000000e+00 : f32
      %broadcast_in_dim3A_60 = vector.shape_cast %eq3A_59 : vector<1024x1xi1> to vector<1024x1xi1>
      %broadcast_in_dim3A_61 = vector.broadcast %broadcast_in_dim3A_60 : vector<1024x1xi1> to vector<1024x256xi1>
      %broadcast_in_dim3A_62 = vector.broadcast %jit3A : f32 to vector<1024x256xf32>
      %select_n3A = arith.select %broadcast_in_dim3A_61, %max3A_46, %broadcast_in_dim3A_62 : vector<1024x256xi1>, vector<1024x256xf32>
      %reduce_max3A = arith.constant dense<0xFF800000> : vector<256xf32>
      %reduce_max3A_63 = vector.multi_reduction <maximumf>, %select_n3A, %reduce_max3A [0] : vector<1024x256xf32> to vector<256xf32>
      %broadcast_in_dim3A_64 = vector.shape_cast %reduce_max3A_63 : vector<256xf32> to vector<1x256xf32>
      %get3A_65 = arith.index_cast %scan3A_56 : i32 to index
      %get3A_66 = arith.constant 0 : index
      %get3A_67 = vector.load %arg8[%get3A_65, %get3A_66] : memref<64x256xf32, #tpu.memory_space<vmem>>, vector<1x256xf32>
      %max3A_68 = arith.maximumf %get3A_67, %broadcast_in_dim3A_64 : vector<1x256xf32>
      %swap3A = arith.index_cast %scan3A_56 : i32 to index
      %swap3A_69 = arith.constant 0 : index
      %swap3A_70 = vector.load %arg8[%swap3A, %swap3A_69] : memref<64x256xf32, #tpu.memory_space<vmem>>, vector<1x256xf32>
      tpu.vector_store %arg8[%swap3A, %swap3A_69], %max3A_68 {strides = array<i32>} : memref<64x256xf32, #tpu.memory_space<vmem>>, vector<1x256xf32>,
    }
    %scan3A_55 = arith.constant 64 : i32
    return
  }
  func.func @transform_0(%arg0: i32) -> (i32, i32, i32) {
    %c0_i32 = arith.constant 0 : i32
    %c0_i32_0 = arith.constant 0 : i32
    %c0_i32_1 = arith.constant 0 : i32
    return %c0_i32, %arg0, %c0_i32_0 : i32, i32, i32
  }
  func.func @transform_1(%arg0: i32) -> (i32, i32, i32) {
    %c0_i32 = arith.constant 0 : i32
    %c0_i32_0 = arith.constant 0 : i32
    %c0_i32_1 = arith.constant 0 : i32
    return %c0_i32, %arg0, %c0_i32_0 : i32, i32, i32
  }
  func.func @transform_2(%arg0: i32) -> (i32, i32) {
    %c0_i32 = arith.constant 0 : i32
    %c0_i32_0 = arith.constant 0 : i32
    return %arg0, %c0_i32 : i32, i32
  }
  func.func @transform_3(%arg0: i32) -> (i32, i32) {
    %c0_i32 = arith.constant 0 : i32
    %c0_i32_0 = arith.constant 0 : i32
    return %arg0, %c0_i32 : i32, i32
  }
  func.func @transform_4(%arg0: i32) -> (i32, i32) {
    %c0_i32 = arith.constant 0 : i32
    %c0_i32_0 = arith.constant 0 : i32
    return %c0_i32, %arg0 : i32, i32
  }
  func.func @transform_5(%arg0: i32) -> i32 {
    %c0_i32 = arith.constant 0 : i32
    %c0_i32_0 = arith.constant 0 : i32
    return %c0_i32 : i32
  }
  func.func @transform_6(%arg0: i32) -> (i32, i32, i32) {
    %c0_i32 = arith.constant 0 : i32
    %c0_i32_0 = arith.constant 0 : i32
    %c0_i32_1 = arith.constant 0 : i32
    return %arg0, %c0_i32, %c0_i32_0 : i32, i32, i32
  }
  func.func @transform_7(%arg0: i32) -> (i32, i32) {
    %c0_i32 = arith.constant 0 : i32
    %c0_i32_0 = arith.constant 0 : i32
    %c0_i32_1 = arith.constant 0 : i32
    return %c0_i32, %c0_i32_0 : i32, i32
  }
}

module attributes {stable_mosaic.version = 14 : i64} {
  func.func @_head_body(%arg0: memref<64x256xf32, #tpu.memory_space<vmem>>, %arg1: memref<256x1024xf32, #tpu.memory_space<vmem>>, %arg2: memref<1024xf32, #tpu.memory_space<vmem>>, %arg3: memref<1024x128xf32, #tpu.memory_space<vmem>>, %arg4: memref<128xf32, #tpu.memory_space<vmem>>, %arg5: memref<128x1xf32, #tpu.memory_space<vmem>>, %arg6: memref<1xf32, #tpu.memory_space<vmem>>, %arg7: memref<64x1xf32, #tpu.memory_space<vmem>>) attributes {dimension_semantics = [], scalar_prefetch = 0 : i64, scratch_operands = 0 : i64, tpu.core_type = #tpu.core_type<tc>} {
    %get3A = arith.constant 0 : index
    %get3A_0 = arith.constant 0 : index
    %get3A_1 = vector.load %arg0[%get3A, %get3A_0] : memref<64x256xf32, #tpu.memory_space<vmem>>, vector<64x256xf32>
    %get3A_2 = arith.constant 0 : index
    %get3A_3 = arith.constant 0 : index
    %get3A_4 = vector.load %arg1[%get3A_2, %get3A_3] : memref<256x1024xf32, #tpu.memory_space<vmem>>, vector<256x1024xf32>
    %dot_general3A = arith.constant dense<0.000000e+00> : vector<64x1024xf32>
    %dot_general3A_5 = tpu.matmul %get3A_1, %get3A_4, %dot_general3A {dimension_numbers = #tpu.dot_dimension_numbers<[1], [0], [0], [1], [0, 0, 1, 1], [], []>, transpose_lhs_hint = false} : vector<64x256xf32>, vector<256x1024xf32>, vector<64x1024xf32> -> vector<64x1024xf32>
    %get3A_6 = arith.constant 0 : index
    %get3A_7 = vector.load %arg2[%get3A_6] : memref<1024xf32, #tpu.memory_space<vmem>>, vector<1024xf32>
    %broadcast_in_dim3A = vector.shape_cast %get3A_7 : vector<1024xf32> to vector<1x1024xf32>
    %add3A = vector.broadcast %broadcast_in_dim3A : vector<1x1024xf32> to vector<64x1024xf32>
    %add3A_8 = arith.addf %dot_general3A_5, %add3A : vector<64x1024xf32>
    %max3A = arith.constant 0.000000e+00 : f32
    %max3A_9 = vector.broadcast %max3A : f32 to vector<64x1024xf32>
    %max3A_10 = arith.maximumf %add3A_8, %max3A_9 : vector<64x1024xf32>
    %get3A_11 = arith.constant 0 : index
    %get3A_12 = arith.constant 0 : index
    %get3A_13 = vector.load %arg3[%get3A_11, %get3A_12] : memref<1024x128xf32, #tpu.memory_space<vmem>>, vector<1024x128xf32>
    %dot_general3A_14 = arith.constant dense<0.000000e+00> : vector<64x128xf32>
    %dot_general3A_15 = tpu.matmul %max3A_10, %get3A_13, %dot_general3A_14 {dimension_numbers = #tpu.dot_dimension_numbers<[1], [0], [0], [1], [0, 0, 1, 1], [], []>, transpose_lhs_hint = false} : vector<64x1024xf32>, vector<1024x128xf32>, vector<64x128xf32> -> vector<64x128xf32>
    %get3A_16 = arith.constant 0 : index
    %get3A_17 = vector.load %arg4[%get3A_16] : memref<128xf32, #tpu.memory_space<vmem>>, vector<128xf32>
    %broadcast_in_dim3A_18 = vector.shape_cast %get3A_17 : vector<128xf32> to vector<1x128xf32>
    %add3A_19 = vector.broadcast %broadcast_in_dim3A_18 : vector<1x128xf32> to vector<64x128xf32>
    %add3A_20 = arith.addf %dot_general3A_15, %add3A_19 : vector<64x128xf32>
    %get3A_21 = arith.constant 0 : index
    %get3A_22 = arith.constant 0 : index
    %get3A_23 = vector.load %arg5[%get3A_21, %get3A_22] : memref<128x1xf32, #tpu.memory_space<vmem>>, vector<128x1xf32>
    %dot_general3A_24 = arith.constant dense<0.000000e+00> : vector<64x1xf32>
    %dot_general3A_25 = tpu.matmul %add3A_20, %get3A_23, %dot_general3A_24 {dimension_numbers = #tpu.dot_dimension_numbers<[1], [0], [0], [1], [0, 0, 1, 1], [], []>, transpose_lhs_hint = false} : vector<64x128xf32>, vector<128x1xf32>, vector<64x1xf32> -> vector<64x1xf32>
    %get3A_26 = arith.constant 0 : index
    %get3A_27 = vector.load %arg6[%get3A_26] : memref<1xf32, #tpu.memory_space<vmem>>, vector<1xf32>
    %broadcast_in_dim3A_28 = vector.shape_cast %get3A_27 : vector<1xf32> to vector<1x1xf32>
    %add3A_29 = vector.broadcast %broadcast_in_dim3A_28 : vector<1x1xf32> to vector<64x1xf32>
    %add3A_30 = arith.addf %dot_general3A_25, %add3A_29 : vector<64x1xf32>
    %swap3A = arith.constant 0 : index
    %swap3A_31 = arith.constant 0 : index
    %swap3A_32 = vector.load %arg7[%swap3A, %swap3A_31] : memref<64x1xf32, #tpu.memory_space<vmem>>, vector<64x1xf32>
    tpu.vector_store %arg7[%swap3A, %swap3A_31], %add3A_30 {strides = array<i32>} : memref<64x1xf32, #tpu.memory_space<vmem>>, vector<64x1xf32>,
    return
  }
}

</mosaic_0001>

<sc_bundles>
// kernel: kernel.12.cloned.1.call-start
scs
__scs_entry_jumppad:
0x0: {  	(pc) =	sbr.rel $0x88, $3  }
0x1: {  	(tag) =	ssettag $0x0;
	lr =	simm.s32 $0x1  }
0x2: {  	[smem:$0x3F94] =	sst lr;
	_ =	strace $0xD0000000  }
0x3: {  	_ = 	snop  }
0x4: {  	_ = 	snop  }
0x5: {  	_ = 	snop  }
0x6: {  	_ = 	snop  }
0x7: {  	_ = 	snop  }
__scs_overlays_trampoline_lowered:
0x8: {  	[smem:$0x3FA3] =	sst s0  }
0x9: {  	[smem:$0x3FA4] =	sst s1  }
0xa: {  	[smem:$0x3FA5] =	sst s2  }
0xb: {  	[smem:$0x3FA6] =	sst s3  }
0xc: {  	[smem:$0x3FA7] =	sst s4  }
0xd: {  	[smem:$0x3FA8] =	sst s5  }
0xe: {  	[smem:$0x3FA9] =	sst s6  }
0xf: {  	[smem:$0x3FAA] =	sst s7  }
0x10: {  	[smem:$0x3FAB] =	sst s8  }
0x11: {  	[smem:$0x3FAC] =	sst s9;
	s0 =	simm.s32 @!p0 $0x0  }
0x12: {  	s1 =	sld [smem:$0x3F92];
	s0 =	simm.s32 @p0 $0x1  }
0x13: {  	[smem:$0x3FAD] =	sst s0;
	s0 =	simm.s32 @!p1 $0x0  }
0x14: {  	s2 =	sld [smem:$0x3F91];
	s0 =	simm.s32 @p1 $0x1  }
0x15: {  	[smem:$0x3FAE] =	sst s0;
	s0 =	simm.s32 @!p2 $0x0  }
0x16: {  	s3 =	sld [smem:$0x3FDB];
	s0 =	simm.s32 @p2 $0x1  }
0x17: {  	s4 =	simm.s32 $0x1BF5;
	[smem:$0x3FB0] =	sst s0  }
0x18: {  	s0 =	sld [smem:$0x3F93];
	_ =	swait.ge [sflag:s4], $0x0  }
0x19: {  	s7 =	sld [smem:$0x3F94]  }
0x1a: {  	s8 =	sadd.s32 $0xFFFFE003, lr  }
0x1b: {  	s9 =	sadd.s32 $0xFFFFFEF7, lr;
	s5 =	simm.s32 $0xFFFFFFFF;
	p2 =	slt.u32 s8, $0xFFFFF086  }
0x1c: {  	p1 =	slt.u32 s9, $0xF7A;
	s5 =	simm.s32 @!p2 $0x0  }
0x1d: {  	s5 =	simm.s32 @p1 $0x1;
	p0 =	seq.s32 s7, s2  }
0x1e: {  	s7 =	smul.u32 @!p0 $0xF7A, s2;
	p2 =	seq.s32 @!p0 s5, $0x0  }
0x1f: {  	s9 =	smul.u32 $0xF7A, s1;
	s8 =	simm.s32 @!p0 $0x1BF5;
	p2 =	por !p2, p0  }
0x20: {  	[sflag:s8] =	ssyncset.s32 @!p0 $0xFFFFF086;
	s6 =	sadd.s32 @!p0 s3, s7;
	s7 =	simm.s32 @!p0 $0x108  }
0x21: {  	s3 =	sadd.s32 s3, s9;
	s6 =	sadd.s32 @!p0 $0x88, s6;
	s7 =	simm.s32 @p2 $0x1082  }
0x22: {  	[simem:s7], [sflag:s8] =	dma.local @!p0 [hbm:s6], $0xF7A  }
0x23: {  	s9 =	sor.u32 $0xD0000000, s2;
	s6 =	simm.s32 $0x108;
	_ =	swait.ge @!p0 [sflag:s8], $0x0  }
0x24: {  	s3 =	sadd.s32 $0x88, s3;
	s6 =	simm.s32 @!p1 $0x1082;
	[sflag:s4] =	ssyncset.s32 $0xFFFFF086  }
0x25: {  	[simem:s6], [sflag:s4] =	dma.local [hbm:s3], $0xF7A  }
0x26: {  	[smem:$0x3F94] =	sst s1;
	(tag) =	ssettag s2;
	_ =	strace s9  }
0x27: {  	s1 =	sld [smem:$0x3FA4]  }
0x28: {  	s2 =	sld [smem:$0x3FA5]  }
0x29: {  	s4 =	sld [smem:$0x3FA7]  }
0x2a: {  	p0 =	seq.s32 s5, $0x0;
	s5 =	sld [smem:$0x3FA8]  }
0x2b: {  	s6 =	sld [smem:$0x3FA9]  }
0x2c: {  	s7 =	sld [smem:$0x3FAA]  }
0x2d: {  	s3 =	simm.s32 $0x108;
	s8 =	sld [smem:$0x3FAB]  }
0x2e: {  	s3 =	simm.s32 @!p0 $0x1082;
	s9 =	sld [smem:$0x3FAC]  }
0x2f: {  	lr =	sadd.s32 s0, s3;
	s0 =	sld [smem:$0x3FA3]  }
0x30: {  	s3 =	sld [smem:$0x3FA6]  }
0x31: {  	[smem:$0x3FAF] =	sst s10  }
0x32: {  	s10 =	sld [smem:$0x3FAD];
	_ =	sdelay $0x3  }
0x33: {  	p0 =	seq.s32 s10, $0x1;
	s10 =	sld [smem:$0x3FAF];
	_ =	sdelay $0x3  }
0x34: {  	[smem:$0x3FAF] =	sst s10  }
0x35: {  	s10 =	sld [smem:$0x3FAE];
	_ =	sdelay $0x3  }
0x36: {  	p1 =	seq.s32 s10, $0x1;
	s10 =	sld [smem:$0x3FAF];
	_ =	sdelay $0x3  }
0x37: {  	[smem:$0x3FAF] =	sst s10  }
0x38: {  	s10 =	sld [smem:$0x3FB0]  }
0x39: {  	_ = 	snop;
	(pc) =	sbr.ind lr, $3  }
0x3a: {  	_ = 	snop  }
0x3b: {  	_ = 	snop  }
0x3c: {  	p2 =	seq.s32 s10, $0x1;
	s10 =	sld [smem:$0x3FAF]  }
0x3d: {  	_ =	shalt  }
0x3e: {  	_ =	shalt  }
0x3f: {  	_ =	shalt  }
0x40: {  	_ =	shalt  }
0x41: {  	_ =	shalt  }
0x42: {  	_ =	shalt  }
0x43: {  	_ =	shalt  }
0x44: {  	_ =	shalt  }
0x45: {  	_ =	shalt  }
0x46: {  	_ =	shalt  }
0x47: {  	_ =	shalt  }
0x48: {  	_ =	shalt  }
0x49: {  	_ =	shalt  }
0x4a: {  	_ =	shalt  }
0x4b: {  	_ =	shalt  }
0x4c: {  	_ =	shalt  }
0x4d: {  	_ =	shalt  }
0x4e: {  	_ =	shalt  }
0x4f: {  	_ =	shalt  }
0x50: {  	_ =	shalt  }
0x51: {  	_ =	shalt  }
0x52: {  	_ =	shalt  }
0x53: {  	_ =	shalt  }
0x54: {  	_ =	shalt  }
0x55: {  	_ =	shalt  }
0x56: {  	_ =	shalt  }
0x57: {  	_ =	shalt  }
0x58: {  	_ =	shalt  }
0x59: {  	_ =	shalt  }
0x5a: {  	_ =	shalt  }
0x5b: {  	_ =	shalt  }
0x5c: {  	_ =	shalt  }
0x5d: {  	_ =	shalt  }
0x5e: {  	_ =	shalt  }
0x5f: {  	_ =	shalt  }
0x60: {  	_ =	shalt  }
0x61: {  	_ =	shalt  }
0x62: {  	_ =	shalt  }
0x63: {  	_ =	shalt  }
0x64: {  	_ =	shalt  }
0x65: {  	_ =	shalt  }
0x66: {  	_ =	shalt  }
0x67: {  	_ =	shalt  }
0x68: {  	_ =	shalt  }
0x69: {  	_ =	shalt  }
0x6a: {  	_ =	shalt  }
0x6b: {  	_ =	shalt  }
0x6c: {  	_ =	shalt  }
0x6d: {  	_ =	shalt  }
0x6e: {  	_ =	shalt  }
0x6f: {  	_ =	shalt  }
0x70: {  	_ =	shalt  }
0x71: {  	_ =	shalt  }
0x72: {  	_ =	shalt  }
0x73: {  	_ =	shalt  }
0x74: {  	_ =	shalt  }
0x75: {  	_ =	shalt  }
0x76: {  	_ =	shalt  }
0x77: {  	_ =	shalt  }
0x78: {  	_ =	shalt  }
0x79: {  	_ =	shalt  }
0x7a: {  	_ =	shalt  }
0x7b: {  	_ =	shalt  }
0x7c: {  	_ =	shalt  }
0x7d: {  	_ =	shalt  }
0x7e: {  	_ =	shalt  }
0x7f: {  	_ =	shalt  }
0x80: {  	_ =	shalt  }
0x81: {  	_ =	shalt  }
0x82: {  	_ =	shalt  }
0x83: {  	_ =	shalt  }
0x84: {  	_ =	shalt  }
0x85: {  	_ =	shalt  }
0x86: {  	_ =	shalt  }
0x87: {  	_ =	shalt  }
.Lfunc_end0:
.L_simem_size_0:
called_computation.1_lowered:
.L_overlay_start_0:
0x88: {  	s2 =	sld [smem:$0x3FD9]  }
0x89: {  	s3 =	sld [smem:$0x3FFE];
	_ =	sdelay $0x1  }
0x8a: {  	s1 =	srdreg.scid  }
0x8b: {  	s0 =	sand.u32 $0x1, s1  }
0x8c: {  	s16 =	sshll.u32 s0, $0xA;
	s2 =	sadd.s32 s3, s2  }
0x8d: {  	s2 =	sadd.s32 s2, s16  }
0x8e: {  	[smem:$0x3FBB] =	sst s2  }
0x8f: {  	_ = 	snop  }
0x90: {  	(tm) =	ssettm $0x1  }
0x91: {  	s17 =	sld [smem:$0x3FFB];
	_ =	sdelay $0x3  }
0x92: {  	_ =	strace s17  }
0x93: {  	s2 =	sld [smem:$0x3FFC];
	_ =	sdelay $0x3  }
0x94: {  	_ =	strace s2  }
0x95: {  	s2 =	sld [smem:$0x3FFD];
	_ =	sdelay $0x3  }
0x96: {  	_ =	strace s2  }
0x97: {  	_ =	strace $0x8FFFFFFF  }
0x98: {  	s18 =	sld [smem:$0x3FDB];
	_ =	sdelay $0x1  }
0x99: {  	s19 =	simm.s32 $_scs_section_size  }
0x9a: {  	s4 =	simm.s32 $_size__tile_overlayer_lowered;
	s5 =	simm.s32 $_tile_overlayer_lowered  }
0x9b: {  	s22 =	simm.s32 $0x1BFF;
	s21 =	sshll.u32 s5, $0x1;
	s2 =	sadd.s32 s19, s18  }
0x9c: {  	s6 =	simm.s32 $0x0;
	s20 =	sshll.u32 s4, $0x1;
	s4 =	sadd.s32 s21, s2  }
0x9d: {  	[timem:s6], [sflag:s22] =	dma.local [hbm:s4], s20  }
0x9e: {  	_ =	swait.ge [sflag:s22], s20  }
0x9f: {  	s3 =	ssub.s32 $0x0, s20;
	[sflag:s22] =	ssyncset.done $0x0  }
0xa0: {  	[sflag:s22] =	ssyncadd.s32 s3;
	_ =	sdelay $0x1  }
0xa1: {  	s23 =	simm.s32 $0x1B8B  }
0xa2: {  	_ =	swait.ge [sflag:s23], $0x1  }
0xa3: {  	[sflag:s23] =	ssyncset.done $0x0  }
0xa4: {  	s25 =	simm.s32 $0x1B8E;
	s24 =	sld [smem:$0x3FFE];
	[sflag:s23] =	ssyncadd.s32 $0xFFFFFFFF  }
0xa5: {  	s26 =	simm.s32 $execute0_lowered;
	[smem:$0x3FD2] =	sst s25  }
0xa6: {  	s4 =	sshll.u32 s26, $0x1;
	_ =	strace $0x80000049;
	[dreg:$0x1] =	wrdreg $0xFFFFFFFF  }
0xa7: {  	s28 =	simm.s32 $_size_execute0_lowered;
	s2 =	sadd.s32 s2, s4;
	[dreg:$0x0] =	wrdreg $0x0  }
0xa8: {  	s4 =	sshll.u32 s28, $0x1;
	[dreg:$0x2] =	wrdreg s2  }
0xa9: {  	[dreg:$0x3] =	wrdreg s4  }
0xaa: {  	[dreg:$0x4] =	wrdreg $0xC0  }
0xab: {  	_ =	task [dreg:s6], $0x5FFFF  }
0xac: {  	[dreg:$0x1] =	wrdreg $0xFFFFFFFF  }
0xad: {  	[dreg:$0x0] =	wrdreg $0x60  }
0xae: {  	[dreg:$0x2] =	wrdreg s24  }
0xaf: {  	[dreg:$0x3] =	wrdreg $0x90000  }
0xb0: {  	[dreg:$0x4] =	wrdreg $0x9  }
0xb1: {  	_ =	task.clear_ibuf [dreg:s6], $0x5FFFF;
	_ =	strace $0x90000049  }
0xb2: {  	s29 =	simm.s32 $0x9;
	_ =	strace $0x8000004B  }
0xb3: {  	_ =	swait.ge [sflag:s29], $0x1  }
0xb4: {  	[sflag:s29] =	ssyncadd.s32 $0xFFFFFFFF  }
0xb5: {  	_ =	strace $0x9000004B  }
0xb6: {  	_ =	sfence  }
0xb7: {  	s30 =	sld [smem:$0x0];
	_ =	sdelay $0x2  }
0xb8: {  	s31 =	sshll.u32 s1, $0xD;
	s1 =	sshrl.u32 s1, $0x2  }
0xb9: {  	s3 =	sand.u32 $0x4000, s31;
	s1 =	sadd.s32 s1, s30  }
0xba: {  	s0 =	sor.u32 s3, s0;
	s1 =	sshll.u32 s1, $0x11  }
0xbb: {  	s0 =	sor.u32 s1, s0  }
0xbc: {  	s0 =	sadd.s32 $0x8F2B, s0  }
0xbd: {  	[sflag:s0] =	ssyncadd.remote.s32 $0x1  }
0xbe: {  	_ =	sfence.sel $0xFFFF  }
0xbf: {  	[dreg:$0x0] =	wrdreg $0xFFFFFFFF;
	(pc) =	sbr.abs _section_cstart, $3  }
0xc0: {  	[dreg:$0x1] =	wrdreg $0xFFFFFFFF  }
0xc1: {  	_ =	task.clear_ibuf [dreg:s6], $0x2FFFF;
	_ =	strace $0x9FFFFFFF  }
0xc2: {  	(tm) =	ssettm $0x7FFFFFFF  }
0xc3: {  	_ =	shalt  }
tec
execute0_lowered:
.L_overlay_start_1:
0x0: {  	(tag) =	ssettag $0x1  }
0x1: {  	s6 =	rddreg [dreg:$0x0]  }
0x2: {  	s0 =	srdreg.scid;
	s2 =	rddreg [dreg:$0x1];
	s3 =	simm.s32 $0x0  }
0x3: {  	s16 =	simm.s32 $0x5000;
	s17 =	simm.s32 $0x2;
	s18 =	simm.s32 $0x7D  }
0x4: {  	s19 =	simm.s32 $0x1;
	s5 =	sand.u32 $0x1, s0;
	s0 =	stileid.u32  }
0x5: {  	s22 =	simm.s32 $0x0;
	[smem:$0x7FF] =	sst s3;
	s8 =	smul.u32 $0x140000, s5  }
0x6: {  	s4 =	sadd.s32 $0x22C00, s6;
	s1 =	sshll.u32 s5, $0x4;
	s9 =	smul.u32 $0x14000, s0  }
0x7: {  	s10 =	smul.u32 $0x50000, s0;
	s5 =	ssub.s32 $0x2, s5;
	s20 =	sshll.u32 s0, $0x6  }
0x8: {  	s1 =	sor.u32 s0, s1;
	s30 =	sshrl.u32 s5, $0x1;
	s20 =	sor.u32 $0x1C02, s20  }
0x9: {  	s7 =	smul.u32 $0xA00, s1;
	s1 =	rddreg [dreg:$0x2];
	_ =	strace $0x8000004A  }
0xa: {  	s29 =	sadd.s32 s9, s8;
	s31 =	sshrl.u32 s10, $0x2;
	s15 =	ssub.s32 s5, s30  }
0xb: {  	s5 =	sadd.s32 s31, s2;
	s15 =	smax.u32 s15, $0x1;
	s13 =	sadd.s32 s7, s6  }
0xc: {  	s7 =	sshrl.u32 s29, $0x3;
	s8 =	sadd.s32 $0x7800, s5;
	s9 =	sadd.s32 $0xA000, s5  }
0xd: {  	s10 =	sadd.s32 $0xC800, s5;
	s11 =	sadd.s32 $0xF000, s5;
	s12 =	sadd.s32 $0x11800, s5  }
0xe: {  	s21 =	sshrl.u32 s5, $0x3;
	s14 =	sadd.s32 s7, s6;
	s6 =	sadd.s32 $0x2800, s5  }
0xf: {  	v0 =	vimm.f32 $0.0e+00;
	s7 =	sadd.s32 $0x5000, s5;
	s13 =	sadd.s32 $0xEC00, s13;
	s14 =	sadd.s32 $0x4AC00, s14  }
.LBB2_1:
0x10: {  	s23 =	sand.u32 $0xFE00, s3  }
0x11: {  	s24 =	sand.u32 $0x70, s3;
	s25 =	sshrl.u32 s23, $0x2  }
0x12: {  	s23 =	simm.s32 $0x40;
	s25 =	sor.u32 s24, s25;
	s24 =	simm.s32 $0x0  }
.LBB2_2:
0x13: {  	p0 =	sne.s32 s23, $0xF9C0  }
0x14: {  	[tilespmem:s25+$0x5000] =	vst v0;
	s24 =	sadd.s32 $0x10, s24;
	s25 =	smov.u32 s23;
	s23 =	sadd.s32 $0x40, s23  }
.Ltmp0:
0x15: {  	(pc) =	sbr.rel @p0 .LBB2_2-.Ltmp0, $4  }
0x16: {  	_ = 	snop  }
0x17: {  	s25 =	sand.u32 $0xFE00, s25  }
0x18: {  	s26 =	sand.u32 $0x70, s24;
	s25 =	sshrl.u32 s25, $0x2  }
0x19: {  	s25 =	sor.u32 s26, s25  }
0x1a: {  	[tilespmem:s25+$0x5000] =	vst v0  }
0x1b: {  	[spmem:s5] =	stream.linear.scatter [tilespmem:s16], [sflag:$0x2], $0x2800, $0x38;
	[tilespmem:$0x1D000] =	vst v63  }
0x1c: {  	_ =	swait.ge [sflag:s17], $0x2800  }
0x1d: {  	[sflag:s17] =	ssyncset.done $0x0  }
0x1e: {  	[sflag:s17] =	ssyncadd.s32 $0xFFFFD800  }
0x1f: {  	[spmem:s6] =	stream.linear.scatter [tilespmem:s16], [sflag:$0x2], $0x2800, $0x38;
	[tilespmem:$0x1D000] =	vst v63  }
0x20: {  	_ =	swait.ge [sflag:s17], $0x2800  }
0x21: {  	[sflag:s17] =	ssyncset.done $0x0  }
0x22: {  	[sflag:s17] =	ssyncadd.s32 $0xFFFFD800  }
0x23: {  	[spmem:s7] =	stream.linear.scatter [tilespmem:s16], [sflag:$0x2], $0x2800, $0x38;
	[tilespmem:$0x1D000] =	vst v63  }
0x24: {  	_ =	swait.ge [sflag:s17], $0x2800  }
0x25: {  	[sflag:s17] =	ssyncset.done $0x0  }
0x26: {  	[sflag:s17] =	ssyncadd.s32 $0xFFFFD800  }
0x27: {  	[spmem:s8] =	stream.linear.scatter [tilespmem:s16], [sflag:$0x2], $0x2800, $0x38;
	[tilespmem:$0x1D000] =	vst v63  }
0x28: {  	_ =	swait.ge [sflag:s17], $0x2800  }
0x29: {  	[sflag:s17] =	ssyncset.done $0x0  }
0x2a: {  	[sflag:s17] =	ssyncadd.s32 $0xFFFFD800  }
0x2b: {  	[spmem:s9] =	stream.linear.scatter [tilespmem:s16], [sflag:$0x2], $0x2800, $0x38;
	[tilespmem:$0x1D000] =	vst v63  }
0x2c: {  	_ =	swait.ge [sflag:s17], $0x2800  }
0x2d: {  	[sflag:s17] =	ssyncset.done $0x0  }
0x2e: {  	[sflag:s17] =	ssyncadd.s32 $0xFFFFD800  }
0x2f: {  	[spmem:s10] =	stream.linear.scatter [tilespmem:s16], [sflag:$0x2], $0x2800, $0x38;
	[tilespmem:$0x1D000] =	vst v63  }
0x30: {  	_ =	swait.ge [sflag:s17], $0x2800  }
0x31: {  	[sflag:s17] =	ssyncset.done $0x0  }
0x32: {  	[sflag:s17] =	ssyncadd.s32 $0xFFFFD800  }
0x33: {  	[spmem:s11] =	stream.linear.scatter [tilespmem:s16], [sflag:$0x2], $0x2800, $0x38;
	[tilespmem:$0x1D000] =	vst v63  }
0x34: {  	_ =	swait.ge [sflag:s17], $0x2800  }
0x35: {  	[sflag:s17] =	ssyncset.done $0x0  }
0x36: {  	[sflag:s17] =	ssyncadd.s32 $0xFFFFD800  }
0x37: {  	[spmem:s12] =	stream.linear.scatter [tilespmem:s16], [sflag:$0x2], $0x2800, $0x38;
	[tilespmem:$0x1D000] =	vst v63  }
0x38: {  	_ =	swait.ge [sflag:s17], $0x2800  }
0x39: {  	[sflag:s17] =	ssyncset.done $0x0  }
0x3a: {  	s23 =	simm.s32 $0x0;
	[sflag:s17] =	ssyncadd.s32 $0xFFFFD800  }
0x3b: {  	[tilespmem:s23], [sflag:$0x2] =	stream.linear.gather [hbm4b:s13+s23], $0x5000, $0x38;
	[tilespmem:$0x1D000] =	vst v63  }
0x3c: {  	_ =	swait.ge [sflag:s17], $0x5000  }
0x3d: {  	[sflag:s17] =	ssyncset.done $0x0  }
0x3e: {  	[sflag:s17] =	ssyncadd.s32 $0xFFFFB000  }
0x3f: {  	s30 =	simm.s32 $0x0;
	[bflag:$0x0] =	sbarrier.arrive $0xFFFF  }
0x40: {  	[tilespmem:s16], [sflag:$0x1] =	stream.indirect.gather [hbm4b:s4+s18], $0x80, s30, s18, $0xb8;
	[tilespmem:$0x1D000] =	vst v63  }
0x41: {  	_ =	swait.ge [sflag:s19], $0x3E80  }
0x42: {  	[sflag:s19] =	ssyncset.done $0x0  }
0x43: {  	s31 =	simm.s32 $0x80;
	[sflag:s19] =	ssyncadd.s32 $0xFFFFC180  }
0x44: {  	[spmem:s2] =	stream.indirect.scatter.add.f32 [tilespmem:s16], [sflag:$0x2], $0x80, s31, s18, $0xb8;
	[tilespmem:$0x1D000] =	vst v63  }
0x45: {  	_ =	swait.ge [sflag:s17], $0x3E80  }
0x46: {  	s24 =	simm.s32 $0x800;
	s23 =	simm.s32 $0x400;
	[sflag:s17] =	ssyncset.done $0x0  }
.LBB2_4:
0x47: {  	s25 =	sshra.s32 s23, $0x2  }
0x48: {  	[sflag:s17] =	ssyncadd.s32 $0xFFFFC180;
	s23 =	smov.u32 s24;
	s26 =	sadd.s32 $0x400, s24  }
0x49: {  	[tilespmem:s16], [sflag:$0x1] =	stream.indirect.gather [hbm4b:s4+s18], $0x80, s25, s18, $0xb8;
	[tilespmem:$0x1D000] =	vst v63  }
0x4a: {  	p0 =	sne.s32 s24, $0x13C00;
	_ =	swait.ge [sflag:s19], $0x3E80  }
.Ltmp1:
0x4b: {  	[sflag:s19] =	ssyncset.done $0x0;
	(pc) =	sbr.rel @p0 .LBB2_4-.Ltmp1, $4  }
0x4c: {  	s24 =	sadd.s32 $0x80, s25;
	[sflag:s19] =	ssyncadd.s32 $0xFFFFC180  }
0x4d: {  	[spmem:s2] =	stream.indirect.scatter.add.f32 [tilespmem:s16], [sflag:$0x2], $0x80, s24, s18, $0xb8;
	[tilespmem:$0x1D000] =	vst v63  }
0x4e: {  	_ =	swait.ge [sflag:s17], $0x3E80  }
0x4f: {  	s24 =	smov.u32 s26;
	[sflag:s17] =	ssyncset.done $0x0  }
0x50: {  	s23 =	sshra.s32 s23, $0x2;
	[sflag:s17] =	ssyncadd.s32 $0xFFFFC180  }
0x51: {  	[tilespmem:s16], [sflag:$0x1] =	stream.indirect.gather [hbm4b:s4+s18], $0x80, s23, s18, $0xb8;
	[tilespmem:$0x1D000] =	vst v63  }
0x52: {  	_ =	swait.ge [sflag:s19], $0x3E80  }
0x53: {  	[sflag:s19] =	ssyncset.done $0x0  }
0x54: {  	s23 =	sadd.s32 $0x80, s23;
	[sflag:s19] =	ssyncadd.s32 $0xFFFFC180  }
0x55: {  	[spmem:s2] =	stream.indirect.scatter.add.f32 [tilespmem:s16], [sflag:$0x2], $0x80, s23, s18, $0xb8;
	[tilespmem:$0x1D000] =	vst v63  }
0x56: {  	_ =	swait.ge [sflag:s17], $0x3E80  }
0x57: {  	s22 =	sadd.s32 $0x1, s22;
	[sflag:s17] =	ssyncset.done $0x0  }
0x58: {  	p0 =	sne.s32 s22, s15;
	[sflag:s17] =	ssyncadd.s32 $0xFFFFC180  }
.Ltmp2:
0x59: {  	[bflag:$0x0] =	sbarrier.arrive $0xFFFF;
	(pc) =	sbr.rel @p0 .LBB2_1-.Ltmp2, $4  }
0x5a: {  	[hbm:s14], [sflag:s20] =	dma.local [spmem:s21], $0x2800  }
0x5b: {  	_ =	swait.ge [sflag:s17], $0x2800  }
0x5c: {  	[sflag:s17] =	ssyncset.done $0x0  }
0x5d: {  	[sflag:s17] =	ssyncadd.s32 $0xFFFFD800  }
0x5e: {  	_ =	sfence.sel $0x180000  }
0x5f: {  	[bflag:$0x0] =	sbarrier.arrive $0xFFFF  }
0x60: {  	p0 =	sne.s32 s0, $0x0;
	_ =	strace $0x9000004A  }
0x61: {  	s0 =	sadd.s32 @!p0 $0x100000, s1;
	[bflag:$0x2] =	sbarrier.arrive $0xFFFF  }
0x62: {  	[sflag:s0] =	ssyncadd.tile.s32 @!p0 $0x1;
	_ =	shalt  }
.Lfunc_end2:
_tile_overlayer_lowered:
.L_overlay_start_2:
0x63: {  	(tag) =	ssettag $0x2  }
0x64: {  	s0 =	rddreg [dreg:$0x0];
	s2 =	stileid.u32  }
0x65: {  	s1 =	rddreg [dreg:$0x1];
	p0 =	sne.s32 s2, $0x0  }
0x66: {  	s3 =	rddreg [dreg:$0x2];
	[bflag:$0x3] =	sbarrier.arrive $0xFFFF;
	s2 =	simm.s32 @!p0 $0x1C02  }
0x67: {  	[timem:s3], [sflag:s2] =	dma.local @!p0 [hbm:s0], s1  }
0x68: {  	s0 =	simm.s32 @!p0 $0x2  }
0x69: {  	_ =	swait.ge @!p0 [sflag:s0], s1  }
0x6a: {  	s1 =	ssub.s32 @!p0 $0x0, s1;
	[sflag:s0] =	ssyncset.done @!p0 $0x0  }
0x6b: {  	[sflag:s0] =	ssyncadd.s32 @!p0 s1  }
0x6c: {  	[bflag:$0x3] =	sbarrier.arrive $0xFFFF  }
0x6d: {  	_ =	shalt  }

// kernel: kernel.15.cloned.1.call-start
scs
__scs_entry_jumppad:
0x0: {  	(pc) =	sbr.rel $0x88, $3  }
0x1: {  	(tag) =	ssettag $0x0;
	lr =	simm.s32 $0x1  }
0x2: {  	[smem:$0x3F94] =	sst lr;
	_ =	strace $0xD0000000  }
0x3: {  	_ = 	snop  }
0x4: {  	_ = 	snop  }
0x5: {  	_ = 	snop  }
0x6: {  	_ = 	snop  }
0x7: {  	_ = 	snop  }
__scs_overlays_trampoline_lowered:
0x8: {  	[smem:$0x3FA3] =	sst s0  }
0x9: {  	[smem:$0x3FA4] =	sst s1  }
0xa: {  	[smem:$0x3FA5] =	sst s2  }
0xb: {  	[smem:$0x3FA6] =	sst s3  }
0xc: {  	[smem:$0x3FA7] =	sst s4  }
0xd: {  	[smem:$0x3FA8] =	sst s5  }
0xe: {  	[smem:$0x3FA9] =	sst s6  }
0xf: {  	[smem:$0x3FAA] =	sst s7  }
0x10: {  	[smem:$0x3FAB] =	sst s8  }
0x11: {  	[smem:$0x3FAC] =	sst s9;
	s0 =	simm.s32 @!p0 $0x0  }
0x12: {  	s1 =	sld [smem:$0x3F92];
	s0 =	simm.s32 @p0 $0x1  }
0x13: {  	[smem:$0x3FAD] =	sst s0;
	s0 =	simm.s32 @!p1 $0x0  }
0x14: {  	s2 =	sld [smem:$0x3F91];
	s0 =	simm.s32 @p1 $0x1  }
0x15: {  	[smem:$0x3FAE] =	sst s0;
	s0 =	simm.s32 @!p2 $0x0  }
0x16: {  	s3 =	sld [smem:$0x3FDB];
	s0 =	simm.s32 @p2 $0x1  }
0x17: {  	s4 =	simm.s32 $0x1BF5;
	[smem:$0x3FB0] =	sst s0  }
0x18: {  	s0 =	sld [smem:$0x3F93];
	_ =	swait.ge [sflag:s4], $0x0  }
0x19: {  	s7 =	sld [smem:$0x3F94]  }
0x1a: {  	s8 =	sadd.s32 $0xFFFFE003, lr  }
0x1b: {  	s9 =	sadd.s32 $0xFFFFFEF7, lr;
	s5 =	simm.s32 $0xFFFFFFFF;
	p2 =	slt.u32 s8, $0xFFFFF086  }
0x1c: {  	p1 =	slt.u32 s9, $0xF7A;
	s5 =	simm.s32 @!p2 $0x0  }
0x1d: {  	s5 =	simm.s32 @p1 $0x1;
	p0 =	seq.s32 s7, s2  }
0x1e: {  	s7 =	smul.u32 @!p0 $0xF7A, s2;
	p2 =	seq.s32 @!p0 s5, $0x0  }
0x1f: {  	s9 =	smul.u32 $0xF7A, s1;
	s8 =	simm.s32 @!p0 $0x1BF5;
	p2 =	por !p2, p0  }
0x20: {  	[sflag:s8] =	ssyncset.s32 @!p0 $0xFFFFF086;
	s6 =	sadd.s32 @!p0 s3, s7;
	s7 =	simm.s32 @!p0 $0x108  }
0x21: {  	s3 =	sadd.s32 s3, s9;
	s6 =	sadd.s32 @!p0 $0x88, s6;
	s7 =	simm.s32 @p2 $0x1082  }
0x22: {  	[simem:s7], [sflag:s8] =	dma.local @!p0 [hbm:s6], $0xF7A  }
0x23: {  	s9 =	sor.u32 $0xD0000000, s2;
	s6 =	simm.s32 $0x108;
	_ =	swait.ge @!p0 [sflag:s8], $0x0  }
0x24: {  	s3 =	sadd.s32 $0x88, s3;
	s6 =	simm.s32 @!p1 $0x1082;
	[sflag:s4] =	ssyncset.s32 $0xFFFFF086  }
0x25: {  	[simem:s6], [sflag:s4] =	dma.local [hbm:s3], $0xF7A  }
0x26: {  	[smem:$0x3F94] =	sst s1;
	(tag) =	ssettag s2;
	_ =	strace s9  }
0x27: {  	s1 =	sld [smem:$0x3FA4]  }
0x28: {  	s2 =	sld [smem:$0x3FA5]  }
0x29: {  	s4 =	sld [smem:$0x3FA7]  }
0x2a: {  	p0 =	seq.s32 s5, $0x0;
	s5 =	sld [smem:$0x3FA8]  }
0x2b: {  	s6 =	sld [smem:$0x3FA9]  }
0x2c: {  	s7 =	sld [smem:$0x3FAA]  }
0x2d: {  	s3 =	simm.s32 $0x108;
	s8 =	sld [smem:$0x3FAB]  }
0x2e: {  	s3 =	simm.s32 @!p0 $0x1082;
	s9 =	sld [smem:$0x3FAC]  }
0x2f: {  	lr =	sadd.s32 s0, s3;
	s0 =	sld [smem:$0x3FA3]  }
0x30: {  	s3 =	sld [smem:$0x3FA6]  }
0x31: {  	[smem:$0x3FAF] =	sst s10  }
0x32: {  	s10 =	sld [smem:$0x3FAD];
	_ =	sdelay $0x3  }
0x33: {  	p0 =	seq.s32 s10, $0x1;
	s10 =	sld [smem:$0x3FAF];
	_ =	sdelay $0x3  }
0x34: {  	[smem:$0x3FAF] =	sst s10  }
0x35: {  	s10 =	sld [smem:$0x3FAE];
	_ =	sdelay $0x3  }
0x36: {  	p1 =	seq.s32 s10, $0x1;
	s10 =	sld [smem:$0x3FAF];
	_ =	sdelay $0x3  }
0x37: {  	[smem:$0x3FAF] =	sst s10  }
0x38: {  	s10 =	sld [smem:$0x3FB0]  }
0x39: {  	_ = 	snop;
	(pc) =	sbr.ind lr, $3  }
0x3a: {  	_ = 	snop  }
0x3b: {  	_ = 	snop  }
0x3c: {  	p2 =	seq.s32 s10, $0x1;
	s10 =	sld [smem:$0x3FAF]  }
0x3d: {  	_ =	shalt  }
0x3e: {  	_ =	shalt  }
0x3f: {  	_ =	shalt  }
0x40: {  	_ =	shalt  }
0x41: {  	_ =	shalt  }
0x42: {  	_ =	shalt  }
0x43: {  	_ =	shalt  }
0x44: {  	_ =	shalt  }
0x45: {  	_ =	shalt  }
0x46: {  	_ =	shalt  }
0x47: {  	_ =	shalt  }
0x48: {  	_ =	shalt  }
0x49: {  	_ =	shalt  }
0x4a: {  	_ =	shalt  }
0x4b: {  	_ =	shalt  }
0x4c: {  	_ =	shalt  }
0x4d: {  	_ =	shalt  }
0x4e: {  	_ =	shalt  }
0x4f: {  	_ =	shalt  }
0x50: {  	_ =	shalt  }
0x51: {  	_ =	shalt  }
0x52: {  	_ =	shalt  }
0x53: {  	_ =	shalt  }
0x54: {  	_ =	shalt  }
0x55: {  	_ =	shalt  }
0x56: {  	_ =	shalt  }
0x57: {  	_ =	shalt  }
0x58: {  	_ =	shalt  }
0x59: {  	_ =	shalt  }
0x5a: {  	_ =	shalt  }
0x5b: {  	_ =	shalt  }
0x5c: {  	_ =	shalt  }
0x5d: {  	_ =	shalt  }
0x5e: {  	_ =	shalt  }
0x5f: {  	_ =	shalt  }
0x60: {  	_ =	shalt  }
0x61: {  	_ =	shalt  }
0x62: {  	_ =	shalt  }
0x63: {  	_ =	shalt  }
0x64: {  	_ =	shalt  }
0x65: {  	_ =	shalt  }
0x66: {  	_ =	shalt  }
0x67: {  	_ =	shalt  }
0x68: {  	_ =	shalt  }
0x69: {  	_ =	shalt  }
0x6a: {  	_ =	shalt  }
0x6b: {  	_ =	shalt  }
0x6c: {  	_ =	shalt  }
0x6d: {  	_ =	shalt  }
0x6e: {  	_ =	shalt  }
0x6f: {  	_ =	shalt  }
0x70: {  	_ =	shalt  }
0x71: {  	_ =	shalt  }
0x72: {  	_ =	shalt  }
0x73: {  	_ =	shalt  }
0x74: {  	_ =	shalt  }
0x75: {  	_ =	shalt  }
0x76: {  	_ =	shalt  }
0x77: {  	_ =	shalt  }
0x78: {  	_ =	shalt  }
0x79: {  	_ =	shalt  }
0x7a: {  	_ =	shalt  }
0x7b: {  	_ =	shalt  }
0x7c: {  	_ =	shalt  }
0x7d: {  	_ =	shalt  }
0x7e: {  	_ =	shalt  }
0x7f: {  	_ =	shalt  }
0x80: {  	_ =	shalt  }
0x81: {  	_ =	shalt  }
0x82: {  	_ =	shalt  }
0x83: {  	_ =	shalt  }
0x84: {  	_ =	shalt  }
0x85: {  	_ =	shalt  }
0x86: {  	_ =	shalt  }
0x87: {  	_ =	shalt  }
.Lfunc_end0:
.L_simem_size_0:
called_computation.2_lowered:
.L_overlay_start_0:
0x88: {  	s2 =	sld [smem:$0x3FD9]  }
0x89: {  	s3 =	sld [smem:$0x3FFE];
	_ =	sdelay $0x1  }
0x8a: {  	s1 =	srdreg.scid  }
0x8b: {  	s0 =	sand.u32 $0x1, s1  }
0x8c: {  	s16 =	sshll.u32 s0, $0xA;
	s2 =	sadd.s32 s3, s2  }
0x8d: {  	s2 =	sadd.s32 s2, s16  }
0x8e: {  	[smem:$0x3FBB] =	sst s2  }
0x8f: {  	_ = 	snop  }
0x90: {  	(tm) =	ssettm $0x1  }
0x91: {  	s17 =	sld [smem:$0x3FFB];
	_ =	sdelay $0x3  }
0x92: {  	_ =	strace s17  }
0x93: {  	s2 =	sld [smem:$0x3FFC];
	_ =	sdelay $0x3  }
0x94: {  	_ =	strace s2  }
0x95: {  	s2 =	sld [smem:$0x3FFD];
	_ =	sdelay $0x3  }
0x96: {  	_ =	strace s2  }
0x97: {  	_ =	strace $0x8FFFFFFF  }
0x98: {  	s18 =	sld [smem:$0x3FDB];
	_ =	sdelay $0x1  }
0x99: {  	s19 =	simm.s32 $_scs_section_size  }
0x9a: {  	s4 =	simm.s32 $_size__tile_overlayer_lowered;
	s5 =	simm.s32 $_tile_overlayer_lowered  }
0x9b: {  	s22 =	simm.s32 $0x1BFF;
	s21 =	sshll.u32 s5, $0x1;
	s2 =	sadd.s32 s19, s18  }
0x9c: {  	s6 =	simm.s32 $0x0;
	s20 =	sshll.u32 s4, $0x1;
	s4 =	sadd.s32 s21, s2  }
0x9d: {  	[timem:s6], [sflag:s22] =	dma.local [hbm:s4], s20  }
0x9e: {  	_ =	swait.ge [sflag:s22], s20  }
0x9f: {  	s3 =	ssub.s32 $0x0, s20;
	[sflag:s22] =	ssyncset.done $0x0  }
0xa0: {  	[sflag:s22] =	ssyncadd.s32 s3;
	_ =	sdelay $0x1  }
0xa1: {  	s23 =	simm.s32 $0x1B8B  }
0xa2: {  	_ =	swait.ge [sflag:s23], $0x1  }
0xa3: {  	[sflag:s23] =	ssyncset.done $0x0  }
0xa4: {  	s25 =	simm.s32 $0x1B8E;
	s24 =	sld [smem:$0x3FFE];
	[sflag:s23] =	ssyncadd.s32 $0xFFFFFFFF  }
0xa5: {  	s26 =	simm.s32 $execute0_lowered;
	[smem:$0x3FD2] =	sst s25  }
0xa6: {  	s4 =	sshll.u32 s26, $0x1;
	_ =	strace $0x8000004C;
	[dreg:$0x1] =	wrdreg $0xFFFFFFFF  }
0xa7: {  	s28 =	simm.s32 $_size_execute0_lowered;
	s2 =	sadd.s32 s2, s4;
	[dreg:$0x0] =	wrdreg $0x0  }
0xa8: {  	s4 =	sshll.u32 s28, $0x1;
	[dreg:$0x2] =	wrdreg s2  }
0xa9: {  	[dreg:$0x3] =	wrdreg s4  }
0xaa: {  	[dreg:$0x4] =	wrdreg $0xC0  }
0xab: {  	_ =	task [dreg:s6], $0x5FFFF  }
0xac: {  	[dreg:$0x1] =	wrdreg $0xFFFFFFFF  }
0xad: {  	[dreg:$0x0] =	wrdreg $0x60  }
0xae: {  	[dreg:$0x2] =	wrdreg s24  }
0xaf: {  	[dreg:$0x3] =	wrdreg $0x90000  }
0xb0: {  	[dreg:$0x4] =	wrdreg $0x9  }
0xb1: {  	_ =	task.clear_ibuf [dreg:s6], $0x5FFFF;
	_ =	strace $0x9000004C  }
0xb2: {  	s29 =	simm.s32 $0x9;
	_ =	strace $0x8000004E  }
0xb3: {  	_ =	swait.ge [sflag:s29], $0x1  }
0xb4: {  	[sflag:s29] =	ssyncadd.s32 $0xFFFFFFFF  }
0xb5: {  	_ =	strace $0x9000004E  }
0xb6: {  	_ =	sfence  }
0xb7: {  	s30 =	sld [smem:$0x0];
	_ =	sdelay $0x2  }
0xb8: {  	s31 =	sshll.u32 s1, $0xD;
	s1 =	sshrl.u32 s1, $0x2  }
0xb9: {  	s3 =	sand.u32 $0x4000, s31;
	s1 =	sadd.s32 s1, s30  }
0xba: {  	s0 =	sor.u32 s3, s0;
	s1 =	sshll.u32 s1, $0x11  }
0xbb: {  	s0 =	sor.u32 s1, s0  }
0xbc: {  	s0 =	sadd.s32 $0x8F2B, s0  }
0xbd: {  	[sflag:s0] =	ssyncadd.remote.s32 $0x1  }
0xbe: {  	_ =	sfence.sel $0xFFFF  }
0xbf: {  	[dreg:$0x0] =	wrdreg $0xFFFFFFFF;
	(pc) =	sbr.abs _section_cstart, $3  }
0xc0: {  	[dreg:$0x1] =	wrdreg $0xFFFFFFFF  }
0xc1: {  	_ =	task.clear_ibuf [dreg:s6], $0x2FFFF;
	_ =	strace $0x9FFFFFFF  }
0xc2: {  	(tm) =	ssettm $0x7FFFFFFF  }
0xc3: {  	_ =	shalt  }
tec
execute0_lowered:
.L_overlay_start_1:
0x0: {  	(tag) =	ssettag $0x1  }
0x1: {  	s6 =	rddreg [dreg:$0x0]  }
0x2: {  	s1 =	rddreg [dreg:$0x1];
	s2 =	srdreg.scid  }
0x3: {  	s0 =	rddreg [dreg:$0x2];
	s3 =	simm.s32 $0x0;
	s18 =	simm.s32 $0x2  }
0x4: {  	s19 =	simm.s32 $0x5000;
	s20 =	simm.s32 $0x7D;
	s7 =	sand.u32 $0x1, s2  }
0x5: {  	s21 =	simm.s32 $0x1;
	s2 =	stileid.u32;
	s8 =	smul.u32 $0x140000, s7  }
0x6: {  	s22 =	simm.s32 $0x0;
	[smem:$0x7FF] =	sst s3;
	s9 =	smul.u32 $0x14000, s2  }
0x7: {  	s4 =	sshll.u32 s7, $0x4;
	_ =	strace $0x8000004D;
	s29 =	smul.u32 $0x50000, s2  }
0x8: {  	s7 =	ssub.s32 $0x2, s7;
	s5 =	sor.u32 s2, s4;
	s4 =	sadd.s32 $0x22C00, s6  }
0x9: {  	s30 =	sshrl.u32 s7, $0x1;
	s10 =	smul.u32 $0xA00, s5;
	s5 =	sadd.s32 $0x4AC00, s6  }
0xa: {  	s8 =	sadd.s32 s9, s8;
	s31 =	sshrl.u32 s29, $0x2;
	s17 =	ssub.s32 s7, s30  }
0xb: {  	s8 =	sshrl.u32 s8, $0x3;
	s7 =	sadd.s32 s31, s1;
	s17 =	smax.u32 s17, $0x1  }
0xc: {  	s10 =	sadd.s32 s10, s6;
	s16 =	sadd.s32 s8, s6;
	s8 =	sadd.s32 $0x2800, s7  }
0xd: {  	s9 =	sadd.s32 $0x5000, s7;
	s11 =	sadd.s32 $0xA000, s7;
	s12 =	sadd.s32 $0xC800, s7  }
0xe: {  	s13 =	sadd.s32 $0xF000, s7;
	s14 =	sadd.s32 $0x11800, s7;
	s6 =	sadd.s32 $0xEC00, s10  }
0xf: {  	v0 =	vimm.f32 $0.0e+00;
	s10 =	sadd.s32 $0x7800, s7;
	s15 =	sadd.s32 $0x72C00, s16;
	s16 =	sadd.s32 $0xC2C00, s16  }
.LBB2_1:
0x10: {  	[tilespmem:s3], [sflag:$0x2] =	stream.linear.gather [hbm4b:s6+s3], $0x5000, $0x38;
	[tilespmem:$0x1D000] =	vst v63  }
0x11: {  	s23 =	sand.u32 $0xFE00, s3;
	s24 =	sand.u32 $0x70, s3;
	_ =	swait.ge [sflag:s18], $0x5000  }
0x12: {  	s25 =	sshrl.u32 s23, $0x2;
	s23 =	simm.s32 $0x40;
	[sflag:s18] =	ssyncset.done $0x0  }
0x13: {  	s25 =	sor.u32 s24, s25;
	s24 =	simm.s32 $0x0;
	[sflag:s18] =	ssyncadd.s32 $0xFFFFB000  }
.LBB2_2:
0x14: {  	p0 =	sne.s32 s23, $0xF9C0  }
0x15: {  	[tilespmem:s25+$0x5000] =	vst v0;
	s24 =	sadd.s32 $0x10, s24;
	s25 =	smov.u32 s23;
	s23 =	sadd.s32 $0x40, s23  }
.Ltmp0:
0x16: {  	(pc) =	sbr.rel @p0 .LBB2_2-.Ltmp0, $4  }
0x17: {  	_ = 	snop  }
0x18: {  	s25 =	sand.u32 $0xFE00, s25  }
0x19: {  	s26 =	sand.u32 $0x70, s24;
	s25 =	sshrl.u32 s25, $0x2  }
0x1a: {  	s25 =	sor.u32 s26, s25  }
0x1b: {  	[tilespmem:s25+$0x5000] =	vst v0  }
0x1c: {  	[spmem:s7] =	stream.linear.scatter [tilespmem:s19], [sflag:$0x2], $0x2800, $0x38;
	[tilespmem:$0x1D000] =	vst v63  }
0x1d: {  	_ =	swait.ge [sflag:s18], $0x2800  }
0x1e: {  	[sflag:s18] =	ssyncset.done $0x0  }
0x1f: {  	[sflag:s18] =	ssyncadd.s32 $0xFFFFD800  }
0x20: {  	[spmem:s8] =	stream.linear.scatter [tilespmem:s19], [sflag:$0x2], $0x2800, $0x38;
	[tilespmem:$0x1D000] =	vst v63  }
0x21: {  	_ =	swait.ge [sflag:s18], $0x2800  }
0x22: {  	[sflag:s18] =	ssyncset.done $0x0  }
0x23: {  	[sflag:s18] =	ssyncadd.s32 $0xFFFFD800  }
0x24: {  	[spmem:s9] =	stream.linear.scatter [tilespmem:s19], [sflag:$0x2], $0x2800, $0x38;
	[tilespmem:$0x1D000] =	vst v63  }
0x25: {  	_ =	swait.ge [sflag:s18], $0x2800  }
0x26: {  	[sflag:s18] =	ssyncset.done $0x0  }
0x27: {  	[sflag:s18] =	ssyncadd.s32 $0xFFFFD800  }
0x28: {  	[spmem:s10] =	stream.linear.scatter [tilespmem:s19], [sflag:$0x2], $0x2800, $0x38;
	[tilespmem:$0x1D000] =	vst v63  }
0x29: {  	_ =	swait.ge [sflag:s18], $0x2800  }
0x2a: {  	[sflag:s18] =	ssyncset.done $0x0  }
0x2b: {  	[sflag:s18] =	ssyncadd.s32 $0xFFFFD800  }
0x2c: {  	[spmem:s11] =	stream.linear.scatter [tilespmem:s19], [sflag:$0x2], $0x2800, $0x38;
	[tilespmem:$0x1D000] =	vst v63  }
0x2d: {  	_ =	swait.ge [sflag:s18], $0x2800  }
0x2e: {  	[sflag:s18] =	ssyncset.done $0x0  }
0x2f: {  	[sflag:s18] =	ssyncadd.s32 $0xFFFFD800  }
0x30: {  	[spmem:s12] =	stream.linear.scatter [tilespmem:s19], [sflag:$0x2], $0x2800, $0x38;
	[tilespmem:$0x1D000] =	vst v63  }
0x31: {  	_ =	swait.ge [sflag:s18], $0x2800  }
0x32: {  	[sflag:s18] =	ssyncset.done $0x0  }
0x33: {  	[sflag:s18] =	ssyncadd.s32 $0xFFFFD800  }
0x34: {  	[spmem:s13] =	stream.linear.scatter [tilespmem:s19], [sflag:$0x2], $0x2800, $0x38;
	[tilespmem:$0x1D000] =	vst v63  }
0x35: {  	_ =	swait.ge [sflag:s18], $0x2800  }
0x36: {  	[sflag:s18] =	ssyncset.done $0x0  }
0x37: {  	[sflag:s18] =	ssyncadd.s32 $0xFFFFD800  }
0x38: {  	[spmem:s14] =	stream.linear.scatter [tilespmem:s19], [sflag:$0x2], $0x2800, $0x38;
	[tilespmem:$0x1D000] =	vst v63  }
0x39: {  	_ =	swait.ge [sflag:s18], $0x2800  }
0x3a: {  	[sflag:s18] =	ssyncset.done $0x0  }
0x3b: {  	[sflag:s18] =	ssyncadd.s32 $0xFFFFD800  }
0x3c: {  	s23 =	simm.s32 $0x0;
	[bflag:$0x0] =	sbarrier.arrive $0xFFFF  }
0x3d: {  	[tilespmem:s19], [sflag:$0x1] =	stream.indirect.gather [hbm4b:s4+s20], $0x80, s23, s20, $0xb8;
	[tilespmem:$0x1D000] =	vst v63  }
0x3e: {  	_ =	swait.ge [sflag:s21], $0x3E80  }
0x3f: {  	[sflag:s21] =	ssyncset.done $0x0  }
0x40: {  	s31 =	simm.s32 $0x80;
	[sflag:s21] =	ssyncadd.s32 $0xFFFFC180  }
0x41: {  	[spmem:s1] =	stream.indirect.scatter.add.f32 [tilespmem:s19], [sflag:$0x2], $0x80, s31, s20, $0xb8;
	[tilespmem:$0x1D000] =	vst v63  }
0x42: {  	_ =	swait.ge [sflag:s18], $0x3E80  }
0x43: {  	s24 =	simm.s32 $0x800;
	s23 =	simm.s32 $0x400;
	[sflag:s18] =	ssyncset.done $0x0  }
.LBB2_4:
0x44: {  	s25 =	sshra.s32 s23, $0x2  }
0x45: {  	[sflag:s18] =	ssyncadd.s32 $0xFFFFC180;
	s23 =	smov.u32 s24;
	s26 =	sadd.s32 $0x400, s24  }
0x46: {  	[tilespmem:s19], [sflag:$0x1] =	stream.indirect.gather [hbm4b:s4+s20], $0x80, s25, s20, $0xb8;
	[tilespmem:$0x1D000] =	vst v63  }
0x47: {  	p0 =	sne.s32 s24, $0x13C00;
	_ =	swait.ge [sflag:s21], $0x3E80  }
.Ltmp1:
0x48: {  	[sflag:s21] =	ssyncset.done $0x0;
	(pc) =	sbr.rel @p0 .LBB2_4-.Ltmp1, $4  }
0x49: {  	s24 =	sadd.s32 $0x80, s25;
	[sflag:s21] =	ssyncadd.s32 $0xFFFFC180  }
0x4a: {  	[spmem:s1] =	stream.indirect.scatter.add.f32 [tilespmem:s19], [sflag:$0x2], $0x80, s24, s20, $0xb8;
	[tilespmem:$0x1D000] =	vst v63  }
0x4b: {  	_ =	swait.ge [sflag:s18], $0x3E80  }
0x4c: {  	s24 =	smov.u32 s26;
	[sflag:s18] =	ssyncset.done $0x0  }
0x4d: {  	s23 =	sshra.s32 s23, $0x2;
	[sflag:s18] =	ssyncadd.s32 $0xFFFFC180  }
0x4e: {  	[tilespmem:s19], [sflag:$0x1] =	stream.indirect.gather [hbm4b:s4+s20], $0x80, s23, s20, $0xb8;
	[tilespmem:$0x1D000] =	vst v63  }
0x4f: {  	_ =	swait.ge [sflag:s21], $0x3E80  }
0x50: {  	[sflag:s21] =	ssyncset.done $0x0  }
0x51: {  	s23 =	sadd.s32 $0x80, s23;
	[sflag:s21] =	ssyncadd.s32 $0xFFFFC180  }
0x52: {  	[spmem:s1] =	stream.indirect.scatter.add.f32 [tilespmem:s19], [sflag:$0x2], $0x80, s23, s20, $0xb8;
	[tilespmem:$0x1D000] =	vst v63  }
0x53: {  	_ =	swait.ge [sflag:s18], $0x3E80  }
0x54: {  	[sflag:s18] =	ssyncset.done $0x0  }
0x55: {  	s31 =	sshll.u32 s2, $0x6;
	s24 =	sshrl.u32 s7, $0x3;
	[sflag:s18] =	ssyncadd.s32 $0xFFFFC180  }
0x56: {  	s25 =	simm.s32 $0x0;
	s23 =	sor.u32 $0x1C02, s31;
	[bflag:$0x0] =	sbarrier.arrive $0xFFFF  }
0x57: {  	[hbm:s15], [sflag:s23] =	dma.local [spmem:s24], $0x2800  }
0x58: {  	s26 =	sand.u32 $0xFE00, s25;
	_ =	swait.ge [sflag:s18], $0x2800  }
0x59: {  	s28 =	sand.u32 $0x70, s25;
	s29 =	sshrl.u32 s26, $0x2;
	[sflag:s18] =	ssyncset.done $0x0  }
0x5a: {  	s26 =	simm.s32 $0x40;
	s28 =	sor.u32 s28, s29;
	[sflag:s18] =	ssyncadd.s32 $0xFFFFD800  }
.LBB2_6:
0x5b: {  	p0 =	sne.s32 s26, $0xF9C0  }
0x5c: {  	[tilespmem:s28+$0x5000] =	vst v0;
	s25 =	sadd.s32 $0x10, s25;
	s28 =	smov.u32 s26;
	s26 =	sadd.s32 $0x40, s26  }
.Ltmp2:
0x5d: {  	(pc) =	sbr.rel @p0 .LBB2_6-.Ltmp2, $4  }
0x5e: {  	_ = 	snop  }
0x5f: {  	s28 =	sand.u32 $0xFE00, s28  }
0x60: {  	s29 =	sand.u32 $0x70, s25;
	s28 =	sshrl.u32 s28, $0x2  }
0x61: {  	s28 =	sor.u32 s29, s28  }
0x62: {  	[tilespmem:s28+$0x5000] =	vst v0  }
0x63: {  	[spmem:s7] =	stream.linear.scatter [tilespmem:s19], [sflag:$0x2], $0x2800, $0x38;
	[tilespmem:$0x1D000] =	vst v63  }
0x64: {  	_ =	swait.ge [sflag:s18], $0x2800  }
0x65: {  	[sflag:s18] =	ssyncset.done $0x0  }
0x66: {  	[sflag:s18] =	ssyncadd.s32 $0xFFFFD800  }
0x67: {  	[spmem:s8] =	stream.linear.scatter [tilespmem:s19], [sflag:$0x2], $0x2800, $0x38;
	[tilespmem:$0x1D000] =	vst v63  }
0x68: {  	_ =	swait.ge [sflag:s18], $0x2800  }
0x69: {  	[sflag:s18] =	ssyncset.done $0x0  }
0x6a: {  	[sflag:s18] =	ssyncadd.s32 $0xFFFFD800  }
0x6b: {  	[spmem:s9] =	stream.linear.scatter [tilespmem:s19], [sflag:$0x2], $0x2800, $0x38;
	[tilespmem:$0x1D000] =	vst v63  }
0x6c: {  	_ =	swait.ge [sflag:s18], $0x2800  }
0x6d: {  	[sflag:s18] =	ssyncset.done $0x0  }
0x6e: {  	[sflag:s18] =	ssyncadd.s32 $0xFFFFD800  }
0x6f: {  	[spmem:s10] =	stream.linear.scatter [tilespmem:s19], [sflag:$0x2], $0x2800, $0x38;
	[tilespmem:$0x1D000] =	vst v63  }
0x70: {  	_ =	swait.ge [sflag:s18], $0x2800  }
0x71: {  	[sflag:s18] =	ssyncset.done $0x0  }
0x72: {  	[sflag:s18] =	ssyncadd.s32 $0xFFFFD800  }
0x73: {  	[spmem:s11] =	stream.linear.scatter [tilespmem:s19], [sflag:$0x2], $0x2800, $0x38;
	[tilespmem:$0x1D000] =	vst v63  }
0x74: {  	_ =	swait.ge [sflag:s18], $0x2800  }
0x75: {  	[sflag:s18] =	ssyncset.done $0x0  }
0x76: {  	[sflag:s18] =	ssyncadd.s32 $0xFFFFD800  }
0x77: {  	[spmem:s12] =	stream.linear.scatter [tilespmem:s19], [sflag:$0x2], $0x2800, $0x38;
	[tilespmem:$0x1D000] =	vst v63  }
0x78: {  	_ =	swait.ge [sflag:s18], $0x2800  }
0x79: {  	[sflag:s18] =	ssyncset.done $0x0  }
0x7a: {  	[sflag:s18] =	ssyncadd.s32 $0xFFFFD800  }
0x7b: {  	[spmem:s13] =	stream.linear.scatter [tilespmem:s19], [sflag:$0x2], $0x2800, $0x38;
	[tilespmem:$0x1D000] =	vst v63  }
0x7c: {  	_ =	swait.ge [sflag:s18], $0x2800  }
0x7d: {  	[sflag:s18] =	ssyncset.done $0x0  }
0x7e: {  	[sflag:s18] =	ssyncadd.s32 $0xFFFFD800  }
0x7f: {  	[spmem:s14] =	stream.linear.scatter [tilespmem:s19], [sflag:$0x2], $0x2800, $0x38;
	[tilespmem:$0x1D000] =	vst v63  }
0x80: {  	_ =	swait.ge [sflag:s18], $0x2800  }
0x81: {  	[sflag:s18] =	ssyncset.done $0x0  }
0x82: {  	[sflag:s18] =	ssyncadd.s32 $0xFFFFD800  }
0x83: {  	s25 =	simm.s32 $0x0;
	[bflag:$0x0] =	sbarrier.arrive $0xFFFF  }
0x84: {  	[tilespmem:s19], [sflag:$0x1] =	stream.indirect.gather [hbm4b:s5+s20], $0x80, s25, s20, $0xb8;
	[tilespmem:$0x1D000] =	vst v63  }
0x85: {  	_ =	swait.ge [sflag:s21], $0x3E80  }
0x86: {  	[sflag:s21] =	ssyncset.done $0x0  }
0x87: {  	s31 =	simm.s32 $0x80;
	[sflag:s21] =	ssyncadd.s32 $0xFFFFC180  }
0x88: {  	[spmem:s1] =	stream.indirect.scatter.add.f32 [tilespmem:s19], [sflag:$0x2], $0x80, s31, s20, $0xb8;
	[tilespmem:$0x1D000] =	vst v63  }
0x89: {  	_ =	swait.ge [sflag:s18], $0x3E80  }
0x8a: {  	s26 =	simm.s32 $0x800;
	s25 =	simm.s32 $0x400;
	[sflag:s18] =	ssyncset.done $0x0  }
.LBB2_8:
0x8b: {  	s28 =	sshra.s32 s25, $0x2  }
0x8c: {  	[sflag:s18] =	ssyncadd.s32 $0xFFFFC180;
	s25 =	smov.u32 s26;
	s29 =	sadd.s32 $0x400, s26  }
0x8d: {  	[tilespmem:s19], [sflag:$0x1] =	stream.indirect.gather [hbm4b:s5+s20], $0x80, s28, s20, $0xb8;
	[tilespmem:$0x1D000] =	vst v63  }
0x8e: {  	p0 =	sne.s32 s26, $0x13C00;
	_ =	swait.ge [sflag:s21], $0x3E80  }
.Ltmp3:
0x8f: {  	[sflag:s21] =	ssyncset.done $0x0;
	(pc) =	sbr.rel @p0 .LBB2_8-.Ltmp3, $4  }
0x90: {  	s26 =	sadd.s32 $0x80, s28;
	[sflag:s21] =	ssyncadd.s32 $0xFFFFC180  }
0x91: {  	[spmem:s1] =	stream.indirect.scatter.add.f32 [tilespmem:s19], [sflag:$0x2], $0x80, s26, s20, $0xb8;
	[tilespmem:$0x1D000] =	vst v63  }
0x92: {  	_ =	swait.ge [sflag:s18], $0x3E80  }
0x93: {  	s26 =	smov.u32 s29;
	[sflag:s18] =	ssyncset.done $0x0  }
0x94: {  	s25 =	sshra.s32 s25, $0x2;
	[sflag:s18] =	ssyncadd.s32 $0xFFFFC180  }
0x95: {  	[tilespmem:s19], [sflag:$0x1] =	stream.indirect.gather [hbm4b:s5+s20], $0x80, s25, s20, $0xb8;
	[tilespmem:$0x1D000] =	vst v63  }
0x96: {  	_ =	swait.ge [sflag:s21], $0x3E80  }
0x97: {  	[sflag:s21] =	ssyncset.done $0x0  }
0x98: {  	s25 =	sadd.s32 $0x80, s25;
	[sflag:s21] =	ssyncadd.s32 $0xFFFFC180  }
0x99: {  	[spmem:s1] =	stream.indirect.scatter.add.f32 [tilespmem:s19], [sflag:$0x2], $0x80, s25, s20, $0xb8;
	[tilespmem:$0x1D000] =	vst v63  }
0x9a: {  	_ =	swait.ge [sflag:s18], $0x3E80  }
0x9b: {  	s22 =	sadd.s32 $0x1, s22;
	[sflag:s18] =	ssyncset.done $0x0  }
0x9c: {  	p0 =	sne.s32 s22, s17;
	[sflag:s18] =	ssyncadd.s32 $0xFFFFC180  }
.Ltmp4:
0x9d: {  	[bflag:$0x0] =	sbarrier.arrive $0xFFFF;
	(pc) =	sbr.rel @p0 .LBB2_1-.Ltmp4, $4  }
0x9e: {  	[hbm:s16], [sflag:s23] =	dma.local [spmem:s24], $0x2800  }
0x9f: {  	_ =	swait.ge [sflag:s18], $0x2800  }
0xa0: {  	[sflag:s18] =	ssyncset.done $0x0  }
0xa1: {  	[sflag:s18] =	ssyncadd.s32 $0xFFFFD800  }
0xa2: {  	_ =	sfence.sel $0x180000  }
0xa3: {  	[bflag:$0x0] =	sbarrier.arrive $0xFFFF  }
0xa4: {  	p0 =	sne.s32 s2, $0x0;
	_ =	strace $0x9000004D  }
0xa5: {  	s0 =	sadd.s32 @!p0 $0x100000, s0;
	[bflag:$0x2] =	sbarrier.arrive $0xFFFF  }
0xa6: {  	[sflag:s0] =	ssyncadd.tile.s32 @!p0 $0x1;
	_ =	shalt  }
.Lfunc_end2:
_tile_overlayer_lowered:
.L_overlay_start_2:
0xa7: {  	(tag) =	ssettag $0x2  }
0xa8: {  	s0 =	rddreg [dreg:$0x0];
	s2 =	stileid.u32  }
0xa9: {  	s1 =	rddreg [dreg:$0x1];
	p0 =	sne.s32 s2, $0x0  }
0xaa: {  	s3 =	rddreg [dreg:$0x2];
	[bflag:$0x3] =	sbarrier.arrive $0xFFFF;
	s2 =	simm.s32 @!p0 $0x1C02  }
0xab: {  	[timem:s3], [sflag:s2] =	dma.local @!p0 [hbm:s0], s1  }
0xac: {  	s0 =	simm.s32 @!p0 $0x2  }
0xad: {  	_ =	swait.ge @!p0 [sflag:s0], s1  }
0xae: {  	s1 =	ssub.s32 @!p0 $0x0, s1;
	[sflag:s0] =	ssyncset.done @!p0 $0x0  }
0xaf: {  	[sflag:s0] =	ssyncadd.s32 @!p0 s1  }
0xb0: {  	[bflag:$0x3] =	sbarrier.arrive $0xFFFF  }
0xb1: {  	_ =	shalt  }

// kernel: kernel.9.cloned.1.call-start
scs
__scs_entry_jumppad:
0x0: {  	(pc) =	sbr.rel $0x88, $3  }
0x1: {  	(tag) =	ssettag $0x0;
	lr =	simm.s32 $0x1  }
0x2: {  	[smem:$0x3F94] =	sst lr;
	_ =	strace $0xD0000000  }
0x3: {  	_ = 	snop  }
0x4: {  	_ = 	snop  }
0x5: {  	_ = 	snop  }
0x6: {  	_ = 	snop  }
0x7: {  	_ = 	snop  }
__scs_overlays_trampoline_lowered:
0x8: {  	[smem:$0x3FA3] =	sst s0  }
0x9: {  	[smem:$0x3FA4] =	sst s1  }
0xa: {  	[smem:$0x3FA5] =	sst s2  }
0xb: {  	[smem:$0x3FA6] =	sst s3  }
0xc: {  	[smem:$0x3FA7] =	sst s4  }
0xd: {  	[smem:$0x3FA8] =	sst s5  }
0xe: {  	[smem:$0x3FA9] =	sst s6  }
0xf: {  	[smem:$0x3FAA] =	sst s7  }
0x10: {  	[smem:$0x3FAB] =	sst s8  }
0x11: {  	[smem:$0x3FAC] =	sst s9;
	s0 =	simm.s32 @!p0 $0x0  }
0x12: {  	s1 =	sld [smem:$0x3F92];
	s0 =	simm.s32 @p0 $0x1  }
0x13: {  	[smem:$0x3FAD] =	sst s0;
	s0 =	simm.s32 @!p1 $0x0  }
0x14: {  	s2 =	sld [smem:$0x3F91];
	s0 =	simm.s32 @p1 $0x1  }
0x15: {  	[smem:$0x3FAE] =	sst s0;
	s0 =	simm.s32 @!p2 $0x0  }
0x16: {  	s3 =	sld [smem:$0x3FDB];
	s0 =	simm.s32 @p2 $0x1  }
0x17: {  	s4 =	simm.s32 $0x1BF5;
	[smem:$0x3FB0] =	sst s0  }
0x18: {  	s0 =	sld [smem:$0x3F93];
	_ =	swait.ge [sflag:s4], $0x0  }
0x19: {  	s7 =	sld [smem:$0x3F94]  }
0x1a: {  	s8 =	sadd.s32 $0xFFFFE003, lr  }
0x1b: {  	s9 =	sadd.s32 $0xFFFFFEF7, lr;
	s5 =	simm.s32 $0xFFFFFFFF;
	p2 =	slt.u32 s8, $0xFFFFF086  }
0x1c: {  	p1 =	slt.u32 s9, $0xF7A;
	s5 =	simm.s32 @!p2 $0x0  }
0x1d: {  	s5 =	simm.s32 @p1 $0x1;
	p0 =	seq.s32 s7, s2  }
0x1e: {  	s7 =	smul.u32 @!p0 $0xF7A, s2;
	p2 =	seq.s32 @!p0 s5, $0x0  }
0x1f: {  	s9 =	smul.u32 $0xF7A, s1;
	s8 =	simm.s32 @!p0 $0x1BF5;
	p2 =	por !p2, p0  }
0x20: {  	[sflag:s8] =	ssyncset.s32 @!p0 $0xFFFFF086;
	s6 =	sadd.s32 @!p0 s3, s7;
	s7 =	simm.s32 @!p0 $0x108  }
0x21: {  	s3 =	sadd.s32 s3, s9;
	s6 =	sadd.s32 @!p0 $0x88, s6;
	s7 =	simm.s32 @p2 $0x1082  }
0x22: {  	[simem:s7], [sflag:s8] =	dma.local @!p0 [hbm:s6], $0xF7A  }
0x23: {  	s9 =	sor.u32 $0xD0000000, s2;
	s6 =	simm.s32 $0x108;
	_ =	swait.ge @!p0 [sflag:s8], $0x0  }
0x24: {  	s3 =	sadd.s32 $0x88, s3;
	s6 =	simm.s32 @!p1 $0x1082;
	[sflag:s4] =	ssyncset.s32 $0xFFFFF086  }
0x25: {  	[simem:s6], [sflag:s4] =	dma.local [hbm:s3], $0xF7A  }
0x26: {  	[smem:$0x3F94] =	sst s1;
	(tag) =	ssettag s2;
	_ =	strace s9  }
0x27: {  	s1 =	sld [smem:$0x3FA4]  }
0x28: {  	s2 =	sld [smem:$0x3FA5]  }
0x29: {  	s4 =	sld [smem:$0x3FA7]  }
0x2a: {  	p0 =	seq.s32 s5, $0x0;
	s5 =	sld [smem:$0x3FA8]  }
0x2b: {  	s6 =	sld [smem:$0x3FA9]  }
0x2c: {  	s7 =	sld [smem:$0x3FAA]  }
0x2d: {  	s3 =	simm.s32 $0x108;
	s8 =	sld [smem:$0x3FAB]  }
0x2e: {  	s3 =	simm.s32 @!p0 $0x1082;
	s9 =	sld [smem:$0x3FAC]  }
0x2f: {  	lr =	sadd.s32 s0, s3;
	s0 =	sld [smem:$0x3FA3]  }
0x30: {  	s3 =	sld [smem:$0x3FA6]  }
0x31: {  	[smem:$0x3FAF] =	sst s10  }
0x32: {  	s10 =	sld [smem:$0x3FAD];
	_ =	sdelay $0x3  }
0x33: {  	p0 =	seq.s32 s10, $0x1;
	s10 =	sld [smem:$0x3FAF];
	_ =	sdelay $0x3  }
0x34: {  	[smem:$0x3FAF] =	sst s10  }
0x35: {  	s10 =	sld [smem:$0x3FAE];
	_ =	sdelay $0x3  }
0x36: {  	p1 =	seq.s32 s10, $0x1;
	s10 =	sld [smem:$0x3FAF];
	_ =	sdelay $0x3  }
0x37: {  	[smem:$0x3FAF] =	sst s10  }
0x38: {  	s10 =	sld [smem:$0x3FB0]  }
0x39: {  	_ = 	snop;
	(pc) =	sbr.ind lr, $3  }
0x3a: {  	_ = 	snop  }
0x3b: {  	_ = 	snop  }
0x3c: {  	p2 =	seq.s32 s10, $0x1;
	s10 =	sld [smem:$0x3FAF]  }
0x3d: {  	_ =	shalt  }
0x3e: {  	_ =	shalt  }
0x3f: {  	_ =	shalt  }
0x40: {  	_ =	shalt  }
0x41: {  	_ =	shalt  }
0x42: {  	_ =	shalt  }
0x43: {  	_ =	shalt  }
0x44: {  	_ =	shalt  }
0x45: {  	_ =	shalt  }
0x46: {  	_ =	shalt  }
0x47: {  	_ =	shalt  }
0x48: {  	_ =	shalt  }
0x49: {  	_ =	shalt  }
0x4a: {  	_ =	shalt  }
0x4b: {  	_ =	shalt  }
0x4c: {  	_ =	shalt  }
0x4d: {  	_ =	shalt  }
0x4e: {  	_ =	shalt  }
0x4f: {  	_ =	shalt  }
0x50: {  	_ =	shalt  }
0x51: {  	_ =	shalt  }
0x52: {  	_ =	shalt  }
0x53: {  	_ =	shalt  }
0x54: {  	_ =	shalt  }
0x55: {  	_ =	shalt  }
0x56: {  	_ =	shalt  }
0x57: {  	_ =	shalt  }
0x58: {  	_ =	shalt  }
0x59: {  	_ =	shalt  }
0x5a: {  	_ =	shalt  }
0x5b: {  	_ =	shalt  }
0x5c: {  	_ =	shalt  }
0x5d: {  	_ =	shalt  }
0x5e: {  	_ =	shalt  }
0x5f: {  	_ =	shalt  }
0x60: {  	_ =	shalt  }
0x61: {  	_ =	shalt  }
0x62: {  	_ =	shalt  }
0x63: {  	_ =	shalt  }
0x64: {  	_ =	shalt  }
0x65: {  	_ =	shalt  }
0x66: {  	_ =	shalt  }
0x67: {  	_ =	shalt  }
0x68: {  	_ =	shalt  }
0x69: {  	_ =	shalt  }
0x6a: {  	_ =	shalt  }
0x6b: {  	_ =	shalt  }
0x6c: {  	_ =	shalt  }
0x6d: {  	_ =	shalt  }
0x6e: {  	_ =	shalt  }
0x6f: {  	_ =	shalt  }
0x70: {  	_ =	shalt  }
0x71: {  	_ =	shalt  }
0x72: {  	_ =	shalt  }
0x73: {  	_ =	shalt  }
0x74: {  	_ =	shalt  }
0x75: {  	_ =	shalt  }
0x76: {  	_ =	shalt  }
0x77: {  	_ =	shalt  }
0x78: {  	_ =	shalt  }
0x79: {  	_ =	shalt  }
0x7a: {  	_ =	shalt  }
0x7b: {  	_ =	shalt  }
0x7c: {  	_ =	shalt  }
0x7d: {  	_ =	shalt  }
0x7e: {  	_ =	shalt  }
0x7f: {  	_ =	shalt  }
0x80: {  	_ =	shalt  }
0x81: {  	_ =	shalt  }
0x82: {  	_ =	shalt  }
0x83: {  	_ =	shalt  }
0x84: {  	_ =	shalt  }
0x85: {  	_ =	shalt  }
0x86: {  	_ =	shalt  }
0x87: {  	_ =	shalt  }
.Lfunc_end0:
.L_simem_size_0:
called_computation_lowered:
.L_overlay_start_0:
0x88: {  	s2 =	sld [smem:$0x3FD9]  }
0x89: {  	s3 =	sld [smem:$0x3FFE];
	_ =	sdelay $0x1  }
0x8a: {  	s1 =	srdreg.scid  }
0x8b: {  	s0 =	sand.u32 $0x1, s1  }
0x8c: {  	s16 =	sshll.u32 s0, $0xA;
	s2 =	sadd.s32 s3, s2  }
0x8d: {  	s2 =	sadd.s32 s2, s16  }
0x8e: {  	[smem:$0x3FBB] =	sst s2  }
0x8f: {  	_ = 	snop  }
0x90: {  	(tm) =	ssettm $0x1  }
0x91: {  	s17 =	sld [smem:$0x3FFB];
	_ =	sdelay $0x3  }
0x92: {  	_ =	strace s17  }
0x93: {  	s2 =	sld [smem:$0x3FFC];
	_ =	sdelay $0x3  }
0x94: {  	_ =	strace s2  }
0x95: {  	s2 =	sld [smem:$0x3FFD];
	_ =	sdelay $0x3  }
0x96: {  	_ =	strace s2  }
0x97: {  	_ =	strace $0x8FFFFFFF  }
0x98: {  	s18 =	sld [smem:$0x3FDB];
	_ =	sdelay $0x1  }
0x99: {  	s19 =	simm.s32 $_scs_section_size  }
0x9a: {  	s4 =	simm.s32 $_size__tile_overlayer_lowered;
	s5 =	simm.s32 $_tile_overlayer_lowered  }
0x9b: {  	s22 =	simm.s32 $0x1BFF;
	s21 =	sshll.u32 s5, $0x1;
	s2 =	sadd.s32 s19, s18  }
0x9c: {  	s6 =	simm.s32 $0x0;
	s20 =	sshll.u32 s4, $0x1;
	s4 =	sadd.s32 s21, s2  }
0x9d: {  	[timem:s6], [sflag:s22] =	dma.local [hbm:s4], s20  }
0x9e: {  	_ =	swait.ge [sflag:s22], s20  }
0x9f: {  	s3 =	ssub.s32 $0x0, s20;
	[sflag:s22] =	ssyncset.done $0x0  }
0xa0: {  	[sflag:s22] =	ssyncadd.s32 s3;
	_ =	sdelay $0x1  }
0xa1: {  	s23 =	simm.s32 $0x1B8B  }
0xa2: {  	_ =	swait.ge [sflag:s23], $0x1  }
0xa3: {  	[sflag:s23] =	ssyncset.done $0x0  }
0xa4: {  	s25 =	simm.s32 $0x1B8E;
	s24 =	sld [smem:$0x3FFE];
	[sflag:s23] =	ssyncadd.s32 $0xFFFFFFFF  }
0xa5: {  	s26 =	simm.s32 $execute0_lowered;
	[smem:$0x3FD2] =	sst s25  }
0xa6: {  	s4 =	sshll.u32 s26, $0x1;
	_ =	strace $0x80000046;
	[dreg:$0x1] =	wrdreg $0xFFFFFFFF  }
0xa7: {  	s28 =	simm.s32 $_size_execute0_lowered;
	s2 =	sadd.s32 s2, s4;
	[dreg:$0x0] =	wrdreg $0x0  }
0xa8: {  	s4 =	sshll.u32 s28, $0x1;
	[dreg:$0x2] =	wrdreg s2  }
0xa9: {  	[dreg:$0x3] =	wrdreg s4  }
0xaa: {  	[dreg:$0x4] =	wrdreg $0xC0  }
0xab: {  	_ =	task [dreg:s6], $0x5FFFF  }
0xac: {  	[dreg:$0x1] =	wrdreg $0xFFFFFFFF  }
0xad: {  	[dreg:$0x0] =	wrdreg $0x60  }
0xae: {  	[dreg:$0x2] =	wrdreg s24  }
0xaf: {  	[dreg:$0x3] =	wrdreg $0x2A800  }
0xb0: {  	[dreg:$0x4] =	wrdreg $0x9  }
0xb1: {  	_ =	task.clear_ibuf [dreg:s6], $0x5FFFF;
	_ =	strace $0x90000046  }
0xb2: {  	s29 =	simm.s32 $0x9;
	_ =	strace $0x80000048  }
0xb3: {  	_ =	swait.ge [sflag:s29], $0x1  }
0xb4: {  	[sflag:s29] =	ssyncadd.s32 $0xFFFFFFFF  }
0xb5: {  	_ =	strace $0x90000048  }
0xb6: {  	_ =	sfence  }
0xb7: {  	s30 =	sld [smem:$0x0];
	_ =	sdelay $0x2  }
0xb8: {  	s31 =	sshll.u32 s1, $0xD;
	s1 =	sshrl.u32 s1, $0x2  }
0xb9: {  	s3 =	sand.u32 $0x4000, s31;
	s1 =	sadd.s32 s1, s30  }
0xba: {  	s0 =	sor.u32 s3, s0;
	s1 =	sshll.u32 s1, $0x11  }
0xbb: {  	s0 =	sor.u32 s1, s0  }
0xbc: {  	s0 =	sadd.s32 $0x8F2B, s0  }
0xbd: {  	[sflag:s0] =	ssyncadd.remote.s32 $0x1  }
0xbe: {  	_ =	sfence.sel $0xFFFF  }
0xbf: {  	[dreg:$0x0] =	wrdreg $0xFFFFFFFF;
	(pc) =	sbr.abs _section_cstart, $3  }
0xc0: {  	[dreg:$0x1] =	wrdreg $0xFFFFFFFF  }
0xc1: {  	_ =	task.clear_ibuf [dreg:s6], $0x2FFFF;
	_ =	strace $0x9FFFFFFF  }
0xc2: {  	(tm) =	ssettm $0x7FFFFFFF  }
0xc3: {  	_ =	shalt  }
tec
execute0_lowered:
.L_overlay_start_1:
0x0: {  	(tag) =	ssettag $0x1  }
0x1: {  	s5 =	rddreg [dreg:$0x0]  }
0x2: {  	s0 =	srdreg.scid;
	s2 =	rddreg [dreg:$0x1]  }
0x3: {  	s3 =	simm.s32 $0x0;
	s10 =	simm.s32 $0x7D;
	s13 =	simm.s32 $0x20  }
0x4: {  	s14 =	simm.s32 $0x10;
	s4 =	sand.u32 $0x1, s0;
	s0 =	stileid.u32  }
0x5: {  	s15 =	simm.s32 $0x0;
	[smem:$0x7FF] =	sst s3;
	s7 =	smul.u32 $0x500, s0  }
0x6: {  	s1 =	sshll.u32 s4, $0x4;
	s8 =	sshll.u32 s4, $0x7;
	s9 =	smul.u32 $0xA00, s0  }
0x7: {  	s4 =	ssub.s32 $0x2, s4;
	s11 =	sshll.u32 s0, $0x6;
	s6 =	sor.u32 s0, s1  }
0x8: {  	s1 =	rddreg [dreg:$0x2];
	_ =	strace $0x80000047;
	s31 =	sshrl.u32 s4, $0x1  }
0x9: {  	s11 =	sor.u32 $0x1C01, s11;
	s6 =	smul.u32 $0x500, s6;
	s7 =	sor.u32 s8, s7  }
0xa: {  	s9 =	sshrl.u32 s9, $0x2;
	s8 =	ssub.s32 s4, s31;
	s7 =	sshrl.u32 s7, $0x3  }
0xb: {  	s4 =	sadd.s32 s9, s2;
	s9 =	simm.s32 $0x1;
	s6 =	sadd.s32 s6, s5  }
0xc: {  	s7 =	sadd.s32 s7, s5;
	s12 =	sshrl.u32 s4, $0x3;
	s5 =	sadd.s32 $0x4200, s6  }
0xd: {  	v0 =	vimm.f32 $0.0e+00;
	v1 =	vimm.f32 $1.000000000e+00;
	s6 =	sadd.s32 $0xE200, s7;
	s7 =	smax.u32 s8, $0x1;
	s8 =	simm.s32 $0x2800  }
.LBB2_1:
0xe: {  	[tilespmem:$0x2800] =	vst v0  }
0xf: {  	[tilespmem:$0x2810] =	vst v0  }
0x10: {  	[tilespmem:$0x2820] =	vst v0  }
0x11: {  	[tilespmem:$0x2830] =	vst v0  }
0x12: {  	[tilespmem:$0x2840] =	vst v0  }
0x13: {  	[tilespmem:$0x2850] =	vst v0  }
0x14: {  	[tilespmem:$0x2860] =	vst v0  }
0x15: {  	[tilespmem:$0x2870] =	vst v0  }
0x16: {  	[tilespmem:$0x2880] =	vst v0  }
0x17: {  	[tilespmem:$0x2890] =	vst v0  }
0x18: {  	[tilespmem:$0x28A0] =	vst v0  }
0x19: {  	[tilespmem:$0x28B0] =	vst v0  }
0x1a: {  	[tilespmem:$0x28C0] =	vst v0  }
0x1b: {  	[tilespmem:$0x28D0] =	vst v0  }
0x1c: {  	[tilespmem:$0x28E0] =	vst v0  }
0x1d: {  	[tilespmem:$0x28F0] =	vst v0  }
0x1e: {  	[tilespmem:$0x2900] =	vst v0  }
0x1f: {  	[tilespmem:$0x2910] =	vst v0  }
0x20: {  	[tilespmem:$0x2920] =	vst v0  }
0x21: {  	[tilespmem:$0x2930] =	vst v0  }
0x22: {  	[tilespmem:$0x2940] =	vst v0  }
0x23: {  	[tilespmem:$0x2950] =	vst v0  }
0x24: {  	[tilespmem:$0x2960] =	vst v0  }
0x25: {  	[tilespmem:$0x2970] =	vst v0  }
0x26: {  	[tilespmem:$0x2980] =	vst v0  }
0x27: {  	[tilespmem:$0x2990] =	vst v0  }
0x28: {  	[tilespmem:$0x29A0] =	vst v0  }
0x29: {  	[tilespmem:$0x29B0] =	vst v0  }
0x2a: {  	[tilespmem:$0x29C0] =	vst v0  }
0x2b: {  	[tilespmem:$0x29D0] =	vst v0  }
0x2c: {  	[tilespmem:$0x29E0] =	vst v0  }
0x2d: {  	[tilespmem:$0x29F0] =	vst v0  }
0x2e: {  	[tilespmem:$0x2A00] =	vst v0  }
0x2f: {  	[tilespmem:$0x2A10] =	vst v0  }
0x30: {  	[tilespmem:$0x2A20] =	vst v0  }
0x31: {  	[tilespmem:$0x2A30] =	vst v0  }
0x32: {  	[tilespmem:$0x2A40] =	vst v0  }
0x33: {  	[tilespmem:$0x2A50] =	vst v0  }
0x34: {  	[tilespmem:$0x2A60] =	vst v0  }
0x35: {  	[tilespmem:$0x2A70] =	vst v0  }
0x36: {  	[spmem:s4] =	stream.linear.scatter [tilespmem:s8], [sflag:$0x1], $0x280, $0x38;
	[tilespmem:$0x2D00] =	vst v63  }
0x37: {  	_ =	swait.ge [sflag:s9], $0x280  }
0x38: {  	[sflag:s9] =	ssyncset.done $0x0  }
0x39: {  	[sflag:s9] =	ssyncadd.s32 $0xFFFFFD80  }
0x3a: {  	[tilespmem:s3], [sflag:$0x1] =	stream.linear.gather [hbm4b:s5+s3], $0x2800, $0x38;
	[tilespmem:$0x2D00] =	vst v63  }
0x3b: {  	_ =	swait.ge [sflag:s9], $0x2800  }
0x3c: {  	[sflag:s9] =	ssyncset.done $0x0  }
0x3d: {  	[sflag:s9] =	ssyncadd.s32 $0xFFFFD800  }
0x3e: {  	[tilespmem:$0x2800] =	vst v1  }
0x3f: {  	[tilespmem:$0x2810] =	vst v1  }
0x40: {  	[tilespmem:$0x2820] =	vst v1  }
0x41: {  	[tilespmem:$0x2830] =	vst v1  }
0x42: {  	[tilespmem:$0x2840] =	vst v1  }
0x43: {  	[tilespmem:$0x2850] =	vst v1  }
0x44: {  	[tilespmem:$0x2860] =	vst v1  }
0x45: {  	[tilespmem:$0x2870] =	vst v1  }
0x46: {  	[tilespmem:$0x2880] =	vst v1  }
0x47: {  	[tilespmem:$0x2890] =	vst v1  }
0x48: {  	[tilespmem:$0x28A0] =	vst v1  }
0x49: {  	[tilespmem:$0x28B0] =	vst v1  }
0x4a: {  	[tilespmem:$0x28C0] =	vst v1  }
0x4b: {  	[tilespmem:$0x28D0] =	vst v1  }
0x4c: {  	[tilespmem:$0x28E0] =	vst v1  }
0x4d: {  	[tilespmem:$0x28F0] =	vst v1  }
0x4e: {  	[tilespmem:$0x2900] =	vst v1  }
0x4f: {  	[tilespmem:$0x2910] =	vst v1  }
0x50: {  	[tilespmem:$0x2920] =	vst v1  }
0x51: {  	[tilespmem:$0x2930] =	vst v1  }
0x52: {  	[tilespmem:$0x2940] =	vst v1  }
0x53: {  	[tilespmem:$0x2950] =	vst v1  }
0x54: {  	[tilespmem:$0x2960] =	vst v1  }
0x55: {  	[tilespmem:$0x2970] =	vst v1  }
0x56: {  	[tilespmem:$0x2980] =	vst v1  }
0x57: {  	[tilespmem:$0x2990] =	vst v1  }
0x58: {  	[tilespmem:$0x29A0] =	vst v1  }
0x59: {  	[tilespmem:$0x29B0] =	vst v1  }
0x5a: {  	[tilespmem:$0x29C0] =	vst v1  }
0x5b: {  	[tilespmem:$0x29D0] =	vst v1  }
0x5c: {  	[tilespmem:$0x29E0] =	vst v1  }
0x5d: {  	[tilespmem:$0x29F0] =	vst v1  }
0x5e: {  	[tilespmem:$0x2A00] =	vst v1  }
0x5f: {  	[tilespmem:$0x2A10] =	vst v1  }
0x60: {  	[tilespmem:$0x2A20] =	vst v1  }
0x61: {  	[tilespmem:$0x2A30] =	vst v1  }
0x62: {  	[tilespmem:$0x2A40] =	vst v1  }
0x63: {  	[tilespmem:$0x2A50] =	vst v1  }
0x64: {  	[tilespmem:$0x2A60] =	vst v1  }
0x65: {  	[tilespmem:$0x2A70] =	vst v1  }
0x66: {  	s16 =	simm.s32 $0x0;
	[bflag:$0x0] =	sbarrier.arrive $0xFFFF  }
0x67: {  	[spmem:s2] =	stream.indirect.scatter.add.f32 [tilespmem:s8], [sflag:$0x1], $0x1, s16, s10, $0xb8;
	[tilespmem:$0x2D00] =	vst v63  }
0x68: {  	_ =	swait.ge [sflag:s9], $0x7D  }
0x69: {  	s16 =	simm.s32 $0x200;
	[sflag:s9] =	ssyncset.done $0x0  }
.LBB2_2:
0x6a: {  	s17 =	sshra.s32 s16, $0x2;
	[sflag:s9] =	ssyncadd.s32 $0xFFFFFF83;
	p0 =	sne.s32 s16, $0x9E00  }
0x6b: {  	[spmem:s2] =	stream.indirect.scatter.add.f32 [tilespmem:s8], [sflag:$0x1], $0x1, s17, s10, $0xb8;
	[tilespmem:$0x2D00] =	vst v63  }
.Ltmp0:
0x6c: {  	_ = 	snop;
	(pc) =	sbr.rel @p0 .LBB2_2-.Ltmp0, $4  }
0x6d: {  	_ = 	snop  }
0x6e: {  	s16 =	sadd.s32 $0x200, s16  }
0x6f: {  	_ =	swait.ge [sflag:s9], $0x7D  }
0x70: {  	[sflag:s9] =	ssyncset.done $0x0  }
0x71: {  	s15 =	sadd.s32 $0x1, s15  }
0x72: {  	[sflag:s9] =	ssyncadd.s32 $0xFFFFFF83;
	p0 =	sne.s32 s15, s7  }
.Ltmp1:
0x73: {  	[bflag:$0x0] =	sbarrier.arrive $0xFFFF;
	(pc) =	sbr.rel @p0 .LBB2_1-.Ltmp1, $4  }
0x74: {  	[hbm:s6@s13], [sflag:s11] =	dma.strided [spmem:s12@s14], $0x50, s9, $0x10   }
0x75: {  	_ =	swait.ge [sflag:s9], $0x50  }
0x76: {  	[sflag:s9] =	ssyncset.done $0x0  }
0x77: {  	[sflag:s9] =	ssyncadd.s32 $0xFFFFFFB0  }
0x78: {  	_ =	sfence.sel $0x180000  }
0x79: {  	[bflag:$0x0] =	sbarrier.arrive $0xFFFF  }
0x7a: {  	p0 =	sne.s32 s0, $0x0;
	_ =	strace $0x90000047  }
0x7b: {  	s0 =	sadd.s32 @!p0 $0x100000, s1;
	[bflag:$0x2] =	sbarrier.arrive $0xFFFF  }
0x7c: {  	[sflag:s0] =	ssyncadd.tile.s32 @!p0 $0x1;
	_ =	shalt  }
.Lfunc_end2:
_tile_overlayer_lowered:
.L_overlay_start_2:
0x7d: {  	(tag) =	ssettag $0x2  }
0x7e: {  	s0 =	rddreg [dreg:$0x0];
	s2 =	stileid.u32  }
0x7f: {  	s1 =	rddreg [dreg:$0x1];
	p0 =	sne.s32 s2, $0x0  }
0x80: {  	s3 =	rddreg [dreg:$0x2];
	[bflag:$0x3] =	sbarrier.arrive $0xFFFF;
	s2 =	simm.s32 @!p0 $0x1C01  }
0x81: {  	[timem:s3], [sflag:s2] =	dma.local @!p0 [hbm:s0], s1  }
0x82: {  	s0 =	simm.s32 @!p0 $0x1  }
0x83: {  	_ =	swait.ge @!p0 [sflag:s0], s1  }
0x84: {  	s1 =	ssub.s32 @!p0 $0x0, s1;
	[sflag:s0] =	ssyncset.done @!p0 $0x0  }
0x85: {  	[sflag:s0] =	ssyncadd.s32 @!p0 s1  }
0x86: {  	[bflag:$0x3] =	sbarrier.arrive $0xFFFF  }
0x87: {  	_ =	shalt  }

</sc_bundles>
